<compile_context>
chip_gen: v7x
topology: tpu7x:2x2x1
jax: 0.10.2.dev20260603
libtpu: 0.0.44.dev20260713+nightly
codegen_flags: <defaults>
</compile_context>

<pallas_src>
import functools

import jax
import jax.numpy as jnp
from jax import lax
from jax.experimental import pallas as pl
from jax.experimental.pallas import tpu as pltpu
from jax.experimental.pallas import tpu_sc as plsc

_EMBED_DIM = 32
_NBUF = 8
_LOOKAHEAD = 6
_CHUNK = 256


def _make_gather(B, F, D, num_workers):
    N = B * F
    per_w = N // num_workers
    n = per_w // _CHUNK
    assert B % _CHUNK == 0 and per_w % _CHUNK == 0
    assert n % _NBUF == 0 and n >= 3 * _NBUF
    mesh = plsc.VectorSubcoreMesh(core_axis_name="c", subcore_axis_name="s")

    @functools.partial(
        pl.kernel,
        mesh=mesh,
        out_type=jax.ShapeDtypeStruct((B, F * D), jnp.float32),
        compiler_params=pltpu.CompilerParams(use_tc_tiling_on_sc=False),
        scratch_types=(
            [pltpu.VMEM((per_w,), jnp.int32)]
            + [pltpu.VMEM((_CHUNK, D), jnp.float32) for _ in range(_NBUF)]
            + [pltpu.SemaphoreType.DMA for _ in range(2 * _NBUF)]
        ),
    )
    def gather_kernel(idx_hbm, table_hbm, out_hbm, idx_all, *bufs_and_sems):
        rows = bufs_and_sems[:_NBUF]
        gsem = bufs_and_sems[_NBUF : 2 * _NBUF]
        ssem = bufs_and_sems[2 * _NBUF :]

        num_cores = lax.axis_size("c")
        wid = lax.axis_index("s") * num_cores + lax.axis_index("c")
        base = wid * per_w

        pltpu.sync_copy(idx_hbm.at[pl.ds(base, per_w)], idx_all)

        def gather_desc(i, b):
            return pltpu.make_async_copy(
                table_hbm.at[idx_all.at[pl.ds(i * _CHUNK, _CHUNK)]],
                rows[b],
                gsem[b],
            )

        def store_desc(i, b):
            j0 = base + i * _CHUNK
            f = j0 // B
            b0 = j0 % B
            return pltpu.make_async_copy(
                rows[b],
                out_hbm.at[pl.ds(b0, _CHUNK), pl.ds(f * D, D)],
                ssem[b],
            )

        def step(i, b):
            j = i + _LOOKAHEAD
            if isinstance(j, int) and j >= n:
                pass
            else:
                bj = (b + _LOOKAHEAD) % _NBUF
                if not (isinstance(j, int) and j < _NBUF):
                    store_desc(j - _NBUF, bj).wait()
                gather_desc(j, bj).start()
            gather_desc(i, b).wait()
            store_desc(i, b).start()

        for j in range(_LOOKAHEAD):
            gather_desc(j, j % _NBUF).start()
        for i in range(_NBUF):
            step(i, i % _NBUF)

        def group(g, carry):
            for b in range(_NBUF):
                step(g * _NBUF + b, b)
            return carry

        lax.fori_loop(1, n // _NBUF - 1, group, 0)

        for i in range(n - _NBUF, n):
            step(i, i % _NBUF)
        for b in range(_NBUF):
            i = n - _NBUF + b
            store_desc(i, b).wait()

    return gather_kernel


@jax.jit
def kernel(x, W):
    Bdim, F = x.shape
    D = _EMBED_DIM
    idx = x.T.reshape(-1).astype(jnp.int32)
    out2d = _make_gather(Bdim, F, D, 32)(idx, W)
    return out2d.reshape(Bdim, F, D)

# --- scband reference (transcript-rebuilt; emitter-appended) ---
"""Pipeline reference for scband-field-embedder-10720238370980 (READ-ONLY COPY).

The authoritative reference and input builder live on the scoring server;
editing this copy changes nothing except your own understanding.
"""

import jax, jax.numpy as jnp
import numpy as np

VOCAB = 1000000
EMBED_DIM = 32
PADDING_IDX = 0

def setup_inputs(seed: int = 0) -> dict:
    key = jax.random.key(seed)
    k1, k2 = jax.random.split(key)
    x = jax.random.randint(k1, (16384, 100), 0, VOCAB, dtype=jnp.int64 if jax.config.jax_enable_x64 else jnp.int32)
    # embedding table, init normal std=0.01, padding_idx row zeroed (matches nn.Embedding with padding_idx)
    W = jax.random.normal(k2, (VOCAB, EMBED_DIM), dtype=jnp.float32) * 0.01
    W = W.at[PADDING_IDX].set(0.0)
    return {"x": x, "W": W}

def reference(x, W):
    # nn.Embedding forward: gather rows
    return jnp.take(W, x, axis=0)

if __name__ == "__main__":
    import jax
    _d = setup_inputs()
    print(jax.jit(kernel)(*tuple(_d.values())))

</pallas_src>

<mosaic_0001>
#map = affine_map<(d0, d1) -> (0)>
#map1 = affine_map<(d0, d1) -> (0, 0)>
module attributes {stable_mosaic.version = 14 : i64} {
  func.func @gather_kernel(%arg0: i32, %arg1: i32, %arg2: memref<1638400xi32, #tpu.memory_space<hbm>>, %arg3: memref<1000000x32xf32, #tpu.memory_space<hbm>>, %arg4: memref<16384x3200xf32, #tpu.memory_space<hbm>>, %arg5: memref<51200xi32, #tpu.memory_space<vmem>>, %arg6: memref<256x32xf32, #tpu.memory_space<vmem>>, %arg7: memref<256x32xf32, #tpu.memory_space<vmem>>, %arg8: memref<256x32xf32, #tpu.memory_space<vmem>>, %arg9: memref<256x32xf32, #tpu.memory_space<vmem>>, %arg10: memref<256x32xf32, #tpu.memory_space<vmem>>, %arg11: memref<256x32xf32, #tpu.memory_space<vmem>>, %arg12: memref<256x32xf32, #tpu.memory_space<vmem>>, %arg13: memref<256x32xf32, #tpu.memory_space<vmem>>, %arg14: memref<!tpu.dma_semaphore, #tpu.memory_space<semaphore_mem>>, %arg15: memref<!tpu.dma_semaphore, #tpu.memory_space<semaphore_mem>>, %arg16: memref<!tpu.dma_semaphore, #tpu.memory_space<semaphore_mem>>, %arg17: memref<!tpu.dma_semaphore, #tpu.memory_space<semaphore_mem>>, %arg18: memref<!tpu.dma_semaphore, #tpu.memory_space<semaphore_mem>>, %arg19: memref<!tpu.dma_semaphore, #tpu.memory_space<semaphore_mem>>, %arg20: memref<!tpu.dma_semaphore, #tpu.memory_space<semaphore_mem>>, %arg21: memref<!tpu.dma_semaphore, #tpu.memory_space<semaphore_mem>>, %arg22: memref<!tpu.dma_semaphore, #tpu.memory_space<semaphore_mem>>, %arg23: memref<!tpu.dma_semaphore, #tpu.memory_space<semaphore_mem>>, %arg24: memref<!tpu.dma_semaphore, #tpu.memory_space<semaphore_mem>>, %arg25: memref<!tpu.dma_semaphore, #tpu.memory_space<semaphore_mem>>, %arg26: memref<!tpu.dma_semaphore, #tpu.memory_space<semaphore_mem>>, %arg27: memref<!tpu.dma_semaphore, #tpu.memory_space<semaphore_mem>>, %arg28: memref<!tpu.dma_semaphore, #tpu.memory_space<semaphore_mem>>, %arg29: memref<!tpu.dma_semaphore, #tpu.memory_space<semaphore_mem>>) attributes {dimension_semantics = [#tpu.dimension_semantics<core_parallel>, #tpu.dimension_semantics<subcore_parallel>], iteration_bounds = array<i64: 2, 16>, scalar_prefetch = 0 : i64, scratch_operands = 25 : i64, tpu.core_type = #tpu.core_type<sc_vector_subcore>, window_params = [{transform_indices = #map}, {transform_indices = #map1}, {transform_indices = #map1}]} {
    %mul3A = arith.constant 2 : i32
    %mul3A_0 = arith.muli %arg1, %mul3A : i32
    %add3A = arith.addi %mul3A_0, %arg0 : i32
    %mul3A_1 = arith.constant 51200 : i32
    %mul3A_2 = arith.muli %add3A, %mul3A_1 : i32
    "tpu.region"() ({
      %run_scoped3A = tpu.sem_alloc : memref<!tpu.dma_semaphore, #tpu.memory_space<semaphore_mem>>
      %dma_start3A_1628 = tpu.memref_slice %arg2[%mul3A_2] : memref<1638400xi32, #tpu.memory_space<hbm>> -> memref<51200xi32, #tpu.memory_space<hbm>>
      %dma_start3A_1629 = tpu.memref_slice %arg2[%mul3A_2] : memref<1638400xi32, #tpu.memory_space<hbm>> -> memref<51200xi32, #tpu.memory_space<hbm>>
      tpu.enqueue_dma source(%dma_start3A_1629 : memref<51200xi32, #tpu.memory_space<hbm>>) target(%arg5 : memref<51200xi32, #tpu.memory_space<vmem>>) target_semaphore(%run_scoped3A : memref<!tpu.dma_semaphore, #tpu.memory_space<semaphore_mem>>)
      %dma_wait3A_1630 = tpu.memref_slice %arg2[%mul3A_2] : memref<1638400xi32, #tpu.memory_space<hbm>> -> memref<51200xi32, #tpu.memory_space<hbm>>
      %dma_wait3A_1631 = tpu.memref_slice %arg2[%mul3A_2] : memref<1638400xi32, #tpu.memory_space<hbm>> -> memref<51200xi32, #tpu.memory_space<hbm>>
      tpu.wait_dma2 semaphore(%run_scoped3A : memref<!tpu.dma_semaphore, #tpu.memory_space<semaphore_mem>>) src(%dma_wait3A_1631 : memref<51200xi32, #tpu.memory_space<hbm>>) dst(%arg5 : memref<51200xi32, #tpu.memory_space<vmem>>)
      tpu.yield
    }) : () -> ()
    %dma_start3A = arith.constant 0 : i32
    %dma_start3A_3 = tpu.memref_slice %arg5[%dma_start3A] : memref<51200xi32, #tpu.memory_space<vmem>> -> memref<256xi32, #tpu.memory_space<vmem>>
    %dma_start3A_4 = arith.constant 0 : i32
    %dma_start3A_5 = arith.constant 0 : i32
    %dma_start3A_6 = tpu.memref_slice %arg3[%dma_start3A_4, %dma_start3A_5] : memref<1000000x32xf32, #tpu.memory_space<hbm>> -> memref<1000000x32xf32, #tpu.memory_space<hbm>>
    tpu.enqueue_indirect_dma source(%dma_start3A_6 : memref<1000000x32xf32, #tpu.memory_space<hbm>>) target(%arg6 : memref<256x32xf32, #tpu.memory_space<vmem>>) offsets(%dma_start3A_3 : memref<256xi32, #tpu.memory_space<vmem>>) semaphore(%arg14 : memref<!tpu.dma_semaphore, #tpu.memory_space<semaphore_mem>>)
    %dma_start3A_7 = arith.constant 256 : i32
    %dma_start3A_8 = tpu.memref_slice %arg5[%dma_start3A_7] : memref<51200xi32, #tpu.memory_space<vmem>> -> memref<256xi32, #tpu.memory_space<vmem>>
    %dma_start3A_9 = arith.constant 0 : i32
    %dma_start3A_10 = arith.constant 0 : i32
    %dma_start3A_11 = tpu.memref_slice %arg3[%dma_start3A_9, %dma_start3A_10] : memref<1000000x32xf32, #tpu.memory_space<hbm>> -> memref<1000000x32xf32, #tpu.memory_space<hbm>>
    tpu.enqueue_indirect_dma source(%dma_start3A_11 : memref<1000000x32xf32, #tpu.memory_space<hbm>>) target(%arg7 : memref<256x32xf32, #tpu.memory_space<vmem>>) offsets(%dma_start3A_8 : memref<256xi32, #tpu.memory_space<vmem>>) semaphore(%arg15 : memref<!tpu.dma_semaphore, #tpu.memory_space<semaphore_mem>>)
    %dma_start3A_12 = arith.constant 512 : i32
    %dma_start3A_13 = tpu.memref_slice %arg5[%dma_start3A_12] : memref<51200xi32, #tpu.memory_space<vmem>> -> memref<256xi32, #tpu.memory_space<vmem>>
    %dma_start3A_14 = arith.constant 0 : i32
    %dma_start3A_15 = arith.constant 0 : i32
    %dma_start3A_16 = tpu.memref_slice %arg3[%dma_start3A_14, %dma_start3A_15] : memref<1000000x32xf32, #tpu.memory_space<hbm>> -> memref<1000000x32xf32, #tpu.memory_space<hbm>>
    tpu.enqueue_indirect_dma source(%dma_start3A_16 : memref<1000000x32xf32, #tpu.memory_space<hbm>>) target(%arg8 : memref<256x32xf32, #tpu.memory_space<vmem>>) offsets(%dma_start3A_13 : memref<256xi32, #tpu.memory_space<vmem>>) semaphore(%arg16 : memref<!tpu.dma_semaphore, #tpu.memory_space<semaphore_mem>>)
    %dma_start3A_17 = arith.constant 768 : i32
    %dma_start3A_18 = tpu.memref_slice %arg5[%dma_start3A_17] : memref<51200xi32, #tpu.memory_space<vmem>> -> memref<256xi32, #tpu.memory_space<vmem>>
    %dma_start3A_19 = arith.constant 0 : i32
    %dma_start3A_20 = arith.constant 0 : i32
    %dma_start3A_21 = tpu.memref_slice %arg3[%dma_start3A_19, %dma_start3A_20] : memref<1000000x32xf32, #tpu.memory_space<hbm>> -> memref<1000000x32xf32, #tpu.memory_space<hbm>>
    tpu.enqueue_indirect_dma source(%dma_start3A_21 : memref<1000000x32xf32, #tpu.memory_space<hbm>>) target(%arg9 : memref<256x32xf32, #tpu.memory_space<vmem>>) offsets(%dma_start3A_18 : memref<256xi32, #tpu.memory_space<vmem>>) semaphore(%arg17 : memref<!tpu.dma_semaphore, #tpu.memory_space<semaphore_mem>>)
    %dma_start3A_22 = arith.constant 1024 : i32
    %dma_start3A_23 = tpu.memref_slice %arg5[%dma_start3A_22] : memref<51200xi32, #tpu.memory_space<vmem>> -> memref<256xi32, #tpu.memory_space<vmem>>
    %dma_start3A_24 = arith.constant 0 : i32
    %dma_start3A_25 = arith.constant 0 : i32
    %dma_start3A_26 = tpu.memref_slice %arg3[%dma_start3A_24, %dma_start3A_25] : memref<1000000x32xf32, #tpu.memory_space<hbm>> -> memref<1000000x32xf32, #tpu.memory_space<hbm>>
    tpu.enqueue_indirect_dma source(%dma_start3A_26 : memref<1000000x32xf32, #tpu.memory_space<hbm>>) target(%arg10 : memref<256x32xf32, #tpu.memory_space<vmem>>) offsets(%dma_start3A_23 : memref<256xi32, #tpu.memory_space<vmem>>) semaphore(%arg18 : memref<!tpu.dma_semaphore, #tpu.memory_space<semaphore_mem>>)
    %dma_start3A_27 = arith.constant 1280 : i32
    %dma_start3A_28 = tpu.memref_slice %arg5[%dma_start3A_27] : memref<51200xi32, #tpu.memory_space<vmem>> -> memref<256xi32, #tpu.memory_space<vmem>>
    %dma_start3A_29 = arith.constant 0 : i32
    %dma_start3A_30 = arith.constant 0 : i32
    %dma_start3A_31 = tpu.memref_slice %arg3[%dma_start3A_29, %dma_start3A_30] : memref<1000000x32xf32, #tpu.memory_space<hbm>> -> memref<1000000x32xf32, #tpu.memory_space<hbm>>
    tpu.enqueue_indirect_dma source(%dma_start3A_31 : memref<1000000x32xf32, #tpu.memory_space<hbm>>) target(%arg11 : memref<256x32xf32, #tpu.memory_space<vmem>>) offsets(%dma_start3A_28 : memref<256xi32, #tpu.memory_space<vmem>>) semaphore(%arg19 : memref<!tpu.dma_semaphore, #tpu.memory_space<semaphore_mem>>)
    %dma_start3A_32 = arith.constant 1536 : i32
    %dma_start3A_33 = tpu.memref_slice %arg5[%dma_start3A_32] : memref<51200xi32, #tpu.memory_space<vmem>> -> memref<256xi32, #tpu.memory_space<vmem>>
    %dma_start3A_34 = arith.constant 0 : i32
    %dma_start3A_35 = arith.constant 0 : i32
    %dma_start3A_36 = tpu.memref_slice %arg3[%dma_start3A_34, %dma_start3A_35] : memref<1000000x32xf32, #tpu.memory_space<hbm>> -> memref<1000000x32xf32, #tpu.memory_space<hbm>>
    tpu.enqueue_indirect_dma source(%dma_start3A_36 : memref<1000000x32xf32, #tpu.memory_space<hbm>>) target(%arg12 : memref<256x32xf32, #tpu.memory_space<vmem>>) offsets(%dma_start3A_33 : memref<256xi32, #tpu.memory_space<vmem>>) semaphore(%arg20 : memref<!tpu.dma_semaphore, #tpu.memory_space<semaphore_mem>>)
    %dma_wait3A = arith.constant 0 : i32
    %dma_wait3A_37 = tpu.memref_slice %arg5[%dma_wait3A] : memref<51200xi32, #tpu.memory_space<vmem>> -> memref<256xi32, #tpu.memory_space<vmem>>
    %dma_wait3A_38 = arith.constant 0 : i32
    %dma_wait3A_39 = arith.constant 0 : i32
    %dma_wait3A_40 = tpu.memref_slice %arg3[%dma_wait3A_38, %dma_wait3A_39] : memref<1000000x32xf32, #tpu.memory_space<hbm>> -> memref<1000000x32xf32, #tpu.memory_space<hbm>>
    tpu.wait_indirect_dma semaphore(%arg14 : memref<!tpu.dma_semaphore, #tpu.memory_space<semaphore_mem>>) src(%dma_wait3A_40 : memref<1000000x32xf32, #tpu.memory_space<hbm>>) dst(%arg6 : memref<256x32xf32, #tpu.memory_space<vmem>>)
    %add3A_41 = arith.constant 0 : i32
    %add3A_42 = arith.addi %mul3A_2, %add3A_41 : i32
    %jit3A = arith.constant 16384 : i32
    %div3A = arith.divsi %add3A_42, %jit3A : i32
    %sign3A = arith.constant 0 : i32
    %sign3A_43 = arith.cmpi sgt, %add3A_42, %sign3A : i32
    %sign3A_44 = arith.extui %sign3A_43 : i1 to i32
    %sign3A_45 = arith.constant 0 : i32
    %sign3A_46 = arith.cmpi slt, %add3A_42, %sign3A_45 : i32
    %sign3A_47 = arith.extui %sign3A_46 : i1 to i32
    %sign3A_48 = arith.subi %sign3A_44, %sign3A_47 : i32
    %sign3A_49 = arith.constant 0 : i32
    %sign3A_50 = arith.cmpi sgt, %jit3A, %sign3A_49 : i32
    %sign3A_51 = arith.extui %sign3A_50 : i1 to i32
    %sign3A_52 = arith.constant 0 : i32
    %sign3A_53 = arith.cmpi slt, %jit3A, %sign3A_52 : i32
    %sign3A_54 = arith.extui %sign3A_53 : i1 to i32
    %sign3A_55 = arith.subi %sign3A_51, %sign3A_54 : i32
    %ne3A = arith.cmpi ne, %sign3A_48, %sign3A_55 : i32
    %rem3A = arith.remsi %add3A_42, %jit3A : i32
    %ne3A_56 = arith.constant 0 : i32
    %ne3A_57 = arith.cmpi ne, %rem3A, %ne3A_56 : i32
    %and3A = arith.andi %ne3A, %ne3A_57 : i1
    %sub3A = arith.constant 1 : i32
    %sub3A_58 = arith.subi %div3A, %sub3A : i32
    %select_n3A = arith.select %and3A, %sub3A_58, %div3A : i32
    %jit3A_59 = arith.constant 16384 : i32
    %eq3A = arith.constant 0 : i32
    %eq3A_60 = arith.cmpi eq, %jit3A_59, %eq3A : i32
    %jit3A_61 = arith.constant 1 : i32
    %select_n3A_62 = arith.select %eq3A_60, %jit3A_61, %jit3A_59 : i32
    %rem3A_63 = arith.remsi %add3A_42, %select_n3A_62 : i32
    %ne3A_64 = arith.constant 0 : i32
    %ne3A_65 = arith.cmpi ne, %rem3A_63, %ne3A_64 : i32
    %lt3A = arith.constant 0 : i32
    %lt3A_66 = arith.cmpi slt, %rem3A_63, %lt3A : i32
    %lt3A_67 = arith.constant 0 : i32
    %lt3A_68 = arith.cmpi slt, %select_n3A_62, %lt3A_67 : i32
    %ne3A_69 = arith.xori %lt3A_66, %lt3A_68 : i1
    %and3A_70 = arith.andi %ne3A_69, %ne3A_65 : i1
    %add3A_71 = arith.addi %rem3A_63, %select_n3A_62 : i32
    %select_n3A_72 = arith.select %and3A_70, %add3A_71, %rem3A_63 : i32
    %mul3A_73 = arith.constant 32 : i32
    %mul3A_74 = arith.muli %select_n3A, %mul3A_73 : i32
    %dma_start3A_75 = tpu.memref_slice %arg4[%select_n3A_72, %mul3A_74] : memref<16384x3200xf32, #tpu.memory_space<hbm>> -> memref<256x32xf32, #tpu.memory_space<hbm>>
    %dma_start3A_76 = tpu.memref_slice %arg4[%select_n3A_72, %mul3A_74] : memref<16384x3200xf32, #tpu.memory_space<hbm>> -> memref<256x32xf32, #tpu.memory_space<hbm>>
    tpu.enqueue_dma source(%arg6 : memref<256x32xf32, #tpu.memory_space<vmem>>) target(%dma_start3A_76 : memref<256x32xf32, #tpu.memory_space<hbm>>) target_semaphore(%arg22 : memref<!tpu.dma_semaphore, #tpu.memory_space<semaphore_mem>>)
    %dma_start3A_77 = arith.constant 1792 : i32
    %dma_start3A_78 = tpu.memref_slice %arg5[%dma_start3A_77] : memref<51200xi32, #tpu.memory_space<vmem>> -> memref<256xi32, #tpu.memory_space<vmem>>
    %dma_start3A_79 = arith.constant 0 : i32
    %dma_start3A_80 = arith.constant 0 : i32
    %dma_start3A_81 = tpu.memref_slice %arg3[%dma_start3A_79, %dma_start3A_80] : memref<1000000x32xf32, #tpu.memory_space<hbm>> -> memref<1000000x32xf32, #tpu.memory_space<hbm>>
    tpu.enqueue_indirect_dma source(%dma_start3A_81 : memref<1000000x32xf32, #tpu.memory_space<hbm>>) target(%arg13 : memref<256x32xf32, #tpu.memory_space<vmem>>) offsets(%dma_start3A_78 : memref<256xi32, #tpu.memory_space<vmem>>) semaphore(%arg21 : memref<!tpu.dma_semaphore, #tpu.memory_space<semaphore_mem>>)
    %dma_wait3A_82 = arith.constant 256 : i32
    %dma_wait3A_83 = tpu.memref_slice %arg5[%dma_wait3A_82] : memref<51200xi32, #tpu.memory_space<vmem>> -> memref<256xi32, #tpu.memory_space<vmem>>
    %dma_wait3A_84 = arith.constant 0 : i32
    %dma_wait3A_85 = arith.constant 0 : i32
    %dma_wait3A_86 = tpu.memref_slice %arg3[%dma_wait3A_84, %dma_wait3A_85] : memref<1000000x32xf32, #tpu.memory_space<hbm>> -> memref<1000000x32xf32, #tpu.memory_space<hbm>>
    tpu.wait_indirect_dma semaphore(%arg15 : memref<!tpu.dma_semaphore, #tpu.memory_space<semaphore_mem>>) src(%dma_wait3A_86 : memref<1000000x32xf32, #tpu.memory_space<hbm>>) dst(%arg7 : memref<256x32xf32, #tpu.memory_space<vmem>>)
    %add3A_87 = arith.constant 256 : i32
    %add3A_88 = arith.addi %mul3A_2, %add3A_87 : i32
    %jit3A_89 = arith.constant 16384 : i32
    %div3A_90 = arith.divsi %add3A_88, %jit3A_89 : i32
    %sign3A_91 = arith.constant 0 : i32
    %sign3A_92 = arith.cmpi sgt, %add3A_88, %sign3A_91 : i32
    %sign3A_93 = arith.extui %sign3A_92 : i1 to i32
    %sign3A_94 = arith.constant 0 : i32
    %sign3A_95 = arith.cmpi slt, %add3A_88, %sign3A_94 : i32
    %sign3A_96 = arith.extui %sign3A_95 : i1 to i32
    %sign3A_97 = arith.subi %sign3A_93, %sign3A_96 : i32
    %sign3A_98 = arith.constant 0 : i32
    %sign3A_99 = arith.cmpi sgt, %jit3A_89, %sign3A_98 : i32
    %sign3A_100 = arith.extui %sign3A_99 : i1 to i32
    %sign3A_101 = arith.constant 0 : i32
    %sign3A_102 = arith.cmpi slt, %jit3A_89, %sign3A_101 : i32
    %sign3A_103 = arith.extui %sign3A_102 : i1 to i32
    %sign3A_104 = arith.subi %sign3A_100, %sign3A_103 : i32
    %ne3A_105 = arith.cmpi ne, %sign3A_97, %sign3A_104 : i32
    %rem3A_106 = arith.remsi %add3A_88, %jit3A_89 : i32
    %ne3A_107 = arith.constant 0 : i32
    %ne3A_108 = arith.cmpi ne, %rem3A_106, %ne3A_107 : i32
    %and3A_109 = arith.andi %ne3A_105, %ne3A_108 : i1
    %sub3A_110 = arith.constant 1 : i32
    %sub3A_111 = arith.subi %div3A_90, %sub3A_110 : i32
    %select_n3A_112 = arith.select %and3A_109, %sub3A_111, %div3A_90 : i32
    %jit3A_113 = arith.constant 16384 : i32
    %eq3A_114 = arith.constant 0 : i32
    %eq3A_115 = arith.cmpi eq, %jit3A_113, %eq3A_114 : i32
    %jit3A_116 = arith.constant 1 : i32
    %select_n3A_117 = arith.select %eq3A_115, %jit3A_116, %jit3A_113 : i32
    %rem3A_118 = arith.remsi %add3A_88, %select_n3A_117 : i32
    %ne3A_119 = arith.constant 0 : i32
    %ne3A_120 = arith.cmpi ne, %rem3A_118, %ne3A_119 : i32
    %lt3A_121 = arith.constant 0 : i32
    %lt3A_122 = arith.cmpi slt, %rem3A_118, %lt3A_121 : i32
    %lt3A_123 = arith.constant 0 : i32
    %lt3A_124 = arith.cmpi slt, %select_n3A_117, %lt3A_123 : i32
    %ne3A_125 = arith.xori %lt3A_122, %lt3A_124 : i1
    %and3A_126 = arith.andi %ne3A_125, %ne3A_120 : i1
    %add3A_127 = arith.addi %rem3A_118, %select_n3A_117 : i32
    %select_n3A_128 = arith.select %and3A_126, %add3A_127, %rem3A_118 : i32
    %mul3A_129 = arith.constant 32 : i32
    %mul3A_130 = arith.muli %select_n3A_112, %mul3A_129 : i32
    %dma_start3A_131 = tpu.memref_slice %arg4[%select_n3A_128, %mul3A_130] : memref<16384x3200xf32, #tpu.memory_space<hbm>> -> memref<256x32xf32, #tpu.memory_space<hbm>>
    %dma_start3A_132 = tpu.memref_slice %arg4[%select_n3A_128, %mul3A_130] : memref<16384x3200xf32, #tpu.memory_space<hbm>> -> memref<256x32xf32, #tpu.memory_space<hbm>>
    tpu.enqueue_dma source(%arg7 : memref<256x32xf32, #tpu.memory_space<vmem>>) target(%dma_start3A_132 : memref<256x32xf32, #tpu.memory_space<hbm>>) target_semaphore(%arg23 : memref<!tpu.dma_semaphore, #tpu.memory_space<semaphore_mem>>)
    %add3A_133 = arith.constant 0 : i32
    %add3A_134 = arith.addi %mul3A_2, %add3A_133 : i32
    %jit3A_135 = arith.constant 16384 : i32
    %div3A_136 = arith.divsi %add3A_134, %jit3A_135 : i32
    %sign3A_137 = arith.constant 0 : i32
    %sign3A_138 = arith.cmpi sgt, %add3A_134, %sign3A_137 : i32
    %sign3A_139 = arith.extui %sign3A_138 : i1 to i32
    %sign3A_140 = arith.constant 0 : i32
    %sign3A_141 = arith.cmpi slt, %add3A_134, %sign3A_140 : i32
    %sign3A_142 = arith.extui %sign3A_141 : i1 to i32
    %sign3A_143 = arith.subi %sign3A_139, %sign3A_142 : i32
    %sign3A_144 = arith.constant 0 : i32
    %sign3A_145 = arith.cmpi sgt, %jit3A_135, %sign3A_144 : i32
    %sign3A_146 = arith.extui %sign3A_145 : i1 to i32
    %sign3A_147 = arith.constant 0 : i32
    %sign3A_148 = arith.cmpi slt, %jit3A_135, %sign3A_147 : i32
    %sign3A_149 = arith.extui %sign3A_148 : i1 to i32
    %sign3A_150 = arith.subi %sign3A_146, %sign3A_149 : i32
    %ne3A_151 = arith.cmpi ne, %sign3A_143, %sign3A_150 : i32
    %rem3A_152 = arith.remsi %add3A_134, %jit3A_135 : i32
    %ne3A_153 = arith.constant 0 : i32
    %ne3A_154 = arith.cmpi ne, %rem3A_152, %ne3A_153 : i32
    %and3A_155 = arith.andi %ne3A_151, %ne3A_154 : i1
    %sub3A_156 = arith.constant 1 : i32
    %sub3A_157 = arith.subi %div3A_136, %sub3A_156 : i32
    %select_n3A_158 = arith.select %and3A_155, %sub3A_157, %div3A_136 : i32
    %jit3A_159 = arith.constant 16384 : i32
    %eq3A_160 = arith.constant 0 : i32
    %eq3A_161 = arith.cmpi eq, %jit3A_159, %eq3A_160 : i32
    %jit3A_162 = arith.constant 1 : i32
    %select_n3A_163 = arith.select %eq3A_161, %jit3A_162, %jit3A_159 : i32
    %rem3A_164 = arith.remsi %add3A_134, %select_n3A_163 : i32
    %ne3A_165 = arith.constant 0 : i32
    %ne3A_166 = arith.cmpi ne, %rem3A_164, %ne3A_165 : i32
    %lt3A_167 = arith.constant 0 : i32
    %lt3A_168 = arith.cmpi slt, %rem3A_164, %lt3A_167 : i32
    %lt3A_169 = arith.constant 0 : i32
    %lt3A_170 = arith.cmpi slt, %select_n3A_163, %lt3A_169 : i32
    %ne3A_171 = arith.xori %lt3A_168, %lt3A_170 : i1
    %and3A_172 = arith.andi %ne3A_171, %ne3A_166 : i1
    %add3A_173 = arith.addi %rem3A_164, %select_n3A_163 : i32
    %select_n3A_174 = arith.select %and3A_172, %add3A_173, %rem3A_164 : i32
    %mul3A_175 = arith.constant 32 : i32
    %mul3A_176 = arith.muli %select_n3A_158, %mul3A_175 : i32
    %dma_wait3A_177 = tpu.memref_slice %arg4[%select_n3A_174, %mul3A_176] : memref<16384x3200xf32, #tpu.memory_space<hbm>> -> memref<256x32xf32, #tpu.memory_space<hbm>>
    %dma_wait3A_178 = tpu.memref_slice %arg4[%select_n3A_174, %mul3A_176] : memref<16384x3200xf32, #tpu.memory_space<hbm>> -> memref<256x32xf32, #tpu.memory_space<hbm>>
    tpu.wait_dma2 semaphore(%arg22 : memref<!tpu.dma_semaphore, #tpu.memory_space<semaphore_mem>>) src(%arg6 : memref<256x32xf32, #tpu.memory_space<vmem>>) dst(%dma_wait3A_178 : memref<256x32xf32, #tpu.memory_space<hbm>>)
    %dma_start3A_179 = arith.constant 2048 : i32
    %dma_start3A_180 = tpu.memref_slice %arg5[%dma_start3A_179] : memref<51200xi32, #tpu.memory_space<vmem>> -> memref<256xi32, #tpu.memory_space<vmem>>
    %dma_start3A_181 = arith.constant 0 : i32
    %dma_start3A_182 = arith.constant 0 : i32
    %dma_start3A_183 = tpu.memref_slice %arg3[%dma_start3A_181, %dma_start3A_182] : memref<1000000x32xf32, #tpu.memory_space<hbm>> -> memref<1000000x32xf32, #tpu.memory_space<hbm>>
    tpu.enqueue_indirect_dma source(%dma_start3A_183 : memref<1000000x32xf32, #tpu.memory_space<hbm>>) target(%arg6 : memref<256x32xf32, #tpu.memory_space<vmem>>) offsets(%dma_start3A_180 : memref<256xi32, #tpu.memory_space<vmem>>) semaphore(%arg14 : memref<!tpu.dma_semaphore, #tpu.memory_space<semaphore_mem>>)
    %dma_wait3A_184 = arith.constant 512 : i32
    %dma_wait3A_185 = tpu.memref_slice %arg5[%dma_wait3A_184] : memref<51200xi32, #tpu.memory_space<vmem>> -> memref<256xi32, #tpu.memory_space<vmem>>
    %dma_wait3A_186 = arith.constant 0 : i32
    %dma_wait3A_187 = arith.constant 0 : i32
    %dma_wait3A_188 = tpu.memref_slice %arg3[%dma_wait3A_186, %dma_wait3A_187] : memref<1000000x32xf32, #tpu.memory_space<hbm>> -> memref<1000000x32xf32, #tpu.memory_space<hbm>>
    tpu.wait_indirect_dma semaphore(%arg16 : memref<!tpu.dma_semaphore, #tpu.memory_space<semaphore_mem>>) src(%dma_wait3A_188 : memref<1000000x32xf32, #tpu.memory_space<hbm>>) dst(%arg8 : memref<256x32xf32, #tpu.memory_space<vmem>>)
    %add3A_189 = arith.constant 512 : i32
    %add3A_190 = arith.addi %mul3A_2, %add3A_189 : i32
    %jit3A_191 = arith.constant 16384 : i32
    %div3A_192 = arith.divsi %add3A_190, %jit3A_191 : i32
    %sign3A_193 = arith.constant 0 : i32
    %sign3A_194 = arith.cmpi sgt, %add3A_190, %sign3A_193 : i32
    %sign3A_195 = arith.extui %sign3A_194 : i1 to i32
    %sign3A_196 = arith.constant 0 : i32
    %sign3A_197 = arith.cmpi slt, %add3A_190, %sign3A_196 : i32
    %sign3A_198 = arith.extui %sign3A_197 : i1 to i32
    %sign3A_199 = arith.subi %sign3A_195, %sign3A_198 : i32
    %sign3A_200 = arith.constant 0 : i32
    %sign3A_201 = arith.cmpi sgt, %jit3A_191, %sign3A_200 : i32
    %sign3A_202 = arith.extui %sign3A_201 : i1 to i32
    %sign3A_203 = arith.constant 0 : i32
    %sign3A_204 = arith.cmpi slt, %jit3A_191, %sign3A_203 : i32
    %sign3A_205 = arith.extui %sign3A_204 : i1 to i32
    %sign3A_206 = arith.subi %sign3A_202, %sign3A_205 : i32
    %ne3A_207 = arith.cmpi ne, %sign3A_199, %sign3A_206 : i32
    %rem3A_208 = arith.remsi %add3A_190, %jit3A_191 : i32
    %ne3A_209 = arith.constant 0 : i32
    %ne3A_210 = arith.cmpi ne, %rem3A_208, %ne3A_209 : i32
    %and3A_211 = arith.andi %ne3A_207, %ne3A_210 : i1
    %sub3A_212 = arith.constant 1 : i32
    %sub3A_213 = arith.subi %div3A_192, %sub3A_212 : i32
    %select_n3A_214 = arith.select %and3A_211, %sub3A_213, %div3A_192 : i32
    %jit3A_215 = arith.constant 16384 : i32
    %eq3A_216 = arith.constant 0 : i32
    %eq3A_217 = arith.cmpi eq, %jit3A_215, %eq3A_216 : i32
    %jit3A_218 = arith.constant 1 : i32
    %select_n3A_219 = arith.select %eq3A_217, %jit3A_218, %jit3A_215 : i32
    %rem3A_220 = arith.remsi %add3A_190, %select_n3A_219 : i32
    %ne3A_221 = arith.constant 0 : i32
    %ne3A_222 = arith.cmpi ne, %rem3A_220, %ne3A_221 : i32
    %lt3A_223 = arith.constant 0 : i32
    %lt3A_224 = arith.cmpi slt, %rem3A_220, %lt3A_223 : i32
    %lt3A_225 = arith.constant 0 : i32
    %lt3A_226 = arith.cmpi slt, %select_n3A_219, %lt3A_225 : i32
    %ne3A_227 = arith.xori %lt3A_224, %lt3A_226 : i1
    %and3A_228 = arith.andi %ne3A_227, %ne3A_222 : i1
    %add3A_229 = arith.addi %rem3A_220, %select_n3A_219 : i32
    %select_n3A_230 = arith.select %and3A_228, %add3A_229, %rem3A_220 : i32
    %mul3A_231 = arith.constant 32 : i32
    %mul3A_232 = arith.muli %select_n3A_214, %mul3A_231 : i32
    %dma_start3A_233 = tpu.memref_slice %arg4[%select_n3A_230, %mul3A_232] : memref<16384x3200xf32, #tpu.memory_space<hbm>> -> memref<256x32xf32, #tpu.memory_space<hbm>>
    %dma_start3A_234 = tpu.memref_slice %arg4[%select_n3A_230, %mul3A_232] : memref<16384x3200xf32, #tpu.memory_space<hbm>> -> memref<256x32xf32, #tpu.memory_space<hbm>>
    tpu.enqueue_dma source(%arg8 : memref<256x32xf32, #tpu.memory_space<vmem>>) target(%dma_start3A_234 : memref<256x32xf32, #tpu.memory_space<hbm>>) target_semaphore(%arg24 : memref<!tpu.dma_semaphore, #tpu.memory_space<semaphore_mem>>)
    %add3A_235 = arith.constant 256 : i32
    %add3A_236 = arith.addi %mul3A_2, %add3A_235 : i32
    %jit3A_237 = arith.constant 16384 : i32
    %div3A_238 = arith.divsi %add3A_236, %jit3A_237 : i32
    %sign3A_239 = arith.constant 0 : i32
    %sign3A_240 = arith.cmpi sgt, %add3A_236, %sign3A_239 : i32
    %sign3A_241 = arith.extui %sign3A_240 : i1 to i32
    %sign3A_242 = arith.constant 0 : i32
    %sign3A_243 = arith.cmpi slt, %add3A_236, %sign3A_242 : i32
    %sign3A_244 = arith.extui %sign3A_243 : i1 to i32
    %sign3A_245 = arith.subi %sign3A_241, %sign3A_244 : i32
    %sign3A_246 = arith.constant 0 : i32
    %sign3A_247 = arith.cmpi sgt, %jit3A_237, %sign3A_246 : i32
    %sign3A_248 = arith.extui %sign3A_247 : i1 to i32
    %sign3A_249 = arith.constant 0 : i32
    %sign3A_250 = arith.cmpi slt, %jit3A_237, %sign3A_249 : i32
    %sign3A_251 = arith.extui %sign3A_250 : i1 to i32
    %sign3A_252 = arith.subi %sign3A_248, %sign3A_251 : i32
    %ne3A_253 = arith.cmpi ne, %sign3A_245, %sign3A_252 : i32
    %rem3A_254 = arith.remsi %add3A_236, %jit3A_237 : i32
    %ne3A_255 = arith.constant 0 : i32
    %ne3A_256 = arith.cmpi ne, %rem3A_254, %ne3A_255 : i32
    %and3A_257 = arith.andi %ne3A_253, %ne3A_256 : i1
    %sub3A_258 = arith.constant 1 : i32
    %sub3A_259 = arith.subi %div3A_238, %sub3A_258 : i32
    %select_n3A_260 = arith.select %and3A_257, %sub3A_259, %div3A_238 : i32
    %jit3A_261 = arith.constant 16384 : i32
    %eq3A_262 = arith.constant 0 : i32
    %eq3A_263 = arith.cmpi eq, %jit3A_261, %eq3A_262 : i32
    %jit3A_264 = arith.constant 1 : i32
    %select_n3A_265 = arith.select %eq3A_263, %jit3A_264, %jit3A_261 : i32
    %rem3A_266 = arith.remsi %add3A_236, %select_n3A_265 : i32
    %ne3A_267 = arith.constant 0 : i32
    %ne3A_268 = arith.cmpi ne, %rem3A_266, %ne3A_267 : i32
    %lt3A_269 = arith.constant 0 : i32
    %lt3A_270 = arith.cmpi slt, %rem3A_266, %lt3A_269 : i32
    %lt3A_271 = arith.constant 0 : i32
    %lt3A_272 = arith.cmpi slt, %select_n3A_265, %lt3A_271 : i32
    %ne3A_273 = arith.xori %lt3A_270, %lt3A_272 : i1
    %and3A_274 = arith.andi %ne3A_273, %ne3A_268 : i1
    %add3A_275 = arith.addi %rem3A_266, %select_n3A_265 : i32
    %select_n3A_276 = arith.select %and3A_274, %add3A_275, %rem3A_266 : i32
    %mul3A_277 = arith.constant 32 : i32
    %mul3A_278 = arith.muli %select_n3A_260, %mul3A_277 : i32
    %dma_wait3A_279 = tpu.memref_slice %arg4[%select_n3A_276, %mul3A_278] : memref<16384x3200xf32, #tpu.memory_space<hbm>> -> memref<256x32xf32, #tpu.memory_space<hbm>>
    %dma_wait3A_280 = tpu.memref_slice %arg4[%select_n3A_276, %mul3A_278] : memref<16384x3200xf32, #tpu.memory_space<hbm>> -> memref<256x32xf32, #tpu.memory_space<hbm>>
    tpu.wait_dma2 semaphore(%arg23 : memref<!tpu.dma_semaphore, #tpu.memory_space<semaphore_mem>>) src(%arg7 : memref<256x32xf32, #tpu.memory_space<vmem>>) dst(%dma_wait3A_280 : memref<256x32xf32, #tpu.memory_space<hbm>>)
    %dma_start3A_281 = arith.constant 2304 : i32
    %dma_start3A_282 = tpu.memref_slice %arg5[%dma_start3A_281] : memref<51200xi32, #tpu.memory_space<vmem>> -> memref<256xi32, #tpu.memory_space<vmem>>
    %dma_start3A_283 = arith.constant 0 : i32
    %dma_start3A_284 = arith.constant 0 : i32
    %dma_start3A_285 = tpu.memref_slice %arg3[%dma_start3A_283, %dma_start3A_284] : memref<1000000x32xf32, #tpu.memory_space<hbm>> -> memref<1000000x32xf32, #tpu.memory_space<hbm>>
    tpu.enqueue_indirect_dma source(%dma_start3A_285 : memref<1000000x32xf32, #tpu.memory_space<hbm>>) target(%arg7 : memref<256x32xf32, #tpu.memory_space<vmem>>) offsets(%dma_start3A_282 : memref<256xi32, #tpu.memory_space<vmem>>) semaphore(%arg15 : memref<!tpu.dma_semaphore, #tpu.memory_space<semaphore_mem>>)
    %dma_wait3A_286 = arith.constant 768 : i32
    %dma_wait3A_287 = tpu.memref_slice %arg5[%dma_wait3A_286] : memref<51200xi32, #tpu.memory_space<vmem>> -> memref<256xi32, #tpu.memory_space<vmem>>
    %dma_wait3A_288 = arith.constant 0 : i32
    %dma_wait3A_289 = arith.constant 0 : i32
    %dma_wait3A_290 = tpu.memref_slice %arg3[%dma_wait3A_288, %dma_wait3A_289] : memref<1000000x32xf32, #tpu.memory_space<hbm>> -> memref<1000000x32xf32, #tpu.memory_space<hbm>>
    tpu.wait_indirect_dma semaphore(%arg17 : memref<!tpu.dma_semaphore, #tpu.memory_space<semaphore_mem>>) src(%dma_wait3A_290 : memref<1000000x32xf32, #tpu.memory_space<hbm>>) dst(%arg9 : memref<256x32xf32, #tpu.memory_space<vmem>>)
    %add3A_291 = arith.constant 768 : i32
    %add3A_292 = arith.addi %mul3A_2, %add3A_291 : i32
    %jit3A_293 = arith.constant 16384 : i32
    %div3A_294 = arith.divsi %add3A_292, %jit3A_293 : i32
    %sign3A_295 = arith.constant 0 : i32
    %sign3A_296 = arith.cmpi sgt, %add3A_292, %sign3A_295 : i32
    %sign3A_297 = arith.extui %sign3A_296 : i1 to i32
    %sign3A_298 = arith.constant 0 : i32
    %sign3A_299 = arith.cmpi slt, %add3A_292, %sign3A_298 : i32
    %sign3A_300 = arith.extui %sign3A_299 : i1 to i32
    %sign3A_301 = arith.subi %sign3A_297, %sign3A_300 : i32
    %sign3A_302 = arith.constant 0 : i32
    %sign3A_303 = arith.cmpi sgt, %jit3A_293, %sign3A_302 : i32
    %sign3A_304 = arith.extui %sign3A_303 : i1 to i32
    %sign3A_305 = arith.constant 0 : i32
    %sign3A_306 = arith.cmpi slt, %jit3A_293, %sign3A_305 : i32
    %sign3A_307 = arith.extui %sign3A_306 : i1 to i32
    %sign3A_308 = arith.subi %sign3A_304, %sign3A_307 : i32
    %ne3A_309 = arith.cmpi ne, %sign3A_301, %sign3A_308 : i32
    %rem3A_310 = arith.remsi %add3A_292, %jit3A_293 : i32
    %ne3A_311 = arith.constant 0 : i32
    %ne3A_312 = arith.cmpi ne, %rem3A_310, %ne3A_311 : i32
    %and3A_313 = arith.andi %ne3A_309, %ne3A_312 : i1
    %sub3A_314 = arith.constant 1 : i32
    %sub3A_315 = arith.subi %div3A_294, %sub3A_314 : i32
    %select_n3A_316 = arith.select %and3A_313, %sub3A_315, %div3A_294 : i32
    %jit3A_317 = arith.constant 16384 : i32
    %eq3A_318 = arith.constant 0 : i32
    %eq3A_319 = arith.cmpi eq, %jit3A_317, %eq3A_318 : i32
    %jit3A_320 = arith.constant 1 : i32
    %select_n3A_321 = arith.select %eq3A_319, %jit3A_320, %jit3A_317 : i32
    %rem3A_322 = arith.remsi %add3A_292, %select_n3A_321 : i32
    %ne3A_323 = arith.constant 0 : i32
    %ne3A_324 = arith.cmpi ne, %rem3A_322, %ne3A_323 : i32
    %lt3A_325 = arith.constant 0 : i32
    %lt3A_326 = arith.cmpi slt, %rem3A_322, %lt3A_325 : i32
    %lt3A_327 = arith.constant 0 : i32
    %lt3A_328 = arith.cmpi slt, %select_n3A_321, %lt3A_327 : i32
    %ne3A_329 = arith.xori %lt3A_326, %lt3A_328 : i1
    %and3A_330 = arith.andi %ne3A_329, %ne3A_324 : i1
    %add3A_331 = arith.addi %rem3A_322, %select_n3A_321 : i32
    %select_n3A_332 = arith.select %and3A_330, %add3A_331, %rem3A_322 : i32
    %mul3A_333 = arith.constant 32 : i32
    %mul3A_334 = arith.muli %select_n3A_316, %mul3A_333 : i32
    %dma_start3A_335 = tpu.memref_slice %arg4[%select_n3A_332, %mul3A_334] : memref<16384x3200xf32, #tpu.memory_space<hbm>> -> memref<256x32xf32, #tpu.memory_space<hbm>>
    %dma_start3A_336 = tpu.memref_slice %arg4[%select_n3A_332, %mul3A_334] : memref<16384x3200xf32, #tpu.memory_space<hbm>> -> memref<256x32xf32, #tpu.memory_space<hbm>>
    tpu.enqueue_dma source(%arg9 : memref<256x32xf32, #tpu.memory_space<vmem>>) target(%dma_start3A_336 : memref<256x32xf32, #tpu.memory_space<hbm>>) target_semaphore(%arg25 : memref<!tpu.dma_semaphore, #tpu.memory_space<semaphore_mem>>)
    %add3A_337 = arith.constant 512 : i32
    %add3A_338 = arith.addi %mul3A_2, %add3A_337 : i32
    %jit3A_339 = arith.constant 16384 : i32
    %div3A_340 = arith.divsi %add3A_338, %jit3A_339 : i32
    %sign3A_341 = arith.constant 0 : i32
    %sign3A_342 = arith.cmpi sgt, %add3A_338, %sign3A_341 : i32
    %sign3A_343 = arith.extui %sign3A_342 : i1 to i32
    %sign3A_344 = arith.constant 0 : i32
    %sign3A_345 = arith.cmpi slt, %add3A_338, %sign3A_344 : i32
    %sign3A_346 = arith.extui %sign3A_345 : i1 to i32
    %sign3A_347 = arith.subi %sign3A_343, %sign3A_346 : i32
    %sign3A_348 = arith.constant 0 : i32
    %sign3A_349 = arith.cmpi sgt, %jit3A_339, %sign3A_348 : i32
    %sign3A_350 = arith.extui %sign3A_349 : i1 to i32
    %sign3A_351 = arith.constant 0 : i32
    %sign3A_352 = arith.cmpi slt, %jit3A_339, %sign3A_351 : i32
    %sign3A_353 = arith.extui %sign3A_352 : i1 to i32
    %sign3A_354 = arith.subi %sign3A_350, %sign3A_353 : i32
    %ne3A_355 = arith.cmpi ne, %sign3A_347, %sign3A_354 : i32
    %rem3A_356 = arith.remsi %add3A_338, %jit3A_339 : i32
    %ne3A_357 = arith.constant 0 : i32
    %ne3A_358 = arith.cmpi ne, %rem3A_356, %ne3A_357 : i32
    %and3A_359 = arith.andi %ne3A_355, %ne3A_358 : i1
    %sub3A_360 = arith.constant 1 : i32
    %sub3A_361 = arith.subi %div3A_340, %sub3A_360 : i32
    %select_n3A_362 = arith.select %and3A_359, %sub3A_361, %div3A_340 : i32
    %jit3A_363 = arith.constant 16384 : i32
    %eq3A_364 = arith.constant 0 : i32
    %eq3A_365 = arith.cmpi eq, %jit3A_363, %eq3A_364 : i32
    %jit3A_366 = arith.constant 1 : i32
    %select_n3A_367 = arith.select %eq3A_365, %jit3A_366, %jit3A_363 : i32
    %rem3A_368 = arith.remsi %add3A_338, %select_n3A_367 : i32
    %ne3A_369 = arith.constant 0 : i32
    %ne3A_370 = arith.cmpi ne, %rem3A_368, %ne3A_369 : i32
    %lt3A_371 = arith.constant 0 : i32
    %lt3A_372 = arith.cmpi slt, %rem3A_368, %lt3A_371 : i32
    %lt3A_373 = arith.constant 0 : i32
    %lt3A_374 = arith.cmpi slt, %select_n3A_367, %lt3A_373 : i32
    %ne3A_375 = arith.xori %lt3A_372, %lt3A_374 : i1
    %and3A_376 = arith.andi %ne3A_375, %ne3A_370 : i1
    %add3A_377 = arith.addi %rem3A_368, %select_n3A_367 : i32
    %select_n3A_378 = arith.select %and3A_376, %add3A_377, %rem3A_368 : i32
    %mul3A_379 = arith.constant 32 : i32
    %mul3A_380 = arith.muli %select_n3A_362, %mul3A_379 : i32
    %dma_wait3A_381 = tpu.memref_slice %arg4[%select_n3A_378, %mul3A_380] : memref<16384x3200xf32, #tpu.memory_space<hbm>> -> memref<256x32xf32, #tpu.memory_space<hbm>>
    %dma_wait3A_382 = tpu.memref_slice %arg4[%select_n3A_378, %mul3A_380] : memref<16384x3200xf32, #tpu.memory_space<hbm>> -> memref<256x32xf32, #tpu.memory_space<hbm>>
    tpu.wait_dma2 semaphore(%arg24 : memref<!tpu.dma_semaphore, #tpu.memory_space<semaphore_mem>>) src(%arg8 : memref<256x32xf32, #tpu.memory_space<vmem>>) dst(%dma_wait3A_382 : memref<256x32xf32, #tpu.memory_space<hbm>>)
    %dma_start3A_383 = arith.constant 2560 : i32
    %dma_start3A_384 = tpu.memref_slice %arg5[%dma_start3A_383] : memref<51200xi32, #tpu.memory_space<vmem>> -> memref<256xi32, #tpu.memory_space<vmem>>
    %dma_start3A_385 = arith.constant 0 : i32
    %dma_start3A_386 = arith.constant 0 : i32
    %dma_start3A_387 = tpu.memref_slice %arg3[%dma_start3A_385, %dma_start3A_386] : memref<1000000x32xf32, #tpu.memory_space<hbm>> -> memref<1000000x32xf32, #tpu.memory_space<hbm>>
    tpu.enqueue_indirect_dma source(%dma_start3A_387 : memref<1000000x32xf32, #tpu.memory_space<hbm>>) target(%arg8 : memref<256x32xf32, #tpu.memory_space<vmem>>) offsets(%dma_start3A_384 : memref<256xi32, #tpu.memory_space<vmem>>) semaphore(%arg16 : memref<!tpu.dma_semaphore, #tpu.memory_space<semaphore_mem>>)
    %dma_wait3A_388 = arith.constant 1024 : i32
    %dma_wait3A_389 = tpu.memref_slice %arg5[%dma_wait3A_388] : memref<51200xi32, #tpu.memory_space<vmem>> -> memref<256xi32, #tpu.memory_space<vmem>>
    %dma_wait3A_390 = arith.constant 0 : i32
    %dma_wait3A_391 = arith.constant 0 : i32
    %dma_wait3A_392 = tpu.memref_slice %arg3[%dma_wait3A_390, %dma_wait3A_391] : memref<1000000x32xf32, #tpu.memory_space<hbm>> -> memref<1000000x32xf32, #tpu.memory_space<hbm>>
    tpu.wait_indirect_dma semaphore(%arg18 : memref<!tpu.dma_semaphore, #tpu.memory_space<semaphore_mem>>) src(%dma_wait3A_392 : memref<1000000x32xf32, #tpu.memory_space<hbm>>) dst(%arg10 : memref<256x32xf32, #tpu.memory_space<vmem>>)
    %add3A_393 = arith.constant 1024 : i32
    %add3A_394 = arith.addi %mul3A_2, %add3A_393 : i32
    %jit3A_395 = arith.constant 16384 : i32
    %div3A_396 = arith.divsi %add3A_394, %jit3A_395 : i32
    %sign3A_397 = arith.constant 0 : i32
    %sign3A_398 = arith.cmpi sgt, %add3A_394, %sign3A_397 : i32
    %sign3A_399 = arith.extui %sign3A_398 : i1 to i32
    %sign3A_400 = arith.constant 0 : i32
    %sign3A_401 = arith.cmpi slt, %add3A_394, %sign3A_400 : i32
    %sign3A_402 = arith.extui %sign3A_401 : i1 to i32
    %sign3A_403 = arith.subi %sign3A_399, %sign3A_402 : i32
    %sign3A_404 = arith.constant 0 : i32
    %sign3A_405 = arith.cmpi sgt, %jit3A_395, %sign3A_404 : i32
    %sign3A_406 = arith.extui %sign3A_405 : i1 to i32
    %sign3A_407 = arith.constant 0 : i32
    %sign3A_408 = arith.cmpi slt, %jit3A_395, %sign3A_407 : i32
    %sign3A_409 = arith.extui %sign3A_408 : i1 to i32
    %sign3A_410 = arith.subi %sign3A_406, %sign3A_409 : i32
    %ne3A_411 = arith.cmpi ne, %sign3A_403, %sign3A_410 : i32
    %rem3A_412 = arith.remsi %add3A_394, %jit3A_395 : i32
    %ne3A_413 = arith.constant 0 : i32
    %ne3A_414 = arith.cmpi ne, %rem3A_412, %ne3A_413 : i32
    %and3A_415 = arith.andi %ne3A_411, %ne3A_414 : i1
    %sub3A_416 = arith.constant 1 : i32
    %sub3A_417 = arith.subi %div3A_396, %sub3A_416 : i32
    %select_n3A_418 = arith.select %and3A_415, %sub3A_417, %div3A_396 : i32
    %jit3A_419 = arith.constant 16384 : i32
    %eq3A_420 = arith.constant 0 : i32
    %eq3A_421 = arith.cmpi eq, %jit3A_419, %eq3A_420 : i32
    %jit3A_422 = arith.constant 1 : i32
    %select_n3A_423 = arith.select %eq3A_421, %jit3A_422, %jit3A_419 : i32
    %rem3A_424 = arith.remsi %add3A_394, %select_n3A_423 : i32
    %ne3A_425 = arith.constant 0 : i32
    %ne3A_426 = arith.cmpi ne, %rem3A_424, %ne3A_425 : i32
    %lt3A_427 = arith.constant 0 : i32
    %lt3A_428 = arith.cmpi slt, %rem3A_424, %lt3A_427 : i32
    %lt3A_429 = arith.constant 0 : i32
    %lt3A_430 = arith.cmpi slt, %select_n3A_423, %lt3A_429 : i32
    %ne3A_431 = arith.xori %lt3A_428, %lt3A_430 : i1
    %and3A_432 = arith.andi %ne3A_431, %ne3A_426 : i1
    %add3A_433 = arith.addi %rem3A_424, %select_n3A_423 : i32
    %select_n3A_434 = arith.select %and3A_432, %add3A_433, %rem3A_424 : i32
    %mul3A_435 = arith.constant 32 : i32
    %mul3A_436 = arith.muli %select_n3A_418, %mul3A_435 : i32
    %dma_start3A_437 = tpu.memref_slice %arg4[%select_n3A_434, %mul3A_436] : memref<16384x3200xf32, #tpu.memory_space<hbm>> -> memref<256x32xf32, #tpu.memory_space<hbm>>
    %dma_start3A_438 = tpu.memref_slice %arg4[%select_n3A_434, %mul3A_436] : memref<16384x3200xf32, #tpu.memory_space<hbm>> -> memref<256x32xf32, #tpu.memory_space<hbm>>
    tpu.enqueue_dma source(%arg10 : memref<256x32xf32, #tpu.memory_space<vmem>>) target(%dma_start3A_438 : memref<256x32xf32, #tpu.memory_space<hbm>>) target_semaphore(%arg26 : memref<!tpu.dma_semaphore, #tpu.memory_space<semaphore_mem>>)
    %add3A_439 = arith.constant 768 : i32
    %add3A_440 = arith.addi %mul3A_2, %add3A_439 : i32
    %jit3A_441 = arith.constant 16384 : i32
    %div3A_442 = arith.divsi %add3A_440, %jit3A_441 : i32
    %sign3A_443 = arith.constant 0 : i32
    %sign3A_444 = arith.cmpi sgt, %add3A_440, %sign3A_443 : i32
    %sign3A_445 = arith.extui %sign3A_444 : i1 to i32
    %sign3A_446 = arith.constant 0 : i32
    %sign3A_447 = arith.cmpi slt, %add3A_440, %sign3A_446 : i32
    %sign3A_448 = arith.extui %sign3A_447 : i1 to i32
    %sign3A_449 = arith.subi %sign3A_445, %sign3A_448 : i32
    %sign3A_450 = arith.constant 0 : i32
    %sign3A_451 = arith.cmpi sgt, %jit3A_441, %sign3A_450 : i32
    %sign3A_452 = arith.extui %sign3A_451 : i1 to i32
    %sign3A_453 = arith.constant 0 : i32
    %sign3A_454 = arith.cmpi slt, %jit3A_441, %sign3A_453 : i32
    %sign3A_455 = arith.extui %sign3A_454 : i1 to i32
    %sign3A_456 = arith.subi %sign3A_452, %sign3A_455 : i32
    %ne3A_457 = arith.cmpi ne, %sign3A_449, %sign3A_456 : i32
    %rem3A_458 = arith.remsi %add3A_440, %jit3A_441 : i32
    %ne3A_459 = arith.constant 0 : i32
    %ne3A_460 = arith.cmpi ne, %rem3A_458, %ne3A_459 : i32
    %and3A_461 = arith.andi %ne3A_457, %ne3A_460 : i1
    %sub3A_462 = arith.constant 1 : i32
    %sub3A_463 = arith.subi %div3A_442, %sub3A_462 : i32
    %select_n3A_464 = arith.select %and3A_461, %sub3A_463, %div3A_442 : i32
    %jit3A_465 = arith.constant 16384 : i32
    %eq3A_466 = arith.constant 0 : i32
    %eq3A_467 = arith.cmpi eq, %jit3A_465, %eq3A_466 : i32
    %jit3A_468 = arith.constant 1 : i32
    %select_n3A_469 = arith.select %eq3A_467, %jit3A_468, %jit3A_465 : i32
    %rem3A_470 = arith.remsi %add3A_440, %select_n3A_469 : i32
    %ne3A_471 = arith.constant 0 : i32
    %ne3A_472 = arith.cmpi ne, %rem3A_470, %ne3A_471 : i32
    %lt3A_473 = arith.constant 0 : i32
    %lt3A_474 = arith.cmpi slt, %rem3A_470, %lt3A_473 : i32
    %lt3A_475 = arith.constant 0 : i32
    %lt3A_476 = arith.cmpi slt, %select_n3A_469, %lt3A_475 : i32
    %ne3A_477 = arith.xori %lt3A_474, %lt3A_476 : i1
    %and3A_478 = arith.andi %ne3A_477, %ne3A_472 : i1
    %add3A_479 = arith.addi %rem3A_470, %select_n3A_469 : i32
    %select_n3A_480 = arith.select %and3A_478, %add3A_479, %rem3A_470 : i32
    %mul3A_481 = arith.constant 32 : i32
    %mul3A_482 = arith.muli %select_n3A_464, %mul3A_481 : i32
    %dma_wait3A_483 = tpu.memref_slice %arg4[%select_n3A_480, %mul3A_482] : memref<16384x3200xf32, #tpu.memory_space<hbm>> -> memref<256x32xf32, #tpu.memory_space<hbm>>
    %dma_wait3A_484 = tpu.memref_slice %arg4[%select_n3A_480, %mul3A_482] : memref<16384x3200xf32, #tpu.memory_space<hbm>> -> memref<256x32xf32, #tpu.memory_space<hbm>>
    tpu.wait_dma2 semaphore(%arg25 : memref<!tpu.dma_semaphore, #tpu.memory_space<semaphore_mem>>) src(%arg9 : memref<256x32xf32, #tpu.memory_space<vmem>>) dst(%dma_wait3A_484 : memref<256x32xf32, #tpu.memory_space<hbm>>)
    %dma_start3A_485 = arith.constant 2816 : i32
    %dma_start3A_486 = tpu.memref_slice %arg5[%dma_start3A_485] : memref<51200xi32, #tpu.memory_space<vmem>> -> memref<256xi32, #tpu.memory_space<vmem>>
    %dma_start3A_487 = arith.constant 0 : i32
    %dma_start3A_488 = arith.constant 0 : i32
    %dma_start3A_489 = tpu.memref_slice %arg3[%dma_start3A_487, %dma_start3A_488] : memref<1000000x32xf32, #tpu.memory_space<hbm>> -> memref<1000000x32xf32, #tpu.memory_space<hbm>>
    tpu.enqueue_indirect_dma source(%dma_start3A_489 : memref<1000000x32xf32, #tpu.memory_space<hbm>>) target(%arg9 : memref<256x32xf32, #tpu.memory_space<vmem>>) offsets(%dma_start3A_486 : memref<256xi32, #tpu.memory_space<vmem>>) semaphore(%arg17 : memref<!tpu.dma_semaphore, #tpu.memory_space<semaphore_mem>>)
    %dma_wait3A_490 = arith.constant 1280 : i32
    %dma_wait3A_491 = tpu.memref_slice %arg5[%dma_wait3A_490] : memref<51200xi32, #tpu.memory_space<vmem>> -> memref<256xi32, #tpu.memory_space<vmem>>
    %dma_wait3A_492 = arith.constant 0 : i32
    %dma_wait3A_493 = arith.constant 0 : i32
    %dma_wait3A_494 = tpu.memref_slice %arg3[%dma_wait3A_492, %dma_wait3A_493] : memref<1000000x32xf32, #tpu.memory_space<hbm>> -> memref<1000000x32xf32, #tpu.memory_space<hbm>>
    tpu.wait_indirect_dma semaphore(%arg19 : memref<!tpu.dma_semaphore, #tpu.memory_space<semaphore_mem>>) src(%dma_wait3A_494 : memref<1000000x32xf32, #tpu.memory_space<hbm>>) dst(%arg11 : memref<256x32xf32, #tpu.memory_space<vmem>>)
    %add3A_495 = arith.constant 1280 : i32
    %add3A_496 = arith.addi %mul3A_2, %add3A_495 : i32
    %jit3A_497 = arith.constant 16384 : i32
    %div3A_498 = arith.divsi %add3A_496, %jit3A_497 : i32
    %sign3A_499 = arith.constant 0 : i32
    %sign3A_500 = arith.cmpi sgt, %add3A_496, %sign3A_499 : i32
    %sign3A_501 = arith.extui %sign3A_500 : i1 to i32
    %sign3A_502 = arith.constant 0 : i32
    %sign3A_503 = arith.cmpi slt, %add3A_496, %sign3A_502 : i32
    %sign3A_504 = arith.extui %sign3A_503 : i1 to i32
    %sign3A_505 = arith.subi %sign3A_501, %sign3A_504 : i32
    %sign3A_506 = arith.constant 0 : i32
    %sign3A_507 = arith.cmpi sgt, %jit3A_497, %sign3A_506 : i32
    %sign3A_508 = arith.extui %sign3A_507 : i1 to i32
    %sign3A_509 = arith.constant 0 : i32
    %sign3A_510 = arith.cmpi slt, %jit3A_497, %sign3A_509 : i32
    %sign3A_511 = arith.extui %sign3A_510 : i1 to i32
    %sign3A_512 = arith.subi %sign3A_508, %sign3A_511 : i32
    %ne3A_513 = arith.cmpi ne, %sign3A_505, %sign3A_512 : i32
    %rem3A_514 = arith.remsi %add3A_496, %jit3A_497 : i32
    %ne3A_515 = arith.constant 0 : i32
    %ne3A_516 = arith.cmpi ne, %rem3A_514, %ne3A_515 : i32
    %and3A_517 = arith.andi %ne3A_513, %ne3A_516 : i1
    %sub3A_518 = arith.constant 1 : i32
    %sub3A_519 = arith.subi %div3A_498, %sub3A_518 : i32
    %select_n3A_520 = arith.select %and3A_517, %sub3A_519, %div3A_498 : i32
    %jit3A_521 = arith.constant 16384 : i32
    %eq3A_522 = arith.constant 0 : i32
    %eq3A_523 = arith.cmpi eq, %jit3A_521, %eq3A_522 : i32
    %jit3A_524 = arith.constant 1 : i32
    %select_n3A_525 = arith.select %eq3A_523, %jit3A_524, %jit3A_521 : i32
    %rem3A_526 = arith.remsi %add3A_496, %select_n3A_525 : i32
    %ne3A_527 = arith.constant 0 : i32
    %ne3A_528 = arith.cmpi ne, %rem3A_526, %ne3A_527 : i32
    %lt3A_529 = arith.constant 0 : i32
    %lt3A_530 = arith.cmpi slt, %rem3A_526, %lt3A_529 : i32
    %lt3A_531 = arith.constant 0 : i32
    %lt3A_532 = arith.cmpi slt, %select_n3A_525, %lt3A_531 : i32
    %ne3A_533 = arith.xori %lt3A_530, %lt3A_532 : i1
    %and3A_534 = arith.andi %ne3A_533, %ne3A_528 : i1
    %add3A_535 = arith.addi %rem3A_526, %select_n3A_525 : i32
    %select_n3A_536 = arith.select %and3A_534, %add3A_535, %rem3A_526 : i32
    %mul3A_537 = arith.constant 32 : i32
    %mul3A_538 = arith.muli %select_n3A_520, %mul3A_537 : i32
    %dma_start3A_539 = tpu.memref_slice %arg4[%select_n3A_536, %mul3A_538] : memref<16384x3200xf32, #tpu.memory_space<hbm>> -> memref<256x32xf32, #tpu.memory_space<hbm>>
    %dma_start3A_540 = tpu.memref_slice %arg4[%select_n3A_536, %mul3A_538] : memref<16384x3200xf32, #tpu.memory_space<hbm>> -> memref<256x32xf32, #tpu.memory_space<hbm>>
    tpu.enqueue_dma source(%arg11 : memref<256x32xf32, #tpu.memory_space<vmem>>) target(%dma_start3A_540 : memref<256x32xf32, #tpu.memory_space<hbm>>) target_semaphore(%arg27 : memref<!tpu.dma_semaphore, #tpu.memory_space<semaphore_mem>>)
    %add3A_541 = arith.constant 1024 : i32
    %add3A_542 = arith.addi %mul3A_2, %add3A_541 : i32
    %jit3A_543 = arith.constant 16384 : i32
    %div3A_544 = arith.divsi %add3A_542, %jit3A_543 : i32
    %sign3A_545 = arith.constant 0 : i32
    %sign3A_546 = arith.cmpi sgt, %add3A_542, %sign3A_545 : i32
    %sign3A_547 = arith.extui %sign3A_546 : i1 to i32
    %sign3A_548 = arith.constant 0 : i32
    %sign3A_549 = arith.cmpi slt, %add3A_542, %sign3A_548 : i32
    %sign3A_550 = arith.extui %sign3A_549 : i1 to i32
    %sign3A_551 = arith.subi %sign3A_547, %sign3A_550 : i32
    %sign3A_552 = arith.constant 0 : i32
    %sign3A_553 = arith.cmpi sgt, %jit3A_543, %sign3A_552 : i32
    %sign3A_554 = arith.extui %sign3A_553 : i1 to i32
    %sign3A_555 = arith.constant 0 : i32
    %sign3A_556 = arith.cmpi slt, %jit3A_543, %sign3A_555 : i32
    %sign3A_557 = arith.extui %sign3A_556 : i1 to i32
    %sign3A_558 = arith.subi %sign3A_554, %sign3A_557 : i32
    %ne3A_559 = arith.cmpi ne, %sign3A_551, %sign3A_558 : i32
    %rem3A_560 = arith.remsi %add3A_542, %jit3A_543 : i32
    %ne3A_561 = arith.constant 0 : i32
    %ne3A_562 = arith.cmpi ne, %rem3A_560, %ne3A_561 : i32
    %and3A_563 = arith.andi %ne3A_559, %ne3A_562 : i1
    %sub3A_564 = arith.constant 1 : i32
    %sub3A_565 = arith.subi %div3A_544, %sub3A_564 : i32
    %select_n3A_566 = arith.select %and3A_563, %sub3A_565, %div3A_544 : i32
    %jit3A_567 = arith.constant 16384 : i32
    %eq3A_568 = arith.constant 0 : i32
    %eq3A_569 = arith.cmpi eq, %jit3A_567, %eq3A_568 : i32
    %jit3A_570 = arith.constant 1 : i32
    %select_n3A_571 = arith.select %eq3A_569, %jit3A_570, %jit3A_567 : i32
    %rem3A_572 = arith.remsi %add3A_542, %select_n3A_571 : i32
    %ne3A_573 = arith.constant 0 : i32
    %ne3A_574 = arith.cmpi ne, %rem3A_572, %ne3A_573 : i32
    %lt3A_575 = arith.constant 0 : i32
    %lt3A_576 = arith.cmpi slt, %rem3A_572, %lt3A_575 : i32
    %lt3A_577 = arith.constant 0 : i32
    %lt3A_578 = arith.cmpi slt, %select_n3A_571, %lt3A_577 : i32
    %ne3A_579 = arith.xori %lt3A_576, %lt3A_578 : i1
    %and3A_580 = arith.andi %ne3A_579, %ne3A_574 : i1
    %add3A_581 = arith.addi %rem3A_572, %select_n3A_571 : i32
    %select_n3A_582 = arith.select %and3A_580, %add3A_581, %rem3A_572 : i32
    %mul3A_583 = arith.constant 32 : i32
    %mul3A_584 = arith.muli %select_n3A_566, %mul3A_583 : i32
    %dma_wait3A_585 = tpu.memref_slice %arg4[%select_n3A_582, %mul3A_584] : memref<16384x3200xf32, #tpu.memory_space<hbm>> -> memref<256x32xf32, #tpu.memory_space<hbm>>
    %dma_wait3A_586 = tpu.memref_slice %arg4[%select_n3A_582, %mul3A_584] : memref<16384x3200xf32, #tpu.memory_space<hbm>> -> memref<256x32xf32, #tpu.memory_space<hbm>>
    tpu.wait_dma2 semaphore(%arg26 : memref<!tpu.dma_semaphore, #tpu.memory_space<semaphore_mem>>) src(%arg10 : memref<256x32xf32, #tpu.memory_space<vmem>>) dst(%dma_wait3A_586 : memref<256x32xf32, #tpu.memory_space<hbm>>)
    %dma_start3A_587 = arith.constant 3072 : i32
    %dma_start3A_588 = tpu.memref_slice %arg5[%dma_start3A_587] : memref<51200xi32, #tpu.memory_space<vmem>> -> memref<256xi32, #tpu.memory_space<vmem>>
    %dma_start3A_589 = arith.constant 0 : i32
    %dma_start3A_590 = arith.constant 0 : i32
    %dma_start3A_591 = tpu.memref_slice %arg3[%dma_start3A_589, %dma_start3A_590] : memref<1000000x32xf32, #tpu.memory_space<hbm>> -> memref<1000000x32xf32, #tpu.memory_space<hbm>>
    tpu.enqueue_indirect_dma source(%dma_start3A_591 : memref<1000000x32xf32, #tpu.memory_space<hbm>>) target(%arg10 : memref<256x32xf32, #tpu.memory_space<vmem>>) offsets(%dma_start3A_588 : memref<256xi32, #tpu.memory_space<vmem>>) semaphore(%arg18 : memref<!tpu.dma_semaphore, #tpu.memory_space<semaphore_mem>>)
    %dma_wait3A_592 = arith.constant 1536 : i32
    %dma_wait3A_593 = tpu.memref_slice %arg5[%dma_wait3A_592] : memref<51200xi32, #tpu.memory_space<vmem>> -> memref<256xi32, #tpu.memory_space<vmem>>
    %dma_wait3A_594 = arith.constant 0 : i32
    %dma_wait3A_595 = arith.constant 0 : i32
    %dma_wait3A_596 = tpu.memref_slice %arg3[%dma_wait3A_594, %dma_wait3A_595] : memref<1000000x32xf32, #tpu.memory_space<hbm>> -> memref<1000000x32xf32, #tpu.memory_space<hbm>>
    tpu.wait_indirect_dma semaphore(%arg20 : memref<!tpu.dma_semaphore, #tpu.memory_space<semaphore_mem>>) src(%dma_wait3A_596 : memref<1000000x32xf32, #tpu.memory_space<hbm>>) dst(%arg12 : memref<256x32xf32, #tpu.memory_space<vmem>>)
    %add3A_597 = arith.constant 1536 : i32
    %add3A_598 = arith.addi %mul3A_2, %add3A_597 : i32
    %jit3A_599 = arith.constant 16384 : i32
    %div3A_600 = arith.divsi %add3A_598, %jit3A_599 : i32
    %sign3A_601 = arith.constant 0 : i32
    %sign3A_602 = arith.cmpi sgt, %add3A_598, %sign3A_601 : i32
    %sign3A_603 = arith.extui %sign3A_602 : i1 to i32
    %sign3A_604 = arith.constant 0 : i32
    %sign3A_605 = arith.cmpi slt, %add3A_598, %sign3A_604 : i32
    %sign3A_606 = arith.extui %sign3A_605 : i1 to i32
    %sign3A_607 = arith.subi %sign3A_603, %sign3A_606 : i32
    %sign3A_608 = arith.constant 0 : i32
    %sign3A_609 = arith.cmpi sgt, %jit3A_599, %sign3A_608 : i32
    %sign3A_610 = arith.extui %sign3A_609 : i1 to i32
    %sign3A_611 = arith.constant 0 : i32
    %sign3A_612 = arith.cmpi slt, %jit3A_599, %sign3A_611 : i32
    %sign3A_613 = arith.extui %sign3A_612 : i1 to i32
    %sign3A_614 = arith.subi %sign3A_610, %sign3A_613 : i32
    %ne3A_615 = arith.cmpi ne, %sign3A_607, %sign3A_614 : i32
    %rem3A_616 = arith.remsi %add3A_598, %jit3A_599 : i32
    %ne3A_617 = arith.constant 0 : i32
    %ne3A_618 = arith.cmpi ne, %rem3A_616, %ne3A_617 : i32
    %and3A_619 = arith.andi %ne3A_615, %ne3A_618 : i1
    %sub3A_620 = arith.constant 1 : i32
    %sub3A_621 = arith.subi %div3A_600, %sub3A_620 : i32
    %select_n3A_622 = arith.select %and3A_619, %sub3A_621, %div3A_600 : i32
    %jit3A_623 = arith.constant 16384 : i32
    %eq3A_624 = arith.constant 0 : i32
    %eq3A_625 = arith.cmpi eq, %jit3A_623, %eq3A_624 : i32
    %jit3A_626 = arith.constant 1 : i32
    %select_n3A_627 = arith.select %eq3A_625, %jit3A_626, %jit3A_623 : i32
    %rem3A_628 = arith.remsi %add3A_598, %select_n3A_627 : i32
    %ne3A_629 = arith.constant 0 : i32
    %ne3A_630 = arith.cmpi ne, %rem3A_628, %ne3A_629 : i32
    %lt3A_631 = arith.constant 0 : i32
    %lt3A_632 = arith.cmpi slt, %rem3A_628, %lt3A_631 : i32
    %lt3A_633 = arith.constant 0 : i32
    %lt3A_634 = arith.cmpi slt, %select_n3A_627, %lt3A_633 : i32
    %ne3A_635 = arith.xori %lt3A_632, %lt3A_634 : i1
    %and3A_636 = arith.andi %ne3A_635, %ne3A_630 : i1
    %add3A_637 = arith.addi %rem3A_628, %select_n3A_627 : i32
    %select_n3A_638 = arith.select %and3A_636, %add3A_637, %rem3A_628 : i32
    %mul3A_639 = arith.constant 32 : i32
    %mul3A_640 = arith.muli %select_n3A_622, %mul3A_639 : i32
    %dma_start3A_641 = tpu.memref_slice %arg4[%select_n3A_638, %mul3A_640] : memref<16384x3200xf32, #tpu.memory_space<hbm>> -> memref<256x32xf32, #tpu.memory_space<hbm>>
    %dma_start3A_642 = tpu.memref_slice %arg4[%select_n3A_638, %mul3A_640] : memref<16384x3200xf32, #tpu.memory_space<hbm>> -> memref<256x32xf32, #tpu.memory_space<hbm>>
    tpu.enqueue_dma source(%arg12 : memref<256x32xf32, #tpu.memory_space<vmem>>) target(%dma_start3A_642 : memref<256x32xf32, #tpu.memory_space<hbm>>) target_semaphore(%arg28 : memref<!tpu.dma_semaphore, #tpu.memory_space<semaphore_mem>>)
    %add3A_643 = arith.constant 1280 : i32
    %add3A_644 = arith.addi %mul3A_2, %add3A_643 : i32
    %jit3A_645 = arith.constant 16384 : i32
    %div3A_646 = arith.divsi %add3A_644, %jit3A_645 : i32
    %sign3A_647 = arith.constant 0 : i32
    %sign3A_648 = arith.cmpi sgt, %add3A_644, %sign3A_647 : i32
    %sign3A_649 = arith.extui %sign3A_648 : i1 to i32
    %sign3A_650 = arith.constant 0 : i32
    %sign3A_651 = arith.cmpi slt, %add3A_644, %sign3A_650 : i32
    %sign3A_652 = arith.extui %sign3A_651 : i1 to i32
    %sign3A_653 = arith.subi %sign3A_649, %sign3A_652 : i32
    %sign3A_654 = arith.constant 0 : i32
    %sign3A_655 = arith.cmpi sgt, %jit3A_645, %sign3A_654 : i32
    %sign3A_656 = arith.extui %sign3A_655 : i1 to i32
    %sign3A_657 = arith.constant 0 : i32
    %sign3A_658 = arith.cmpi slt, %jit3A_645, %sign3A_657 : i32
    %sign3A_659 = arith.extui %sign3A_658 : i1 to i32
    %sign3A_660 = arith.subi %sign3A_656, %sign3A_659 : i32
    %ne3A_661 = arith.cmpi ne, %sign3A_653, %sign3A_660 : i32
    %rem3A_662 = arith.remsi %add3A_644, %jit3A_645 : i32
    %ne3A_663 = arith.constant 0 : i32
    %ne3A_664 = arith.cmpi ne, %rem3A_662, %ne3A_663 : i32
    %and3A_665 = arith.andi %ne3A_661, %ne3A_664 : i1
    %sub3A_666 = arith.constant 1 : i32
    %sub3A_667 = arith.subi %div3A_646, %sub3A_666 : i32
    %select_n3A_668 = arith.select %and3A_665, %sub3A_667, %div3A_646 : i32
    %jit3A_669 = arith.constant 16384 : i32
    %eq3A_670 = arith.constant 0 : i32
    %eq3A_671 = arith.cmpi eq, %jit3A_669, %eq3A_670 : i32
    %jit3A_672 = arith.constant 1 : i32
    %select_n3A_673 = arith.select %eq3A_671, %jit3A_672, %jit3A_669 : i32
    %rem3A_674 = arith.remsi %add3A_644, %select_n3A_673 : i32
    %ne3A_675 = arith.constant 0 : i32
    %ne3A_676 = arith.cmpi ne, %rem3A_674, %ne3A_675 : i32
    %lt3A_677 = arith.constant 0 : i32
    %lt3A_678 = arith.cmpi slt, %rem3A_674, %lt3A_677 : i32
    %lt3A_679 = arith.constant 0 : i32
    %lt3A_680 = arith.cmpi slt, %select_n3A_673, %lt3A_679 : i32
    %ne3A_681 = arith.xori %lt3A_678, %lt3A_680 : i1
    %and3A_682 = arith.andi %ne3A_681, %ne3A_676 : i1
    %add3A_683 = arith.addi %rem3A_674, %select_n3A_673 : i32
    %select_n3A_684 = arith.select %and3A_682, %add3A_683, %rem3A_674 : i32
    %mul3A_685 = arith.constant 32 : i32
    %mul3A_686 = arith.muli %select_n3A_668, %mul3A_685 : i32
    %dma_wait3A_687 = tpu.memref_slice %arg4[%select_n3A_684, %mul3A_686] : memref<16384x3200xf32, #tpu.memory_space<hbm>> -> memref<256x32xf32, #tpu.memory_space<hbm>>
    %dma_wait3A_688 = tpu.memref_slice %arg4[%select_n3A_684, %mul3A_686] : memref<16384x3200xf32, #tpu.memory_space<hbm>> -> memref<256x32xf32, #tpu.memory_space<hbm>>
    tpu.wait_dma2 semaphore(%arg27 : memref<!tpu.dma_semaphore, #tpu.memory_space<semaphore_mem>>) src(%arg11 : memref<256x32xf32, #tpu.memory_space<vmem>>) dst(%dma_wait3A_688 : memref<256x32xf32, #tpu.memory_space<hbm>>)
    %dma_start3A_689 = arith.constant 3328 : i32
    %dma_start3A_690 = tpu.memref_slice %arg5[%dma_start3A_689] : memref<51200xi32, #tpu.memory_space<vmem>> -> memref<256xi32, #tpu.memory_space<vmem>>
    %dma_start3A_691 = arith.constant 0 : i32
    %dma_start3A_692 = arith.constant 0 : i32
    %dma_start3A_693 = tpu.memref_slice %arg3[%dma_start3A_691, %dma_start3A_692] : memref<1000000x32xf32, #tpu.memory_space<hbm>> -> memref<1000000x32xf32, #tpu.memory_space<hbm>>
    tpu.enqueue_indirect_dma source(%dma_start3A_693 : memref<1000000x32xf32, #tpu.memory_space<hbm>>) target(%arg11 : memref<256x32xf32, #tpu.memory_space<vmem>>) offsets(%dma_start3A_690 : memref<256xi32, #tpu.memory_space<vmem>>) semaphore(%arg19 : memref<!tpu.dma_semaphore, #tpu.memory_space<semaphore_mem>>)
    %dma_wait3A_694 = arith.constant 1792 : i32
    %dma_wait3A_695 = tpu.memref_slice %arg5[%dma_wait3A_694] : memref<51200xi32, #tpu.memory_space<vmem>> -> memref<256xi32, #tpu.memory_space<vmem>>
    %dma_wait3A_696 = arith.constant 0 : i32
    %dma_wait3A_697 = arith.constant 0 : i32
    %dma_wait3A_698 = tpu.memref_slice %arg3[%dma_wait3A_696, %dma_wait3A_697] : memref<1000000x32xf32, #tpu.memory_space<hbm>> -> memref<1000000x32xf32, #tpu.memory_space<hbm>>
    tpu.wait_indirect_dma semaphore(%arg21 : memref<!tpu.dma_semaphore, #tpu.memory_space<semaphore_mem>>) src(%dma_wait3A_698 : memref<1000000x32xf32, #tpu.memory_space<hbm>>) dst(%arg13 : memref<256x32xf32, #tpu.memory_space<vmem>>)
    %add3A_699 = arith.constant 1792 : i32
    %add3A_700 = arith.addi %mul3A_2, %add3A_699 : i32
    %jit3A_701 = arith.constant 16384 : i32
    %div3A_702 = arith.divsi %add3A_700, %jit3A_701 : i32
    %sign3A_703 = arith.constant 0 : i32
    %sign3A_704 = arith.cmpi sgt, %add3A_700, %sign3A_703 : i32
    %sign3A_705 = arith.extui %sign3A_704 : i1 to i32
    %sign3A_706 = arith.constant 0 : i32
    %sign3A_707 = arith.cmpi slt, %add3A_700, %sign3A_706 : i32
    %sign3A_708 = arith.extui %sign3A_707 : i1 to i32
    %sign3A_709 = arith.subi %sign3A_705, %sign3A_708 : i32
    %sign3A_710 = arith.constant 0 : i32
    %sign3A_711 = arith.cmpi sgt, %jit3A_701, %sign3A_710 : i32
    %sign3A_712 = arith.extui %sign3A_711 : i1 to i32
    %sign3A_713 = arith.constant 0 : i32
    %sign3A_714 = arith.cmpi slt, %jit3A_701, %sign3A_713 : i32
    %sign3A_715 = arith.extui %sign3A_714 : i1 to i32
    %sign3A_716 = arith.subi %sign3A_712, %sign3A_715 : i32
    %ne3A_717 = arith.cmpi ne, %sign3A_709, %sign3A_716 : i32
    %rem3A_718 = arith.remsi %add3A_700, %jit3A_701 : i32
    %ne3A_719 = arith.constant 0 : i32
    %ne3A_720 = arith.cmpi ne, %rem3A_718, %ne3A_719 : i32
    %and3A_721 = arith.andi %ne3A_717, %ne3A_720 : i1
    %sub3A_722 = arith.constant 1 : i32
    %sub3A_723 = arith.subi %div3A_702, %sub3A_722 : i32
    %select_n3A_724 = arith.select %and3A_721, %sub3A_723, %div3A_702 : i32
    %jit3A_725 = arith.constant 16384 : i32
    %eq3A_726 = arith.constant 0 : i32
    %eq3A_727 = arith.cmpi eq, %jit3A_725, %eq3A_726 : i32
    %jit3A_728 = arith.constant 1 : i32
    %select_n3A_729 = arith.select %eq3A_727, %jit3A_728, %jit3A_725 : i32
    %rem3A_730 = arith.remsi %add3A_700, %select_n3A_729 : i32
    %ne3A_731 = arith.constant 0 : i32
    %ne3A_732 = arith.cmpi ne, %rem3A_730, %ne3A_731 : i32
    %lt3A_733 = arith.constant 0 : i32
    %lt3A_734 = arith.cmpi slt, %rem3A_730, %lt3A_733 : i32
    %lt3A_735 = arith.constant 0 : i32
    %lt3A_736 = arith.cmpi slt, %select_n3A_729, %lt3A_735 : i32
    %ne3A_737 = arith.xori %lt3A_734, %lt3A_736 : i1
    %and3A_738 = arith.andi %ne3A_737, %ne3A_732 : i1
    %add3A_739 = arith.addi %rem3A_730, %select_n3A_729 : i32
    %select_n3A_740 = arith.select %and3A_738, %add3A_739, %rem3A_730 : i32
    %mul3A_741 = arith.constant 32 : i32
    %mul3A_742 = arith.muli %select_n3A_724, %mul3A_741 : i32
    %dma_start3A_743 = tpu.memref_slice %arg4[%select_n3A_740, %mul3A_742] : memref<16384x3200xf32, #tpu.memory_space<hbm>> -> memref<256x32xf32, #tpu.memory_space<hbm>>
    %dma_start3A_744 = tpu.memref_slice %arg4[%select_n3A_740, %mul3A_742] : memref<16384x3200xf32, #tpu.memory_space<hbm>> -> memref<256x32xf32, #tpu.memory_space<hbm>>
    tpu.enqueue_dma source(%arg13 : memref<256x32xf32, #tpu.memory_space<vmem>>) target(%dma_start3A_744 : memref<256x32xf32, #tpu.memory_space<hbm>>) target_semaphore(%arg29 : memref<!tpu.dma_semaphore, #tpu.memory_space<semaphore_mem>>)
    %scan3A = arith.constant 0 : i32
    %scan3A_745 = arith.constant 1 : i32
    %scan3A_746 = arith.constant 23 : i32
    %scan3A_747 = arith.addi %scan3A_745, %scan3A_746 : i32
    %scan3A_748 = arith.constant 1 : i32
    scf.for %scan3A_1628 = %scan3A_745 to %scan3A_747 step %scan3A_748  : i32 {
      %mul3A_1629 = arith.constant 8 : i32
      %mul3A_1630 = arith.muli %scan3A_1628, %mul3A_1629 : i32
      %add3A_1631 = arith.constant 0 : i32
      %add3A_1632 = arith.addi %mul3A_1630, %add3A_1631 : i32
      %add3A_1633 = arith.constant 6 : i32
      %add3A_1634 = arith.addi %add3A_1632, %add3A_1633 : i32
      %sub3A_1635 = arith.constant 8 : i32
      %sub3A_1636 = arith.subi %add3A_1634, %sub3A_1635 : i32
      %mul3A_1637 = arith.constant 256 : i32
      %mul3A_1638 = arith.muli %sub3A_1636, %mul3A_1637 : i32
      %add3A_1639 = arith.addi %mul3A_2, %mul3A_1638 : i32
      %jit3A_1640 = arith.constant 16384 : i32
      %div3A_1641 = arith.divsi %add3A_1639, %jit3A_1640 : i32
      %sign3A_1642 = arith.constant 0 : i32
      %sign3A_1643 = arith.cmpi sgt, %add3A_1639, %sign3A_1642 : i32
      %sign3A_1644 = arith.extui %sign3A_1643 : i1 to i32
      %sign3A_1645 = arith.constant 0 : i32
      %sign3A_1646 = arith.cmpi slt, %add3A_1639, %sign3A_1645 : i32
      %sign3A_1647 = arith.extui %sign3A_1646 : i1 to i32
      %sign3A_1648 = arith.subi %sign3A_1644, %sign3A_1647 : i32
      %sign3A_1649 = arith.constant 0 : i32
      %sign3A_1650 = arith.cmpi sgt, %jit3A_1640, %sign3A_1649 : i32
      %sign3A_1651 = arith.extui %sign3A_1650 : i1 to i32
      %sign3A_1652 = arith.constant 0 : i32
      %sign3A_1653 = arith.cmpi slt, %jit3A_1640, %sign3A_1652 : i32
      %sign3A_1654 = arith.extui %sign3A_1653 : i1 to i32
      %sign3A_1655 = arith.subi %sign3A_1651, %sign3A_1654 : i32
      %ne3A_1656 = arith.cmpi ne, %sign3A_1648, %sign3A_1655 : i32
      %rem3A_1657 = arith.remsi %add3A_1639, %jit3A_1640 : i32
      %ne3A_1658 = arith.constant 0 : i32
      %ne3A_1659 = arith.cmpi ne, %rem3A_1657, %ne3A_1658 : i32
      %and3A_1660 = arith.andi %ne3A_1656, %ne3A_1659 : i1
      %sub3A_1661 = arith.constant 1 : i32
      %sub3A_1662 = arith.subi %div3A_1641, %sub3A_1661 : i32
      %select_n3A_1663 = arith.select %and3A_1660, %sub3A_1662, %div3A_1641 : i32
      %jit3A_1664 = arith.constant 16384 : i32
      %eq3A_1665 = arith.constant 0 : i32
      %eq3A_1666 = arith.cmpi eq, %jit3A_1664, %eq3A_1665 : i32
      %jit3A_1667 = arith.constant 1 : i32
      %select_n3A_1668 = arith.select %eq3A_1666, %jit3A_1667, %jit3A_1664 : i32
      %rem3A_1669 = arith.remsi %add3A_1639, %select_n3A_1668 : i32
      %ne3A_1670 = arith.constant 0 : i32
      %ne3A_1671 = arith.cmpi ne, %rem3A_1669, %ne3A_1670 : i32
      %lt3A_1672 = arith.constant 0 : i32
      %lt3A_1673 = arith.cmpi slt, %rem3A_1669, %lt3A_1672 : i32
      %lt3A_1674 = arith.constant 0 : i32
      %lt3A_1675 = arith.cmpi slt, %select_n3A_1668, %lt3A_1674 : i32
      %ne3A_1676 = arith.xori %lt3A_1673, %lt3A_1675 : i1
      %and3A_1677 = arith.andi %ne3A_1676, %ne3A_1671 : i1
      %add3A_1678 = arith.addi %rem3A_1669, %select_n3A_1668 : i32
      %select_n3A_1679 = arith.select %and3A_1677, %add3A_1678, %rem3A_1669 : i32
      %mul3A_1680 = arith.constant 32 : i32
      %mul3A_1681 = arith.muli %select_n3A_1663, %mul3A_1680 : i32
      %dma_wait3A_1682 = tpu.memref_slice %arg4[%select_n3A_1679, %mul3A_1681] : memref<16384x3200xf32, #tpu.memory_space<hbm>> -> memref<256x32xf32, #tpu.memory_space<hbm>>
      %dma_wait3A_1683 = tpu.memref_slice %arg4[%select_n3A_1679, %mul3A_1681] : memref<16384x3200xf32, #tpu.memory_space<hbm>> -> memref<256x32xf32, #tpu.memory_space<hbm>>
      tpu.wait_dma2 semaphore(%arg28 : memref<!tpu.dma_semaphore, #tpu.memory_space<semaphore_mem>>) src(%arg12 : memref<256x32xf32, #tpu.memory_space<vmem>>) dst(%dma_wait3A_1683 : memref<256x32xf32, #tpu.memory_space<hbm>>)
      %mul3A_1684 = arith.constant 256 : i32
      %mul3A_1685 = arith.muli %add3A_1634, %mul3A_1684 : i32
      %dma_start3A_1686 = tpu.memref_slice %arg5[%mul3A_1685] : memref<51200xi32, #tpu.memory_space<vmem>> -> memref<256xi32, #tpu.memory_space<vmem>>
      %dma_start3A_1687 = arith.constant 0 : i32
      %dma_start3A_1688 = arith.constant 0 : i32
      %dma_start3A_1689 = tpu.memref_slice %arg3[%dma_start3A_1687, %dma_start3A_1688] : memref<1000000x32xf32, #tpu.memory_space<hbm>> -> memref<1000000x32xf32, #tpu.memory_space<hbm>>
      tpu.enqueue_indirect_dma source(%dma_start3A_1689 : memref<1000000x32xf32, #tpu.memory_space<hbm>>) target(%arg12 : memref<256x32xf32, #tpu.memory_space<vmem>>) offsets(%dma_start3A_1686 : memref<256xi32, #tpu.memory_space<vmem>>) semaphore(%arg20 : memref<!tpu.dma_semaphore, #tpu.memory_space<semaphore_mem>>)
      %mul3A_1690 = arith.constant 256 : i32
      %mul3A_1691 = arith.muli %add3A_1632, %mul3A_1690 : i32
      %dma_wait3A_1692 = tpu.memref_slice %arg5[%mul3A_1691] : memref<51200xi32, #tpu.memory_space<vmem>> -> memref<256xi32, #tpu.memory_space<vmem>>
      %dma_wait3A_1693 = arith.constant 0 : i32
      %dma_wait3A_1694 = arith.constant 0 : i32
      %dma_wait3A_1695 = tpu.memref_slice %arg3[%dma_wait3A_1693, %dma_wait3A_1694] : memref<1000000x32xf32, #tpu.memory_space<hbm>> -> memref<1000000x32xf32, #tpu.memory_space<hbm>>
      tpu.wait_indirect_dma semaphore(%arg14 : memref<!tpu.dma_semaphore, #tpu.memory_space<semaphore_mem>>) src(%dma_wait3A_1695 : memref<1000000x32xf32, #tpu.memory_space<hbm>>) dst(%arg6 : memref<256x32xf32, #tpu.memory_space<vmem>>)
      %mul3A_1696 = arith.constant 256 : i32
      %mul3A_1697 = arith.muli %add3A_1632, %mul3A_1696 : i32
      %add3A_1698 = arith.addi %mul3A_2, %mul3A_1697 : i32
      %jit3A_1699 = arith.constant 16384 : i32
      %div3A_1700 = arith.divsi %add3A_1698, %jit3A_1699 : i32
      %sign3A_1701 = arith.constant 0 : i32
      %sign3A_1702 = arith.cmpi sgt, %add3A_1698, %sign3A_1701 : i32
      %sign3A_1703 = arith.extui %sign3A_1702 : i1 to i32
      %sign3A_1704 = arith.constant 0 : i32
      %sign3A_1705 = arith.cmpi slt, %add3A_1698, %sign3A_1704 : i32
      %sign3A_1706 = arith.extui %sign3A_1705 : i1 to i32
      %sign3A_1707 = arith.subi %sign3A_1703, %sign3A_1706 : i32
      %sign3A_1708 = arith.constant 0 : i32
      %sign3A_1709 = arith.cmpi sgt, %jit3A_1699, %sign3A_1708 : i32
      %sign3A_1710 = arith.extui %sign3A_1709 : i1 to i32
      %sign3A_1711 = arith.constant 0 : i32
      %sign3A_1712 = arith.cmpi slt, %jit3A_1699, %sign3A_1711 : i32
      %sign3A_1713 = arith.extui %sign3A_1712 : i1 to i32
      %sign3A_1714 = arith.subi %sign3A_1710, %sign3A_1713 : i32
      %ne3A_1715 = arith.cmpi ne, %sign3A_1707, %sign3A_1714 : i32
      %rem3A_1716 = arith.remsi %add3A_1698, %jit3A_1699 : i32
      %ne3A_1717 = arith.constant 0 : i32
      %ne3A_1718 = arith.cmpi ne, %rem3A_1716, %ne3A_1717 : i32
      %and3A_1719 = arith.andi %ne3A_1715, %ne3A_1718 : i1
      %sub3A_1720 = arith.constant 1 : i32
      %sub3A_1721 = arith.subi %div3A_1700, %sub3A_1720 : i32
      %select_n3A_1722 = arith.select %and3A_1719, %sub3A_1721, %div3A_1700 : i32
      %jit3A_1723 = arith.constant 16384 : i32
      %eq3A_1724 = arith.constant 0 : i32
      %eq3A_1725 = arith.cmpi eq, %jit3A_1723, %eq3A_1724 : i32
      %jit3A_1726 = arith.constant 1 : i32
      %select_n3A_1727 = arith.select %eq3A_1725, %jit3A_1726, %jit3A_1723 : i32
      %rem3A_1728 = arith.remsi %add3A_1698, %select_n3A_1727 : i32
      %ne3A_1729 = arith.constant 0 : i32
      %ne3A_1730 = arith.cmpi ne, %rem3A_1728, %ne3A_1729 : i32
      %lt3A_1731 = arith.constant 0 : i32
      %lt3A_1732 = arith.cmpi slt, %rem3A_1728, %lt3A_1731 : i32
      %lt3A_1733 = arith.constant 0 : i32
      %lt3A_1734 = arith.cmpi slt, %select_n3A_1727, %lt3A_1733 : i32
      %ne3A_1735 = arith.xori %lt3A_1732, %lt3A_1734 : i1
      %and3A_1736 = arith.andi %ne3A_1735, %ne3A_1730 : i1
      %add3A_1737 = arith.addi %rem3A_1728, %select_n3A_1727 : i32
      %select_n3A_1738 = arith.select %and3A_1736, %add3A_1737, %rem3A_1728 : i32
      %mul3A_1739 = arith.constant 32 : i32
      %mul3A_1740 = arith.muli %select_n3A_1722, %mul3A_1739 : i32
      %dma_start3A_1741 = tpu.memref_slice %arg4[%select_n3A_1738, %mul3A_1740] : memref<16384x3200xf32, #tpu.memory_space<hbm>> -> memref<256x32xf32, #tpu.memory_space<hbm>>
      %dma_start3A_1742 = tpu.memref_slice %arg4[%select_n3A_1738, %mul3A_1740] : memref<16384x3200xf32, #tpu.memory_space<hbm>> -> memref<256x32xf32, #tpu.memory_space<hbm>>
      tpu.enqueue_dma source(%arg6 : memref<256x32xf32, #tpu.memory_space<vmem>>) target(%dma_start3A_1742 : memref<256x32xf32, #tpu.memory_space<hbm>>) target_semaphore(%arg22 : memref<!tpu.dma_semaphore, #tpu.memory_space<semaphore_mem>>)
      %mul3A_1743 = arith.constant 8 : i32
      %mul3A_1744 = arith.muli %scan3A_1628, %mul3A_1743 : i32
      %add3A_1745 = arith.constant 1 : i32
      %add3A_1746 = arith.addi %mul3A_1744, %add3A_1745 : i32
      %add3A_1747 = arith.constant 6 : i32
      %add3A_1748 = arith.addi %add3A_1746, %add3A_1747 : i32
      %sub3A_1749 = arith.constant 8 : i32
      %sub3A_1750 = arith.subi %add3A_1748, %sub3A_1749 : i32
      %mul3A_1751 = arith.constant 256 : i32
      %mul3A_1752 = arith.muli %sub3A_1750, %mul3A_1751 : i32
      %add3A_1753 = arith.addi %mul3A_2, %mul3A_1752 : i32
      %jit3A_1754 = arith.constant 16384 : i32
      %div3A_1755 = arith.divsi %add3A_1753, %jit3A_1754 : i32
      %sign3A_1756 = arith.constant 0 : i32
      %sign3A_1757 = arith.cmpi sgt, %add3A_1753, %sign3A_1756 : i32
      %sign3A_1758 = arith.extui %sign3A_1757 : i1 to i32
      %sign3A_1759 = arith.constant 0 : i32
      %sign3A_1760 = arith.cmpi slt, %add3A_1753, %sign3A_1759 : i32
      %sign3A_1761 = arith.extui %sign3A_1760 : i1 to i32
      %sign3A_1762 = arith.subi %sign3A_1758, %sign3A_1761 : i32
      %sign3A_1763 = arith.constant 0 : i32
      %sign3A_1764 = arith.cmpi sgt, %jit3A_1754, %sign3A_1763 : i32
      %sign3A_1765 = arith.extui %sign3A_1764 : i1 to i32
      %sign3A_1766 = arith.constant 0 : i32
      %sign3A_1767 = arith.cmpi slt, %jit3A_1754, %sign3A_1766 : i32
      %sign3A_1768 = arith.extui %sign3A_1767 : i1 to i32
      %sign3A_1769 = arith.subi %sign3A_1765, %sign3A_1768 : i32
      %ne3A_1770 = arith.cmpi ne, %sign3A_1762, %sign3A_1769 : i32
      %rem3A_1771 = arith.remsi %add3A_1753, %jit3A_1754 : i32
      %ne3A_1772 = arith.constant 0 : i32
      %ne3A_1773 = arith.cmpi ne, %rem3A_1771, %ne3A_1772 : i32
      %and3A_1774 = arith.andi %ne3A_1770, %ne3A_1773 : i1
      %sub3A_1775 = arith.constant 1 : i32
      %sub3A_1776 = arith.subi %div3A_1755, %sub3A_1775 : i32
      %select_n3A_1777 = arith.select %and3A_1774, %sub3A_1776, %div3A_1755 : i32
      %jit3A_1778 = arith.constant 16384 : i32
      %eq3A_1779 = arith.constant 0 : i32
      %eq3A_1780 = arith.cmpi eq, %jit3A_1778, %eq3A_1779 : i32
      %jit3A_1781 = arith.constant 1 : i32
      %select_n3A_1782 = arith.select %eq3A_1780, %jit3A_1781, %jit3A_1778 : i32
      %rem3A_1783 = arith.remsi %add3A_1753, %select_n3A_1782 : i32
      %ne3A_1784 = arith.constant 0 : i32
      %ne3A_1785 = arith.cmpi ne, %rem3A_1783, %ne3A_1784 : i32
      %lt3A_1786 = arith.constant 0 : i32
      %lt3A_1787 = arith.cmpi slt, %rem3A_1783, %lt3A_1786 : i32
      %lt3A_1788 = arith.constant 0 : i32
      %lt3A_1789 = arith.cmpi slt, %select_n3A_1782, %lt3A_1788 : i32
      %ne3A_1790 = arith.xori %lt3A_1787, %lt3A_1789 : i1
      %and3A_1791 = arith.andi %ne3A_1790, %ne3A_1785 : i1
      %add3A_1792 = arith.addi %rem3A_1783, %select_n3A_1782 : i32
      %select_n3A_1793 = arith.select %and3A_1791, %add3A_1792, %rem3A_1783 : i32
      %mul3A_1794 = arith.constant 32 : i32
      %mul3A_1795 = arith.muli %select_n3A_1777, %mul3A_1794 : i32
      %dma_wait3A_1796 = tpu.memref_slice %arg4[%select_n3A_1793, %mul3A_1795] : memref<16384x3200xf32, #tpu.memory_space<hbm>> -> memref<256x32xf32, #tpu.memory_space<hbm>>
      %dma_wait3A_1797 = tpu.memref_slice %arg4[%select_n3A_1793, %mul3A_1795] : memref<16384x3200xf32, #tpu.memory_space<hbm>> -> memref<256x32xf32, #tpu.memory_space<hbm>>
      tpu.wait_dma2 semaphore(%arg29 : memref<!tpu.dma_semaphore, #tpu.memory_space<semaphore_mem>>) src(%arg13 : memref<256x32xf32, #tpu.memory_space<vmem>>) dst(%dma_wait3A_1797 : memref<256x32xf32, #tpu.memory_space<hbm>>)
      %mul3A_1798 = arith.constant 256 : i32
      %mul3A_1799 = arith.muli %add3A_1748, %mul3A_1798 : i32
      %dma_start3A_1800 = tpu.memref_slice %arg5[%mul3A_1799] : memref<51200xi32, #tpu.memory_space<vmem>> -> memref<256xi32, #tpu.memory_space<vmem>>
      %dma_start3A_1801 = arith.constant 0 : i32
      %dma_start3A_1802 = arith.constant 0 : i32
      %dma_start3A_1803 = tpu.memref_slice %arg3[%dma_start3A_1801, %dma_start3A_1802] : memref<1000000x32xf32, #tpu.memory_space<hbm>> -> memref<1000000x32xf32, #tpu.memory_space<hbm>>
      tpu.enqueue_indirect_dma source(%dma_start3A_1803 : memref<1000000x32xf32, #tpu.memory_space<hbm>>) target(%arg13 : memref<256x32xf32, #tpu.memory_space<vmem>>) offsets(%dma_start3A_1800 : memref<256xi32, #tpu.memory_space<vmem>>) semaphore(%arg21 : memref<!tpu.dma_semaphore, #tpu.memory_space<semaphore_mem>>)
      %mul3A_1804 = arith.constant 256 : i32
      %mul3A_1805 = arith.muli %add3A_1746, %mul3A_1804 : i32
      %dma_wait3A_1806 = tpu.memref_slice %arg5[%mul3A_1805] : memref<51200xi32, #tpu.memory_space<vmem>> -> memref<256xi32, #tpu.memory_space<vmem>>
      %dma_wait3A_1807 = arith.constant 0 : i32
      %dma_wait3A_1808 = arith.constant 0 : i32
      %dma_wait3A_1809 = tpu.memref_slice %arg3[%dma_wait3A_1807, %dma_wait3A_1808] : memref<1000000x32xf32, #tpu.memory_space<hbm>> -> memref<1000000x32xf32, #tpu.memory_space<hbm>>
      tpu.wait_indirect_dma semaphore(%arg15 : memref<!tpu.dma_semaphore, #tpu.memory_space<semaphore_mem>>) src(%dma_wait3A_1809 : memref<1000000x32xf32, #tpu.memory_space<hbm>>) dst(%arg7 : memref<256x32xf32, #tpu.memory_space<vmem>>)
      %mul3A_1810 = arith.constant 256 : i32
      %mul3A_1811 = arith.muli %add3A_1746, %mul3A_1810 : i32
      %add3A_1812 = arith.addi %mul3A_2, %mul3A_1811 : i32
      %jit3A_1813 = arith.constant 16384 : i32
      %div3A_1814 = arith.divsi %add3A_1812, %jit3A_1813 : i32
      %sign3A_1815 = arith.constant 0 : i32
      %sign3A_1816 = arith.cmpi sgt, %add3A_1812, %sign3A_1815 : i32
      %sign3A_1817 = arith.extui %sign3A_1816 : i1 to i32
      %sign3A_1818 = arith.constant 0 : i32
      %sign3A_1819 = arith.cmpi slt, %add3A_1812, %sign3A_1818 : i32
      %sign3A_1820 = arith.extui %sign3A_1819 : i1 to i32
      %sign3A_1821 = arith.subi %sign3A_1817, %sign3A_1820 : i32
      %sign3A_1822 = arith.constant 0 : i32
      %sign3A_1823 = arith.cmpi sgt, %jit3A_1813, %sign3A_1822 : i32
      %sign3A_1824 = arith.extui %sign3A_1823 : i1 to i32
      %sign3A_1825 = arith.constant 0 : i32
      %sign3A_1826 = arith.cmpi slt, %jit3A_1813, %sign3A_1825 : i32
      %sign3A_1827 = arith.extui %sign3A_1826 : i1 to i32
      %sign3A_1828 = arith.subi %sign3A_1824, %sign3A_1827 : i32
      %ne3A_1829 = arith.cmpi ne, %sign3A_1821, %sign3A_1828 : i32
      %rem3A_1830 = arith.remsi %add3A_1812, %jit3A_1813 : i32
      %ne3A_1831 = arith.constant 0 : i32
      %ne3A_1832 = arith.cmpi ne, %rem3A_1830, %ne3A_1831 : i32
      %and3A_1833 = arith.andi %ne3A_1829, %ne3A_1832 : i1
      %sub3A_1834 = arith.constant 1 : i32
      %sub3A_1835 = arith.subi %div3A_1814, %sub3A_1834 : i32
      %select_n3A_1836 = arith.select %and3A_1833, %sub3A_1835, %div3A_1814 : i32
      %jit3A_1837 = arith.constant 16384 : i32
      %eq3A_1838 = arith.constant 0 : i32
      %eq3A_1839 = arith.cmpi eq, %jit3A_1837, %eq3A_1838 : i32
      %jit3A_1840 = arith.constant 1 : i32
      %select_n3A_1841 = arith.select %eq3A_1839, %jit3A_1840, %jit3A_1837 : i32
      %rem3A_1842 = arith.remsi %add3A_1812, %select_n3A_1841 : i32
      %ne3A_1843 = arith.constant 0 : i32
      %ne3A_1844 = arith.cmpi ne, %rem3A_1842, %ne3A_1843 : i32
      %lt3A_1845 = arith.constant 0 : i32
      %lt3A_1846 = arith.cmpi slt, %rem3A_1842, %lt3A_1845 : i32
      %lt3A_1847 = arith.constant 0 : i32
      %lt3A_1848 = arith.cmpi slt, %select_n3A_1841, %lt3A_1847 : i32
      %ne3A_1849 = arith.xori %lt3A_1846, %lt3A_1848 : i1
      %and3A_1850 = arith.andi %ne3A_1849, %ne3A_1844 : i1
      %add3A_1851 = arith.addi %rem3A_1842, %select_n3A_1841 : i32
      %select_n3A_1852 = arith.select %and3A_1850, %add3A_1851, %rem3A_1842 : i32
      %mul3A_1853 = arith.constant 32 : i32
      %mul3A_1854 = arith.muli %select_n3A_1836, %mul3A_1853 : i32
      %dma_start3A_1855 = tpu.memref_slice %arg4[%select_n3A_1852, %mul3A_1854] : memref<16384x3200xf32, #tpu.memory_space<hbm>> -> memref<256x32xf32, #tpu.memory_space<hbm>>
      %dma_start3A_1856 = tpu.memref_slice %arg4[%select_n3A_1852, %mul3A_1854] : memref<16384x3200xf32, #tpu.memory_space<hbm>> -> memref<256x32xf32, #tpu.memory_space<hbm>>
      tpu.enqueue_dma source(%arg7 : memref<256x32xf32, #tpu.memory_space<vmem>>) target(%dma_start3A_1856 : memref<256x32xf32, #tpu.memory_space<hbm>>) target_semaphore(%arg23 : memref<!tpu.dma_semaphore, #tpu.memory_space<semaphore_mem>>)
      %mul3A_1857 = arith.constant 8 : i32
      %mul3A_1858 = arith.muli %scan3A_1628, %mul3A_1857 : i32
      %add3A_1859 = arith.constant 2 : i32
      %add3A_1860 = arith.addi %mul3A_1858, %add3A_1859 : i32
      %add3A_1861 = arith.constant 6 : i32
      %add3A_1862 = arith.addi %add3A_1860, %add3A_1861 : i32
      %sub3A_1863 = arith.constant 8 : i32
      %sub3A_1864 = arith.subi %add3A_1862, %sub3A_1863 : i32
      %mul3A_1865 = arith.constant 256 : i32
      %mul3A_1866 = arith.muli %sub3A_1864, %mul3A_1865 : i32
      %add3A_1867 = arith.addi %mul3A_2, %mul3A_1866 : i32
      %jit3A_1868 = arith.constant 16384 : i32
      %div3A_1869 = arith.divsi %add3A_1867, %jit3A_1868 : i32
      %sign3A_1870 = arith.constant 0 : i32
      %sign3A_1871 = arith.cmpi sgt, %add3A_1867, %sign3A_1870 : i32
      %sign3A_1872 = arith.extui %sign3A_1871 : i1 to i32
      %sign3A_1873 = arith.constant 0 : i32
      %sign3A_1874 = arith.cmpi slt, %add3A_1867, %sign3A_1873 : i32
      %sign3A_1875 = arith.extui %sign3A_1874 : i1 to i32
      %sign3A_1876 = arith.subi %sign3A_1872, %sign3A_1875 : i32
      %sign3A_1877 = arith.constant 0 : i32
      %sign3A_1878 = arith.cmpi sgt, %jit3A_1868, %sign3A_1877 : i32
      %sign3A_1879 = arith.extui %sign3A_1878 : i1 to i32
      %sign3A_1880 = arith.constant 0 : i32
      %sign3A_1881 = arith.cmpi slt, %jit3A_1868, %sign3A_1880 : i32
      %sign3A_1882 = arith.extui %sign3A_1881 : i1 to i32
      %sign3A_1883 = arith.subi %sign3A_1879, %sign3A_1882 : i32
      %ne3A_1884 = arith.cmpi ne, %sign3A_1876, %sign3A_1883 : i32
      %rem3A_1885 = arith.remsi %add3A_1867, %jit3A_1868 : i32
      %ne3A_1886 = arith.constant 0 : i32
      %ne3A_1887 = arith.cmpi ne, %rem3A_1885, %ne3A_1886 : i32
      %and3A_1888 = arith.andi %ne3A_1884, %ne3A_1887 : i1
      %sub3A_1889 = arith.constant 1 : i32
      %sub3A_1890 = arith.subi %div3A_1869, %sub3A_1889 : i32
      %select_n3A_1891 = arith.select %and3A_1888, %sub3A_1890, %div3A_1869 : i32
      %jit3A_1892 = arith.constant 16384 : i32
      %eq3A_1893 = arith.constant 0 : i32
      %eq3A_1894 = arith.cmpi eq, %jit3A_1892, %eq3A_1893 : i32
      %jit3A_1895 = arith.constant 1 : i32
      %select_n3A_1896 = arith.select %eq3A_1894, %jit3A_1895, %jit3A_1892 : i32
      %rem3A_1897 = arith.remsi %add3A_1867, %select_n3A_1896 : i32
      %ne3A_1898 = arith.constant 0 : i32
      %ne3A_1899 = arith.cmpi ne, %rem3A_1897, %ne3A_1898 : i32
      %lt3A_1900 = arith.constant 0 : i32
      %lt3A_1901 = arith.cmpi slt, %rem3A_1897, %lt3A_1900 : i32
      %lt3A_1902 = arith.constant 0 : i32
      %lt3A_1903 = arith.cmpi slt, %select_n3A_1896, %lt3A_1902 : i32
      %ne3A_1904 = arith.xori %lt3A_1901, %lt3A_1903 : i1
      %and3A_1905 = arith.andi %ne3A_1904, %ne3A_1899 : i1
      %add3A_1906 = arith.addi %rem3A_1897, %select_n3A_1896 : i32
      %select_n3A_1907 = arith.select %and3A_1905, %add3A_1906, %rem3A_1897 : i32
      %mul3A_1908 = arith.constant 32 : i32
      %mul3A_1909 = arith.muli %select_n3A_1891, %mul3A_1908 : i32
      %dma_wait3A_1910 = tpu.memref_slice %arg4[%select_n3A_1907, %mul3A_1909] : memref<16384x3200xf32, #tpu.memory_space<hbm>> -> memref<256x32xf32, #tpu.memory_space<hbm>>
      %dma_wait3A_1911 = tpu.memref_slice %arg4[%select_n3A_1907, %mul3A_1909] : memref<16384x3200xf32, #tpu.memory_space<hbm>> -> memref<256x32xf32, #tpu.memory_space<hbm>>
      tpu.wait_dma2 semaphore(%arg22 : memref<!tpu.dma_semaphore, #tpu.memory_space<semaphore_mem>>) src(%arg6 : memref<256x32xf32, #tpu.memory_space<vmem>>) dst(%dma_wait3A_1911 : memref<256x32xf32, #tpu.memory_space<hbm>>)
      %mul3A_1912 = arith.constant 256 : i32
      %mul3A_1913 = arith.muli %add3A_1862, %mul3A_1912 : i32
      %dma_start3A_1914 = tpu.memref_slice %arg5[%mul3A_1913] : memref<51200xi32, #tpu.memory_space<vmem>> -> memref<256xi32, #tpu.memory_space<vmem>>
      %dma_start3A_1915 = arith.constant 0 : i32
      %dma_start3A_1916 = arith.constant 0 : i32
      %dma_start3A_1917 = tpu.memref_slice %arg3[%dma_start3A_1915, %dma_start3A_1916] : memref<1000000x32xf32, #tpu.memory_space<hbm>> -> memref<1000000x32xf32, #tpu.memory_space<hbm>>
      tpu.enqueue_indirect_dma source(%dma_start3A_1917 : memref<1000000x32xf32, #tpu.memory_space<hbm>>) target(%arg6 : memref<256x32xf32, #tpu.memory_space<vmem>>) offsets(%dma_start3A_1914 : memref<256xi32, #tpu.memory_space<vmem>>) semaphore(%arg14 : memref<!tpu.dma_semaphore, #tpu.memory_space<semaphore_mem>>)
      %mul3A_1918 = arith.constant 256 : i32
      %mul3A_1919 = arith.muli %add3A_1860, %mul3A_1918 : i32
      %dma_wait3A_1920 = tpu.memref_slice %arg5[%mul3A_1919] : memref<51200xi32, #tpu.memory_space<vmem>> -> memref<256xi32, #tpu.memory_space<vmem>>
      %dma_wait3A_1921 = arith.constant 0 : i32
      %dma_wait3A_1922 = arith.constant 0 : i32
      %dma_wait3A_1923 = tpu.memref_slice %arg3[%dma_wait3A_1921, %dma_wait3A_1922] : memref<1000000x32xf32, #tpu.memory_space<hbm>> -> memref<1000000x32xf32, #tpu.memory_space<hbm>>
      tpu.wait_indirect_dma semaphore(%arg16 : memref<!tpu.dma_semaphore, #tpu.memory_space<semaphore_mem>>) src(%dma_wait3A_1923 : memref<1000000x32xf32, #tpu.memory_space<hbm>>) dst(%arg8 : memref<256x32xf32, #tpu.memory_space<vmem>>)
      %mul3A_1924 = arith.constant 256 : i32
      %mul3A_1925 = arith.muli %add3A_1860, %mul3A_1924 : i32
      %add3A_1926 = arith.addi %mul3A_2, %mul3A_1925 : i32
      %jit3A_1927 = arith.constant 16384 : i32
      %div3A_1928 = arith.divsi %add3A_1926, %jit3A_1927 : i32
      %sign3A_1929 = arith.constant 0 : i32
      %sign3A_1930 = arith.cmpi sgt, %add3A_1926, %sign3A_1929 : i32
      %sign3A_1931 = arith.extui %sign3A_1930 : i1 to i32
      %sign3A_1932 = arith.constant 0 : i32
      %sign3A_1933 = arith.cmpi slt, %add3A_1926, %sign3A_1932 : i32
      %sign3A_1934 = arith.extui %sign3A_1933 : i1 to i32
      %sign3A_1935 = arith.subi %sign3A_1931, %sign3A_1934 : i32
      %sign3A_1936 = arith.constant 0 : i32
      %sign3A_1937 = arith.cmpi sgt, %jit3A_1927, %sign3A_1936 : i32
      %sign3A_1938 = arith.extui %sign3A_1937 : i1 to i32
      %sign3A_1939 = arith.constant 0 : i32
      %sign3A_1940 = arith.cmpi slt, %jit3A_1927, %sign3A_1939 : i32
      %sign3A_1941 = arith.extui %sign3A_1940 : i1 to i32
      %sign3A_1942 = arith.subi %sign3A_1938, %sign3A_1941 : i32
      %ne3A_1943 = arith.cmpi ne, %sign3A_1935, %sign3A_1942 : i32
      %rem3A_1944 = arith.remsi %add3A_1926, %jit3A_1927 : i32
      %ne3A_1945 = arith.constant 0 : i32
      %ne3A_1946 = arith.cmpi ne, %rem3A_1944, %ne3A_1945 : i32
      %and3A_1947 = arith.andi %ne3A_1943, %ne3A_1946 : i1
      %sub3A_1948 = arith.constant 1 : i32
      %sub3A_1949 = arith.subi %div3A_1928, %sub3A_1948 : i32
      %select_n3A_1950 = arith.select %and3A_1947, %sub3A_1949, %div3A_1928 : i32
      %jit3A_1951 = arith.constant 16384 : i32
      %eq3A_1952 = arith.constant 0 : i32
      %eq3A_1953 = arith.cmpi eq, %jit3A_1951, %eq3A_1952 : i32
      %jit3A_1954 = arith.constant 1 : i32
      %select_n3A_1955 = arith.select %eq3A_1953, %jit3A_1954, %jit3A_1951 : i32
      %rem3A_1956 = arith.remsi %add3A_1926, %select_n3A_1955 : i32
      %ne3A_1957 = arith.constant 0 : i32
      %ne3A_1958 = arith.cmpi ne, %rem3A_1956, %ne3A_1957 : i32
      %lt3A_1959 = arith.constant 0 : i32
      %lt3A_1960 = arith.cmpi slt, %rem3A_1956, %lt3A_1959 : i32
      %lt3A_1961 = arith.constant 0 : i32
      %lt3A_1962 = arith.cmpi slt, %select_n3A_1955, %lt3A_1961 : i32
      %ne3A_1963 = arith.xori %lt3A_1960, %lt3A_1962 : i1
      %and3A_1964 = arith.andi %ne3A_1963, %ne3A_1958 : i1
      %add3A_1965 = arith.addi %rem3A_1956, %select_n3A_1955 : i32
      %select_n3A_1966 = arith.select %and3A_1964, %add3A_1965, %rem3A_1956 : i32
      %mul3A_1967 = arith.constant 32 : i32
      %mul3A_1968 = arith.muli %select_n3A_1950, %mul3A_1967 : i32
      %dma_start3A_1969 = tpu.memref_slice %arg4[%select_n3A_1966, %mul3A_1968] : memref<16384x3200xf32, #tpu.memory_space<hbm>> -> memref<256x32xf32, #tpu.memory_space<hbm>>
      %dma_start3A_1970 = tpu.memref_slice %arg4[%select_n3A_1966, %mul3A_1968] : memref<16384x3200xf32, #tpu.memory_space<hbm>> -> memref<256x32xf32, #tpu.memory_space<hbm>>
      tpu.enqueue_dma source(%arg8 : memref<256x32xf32, #tpu.memory_space<vmem>>) target(%dma_start3A_1970 : memref<256x32xf32, #tpu.memory_space<hbm>>) target_semaphore(%arg24 : memref<!tpu.dma_semaphore, #tpu.memory_space<semaphore_mem>>)
      %mul3A_1971 = arith.constant 8 : i32
      %mul3A_1972 = arith.muli %scan3A_1628, %mul3A_1971 : i32
      %add3A_1973 = arith.constant 3 : i32
      %add3A_1974 = arith.addi %mul3A_1972, %add3A_1973 : i32
      %add3A_1975 = arith.constant 6 : i32
      %add3A_1976 = arith.addi %add3A_1974, %add3A_1975 : i32
      %sub3A_1977 = arith.constant 8 : i32
      %sub3A_1978 = arith.subi %add3A_1976, %sub3A_1977 : i32
      %mul3A_1979 = arith.constant 256 : i32
      %mul3A_1980 = arith.muli %sub3A_1978, %mul3A_1979 : i32
      %add3A_1981 = arith.addi %mul3A_2, %mul3A_1980 : i32
      %jit3A_1982 = arith.constant 16384 : i32
      %div3A_1983 = arith.divsi %add3A_1981, %jit3A_1982 : i32
      %sign3A_1984 = arith.constant 0 : i32
      %sign3A_1985 = arith.cmpi sgt, %add3A_1981, %sign3A_1984 : i32
      %sign3A_1986 = arith.extui %sign3A_1985 : i1 to i32
      %sign3A_1987 = arith.constant 0 : i32
      %sign3A_1988 = arith.cmpi slt, %add3A_1981, %sign3A_1987 : i32
      %sign3A_1989 = arith.extui %sign3A_1988 : i1 to i32
      %sign3A_1990 = arith.subi %sign3A_1986, %sign3A_1989 : i32
      %sign3A_1991 = arith.constant 0 : i32
      %sign3A_1992 = arith.cmpi sgt, %jit3A_1982, %sign3A_1991 : i32
      %sign3A_1993 = arith.extui %sign3A_1992 : i1 to i32
      %sign3A_1994 = arith.constant 0 : i32
      %sign3A_1995 = arith.cmpi slt, %jit3A_1982, %sign3A_1994 : i32
      %sign3A_1996 = arith.extui %sign3A_1995 : i1 to i32
      %sign3A_1997 = arith.subi %sign3A_1993, %sign3A_1996 : i32
      %ne3A_1998 = arith.cmpi ne, %sign3A_1990, %sign3A_1997 : i32
      %rem3A_1999 = arith.remsi %add3A_1981, %jit3A_1982 : i32
      %ne3A_2000 = arith.constant 0 : i32
      %ne3A_2001 = arith.cmpi ne, %rem3A_1999, %ne3A_2000 : i32
      %and3A_2002 = arith.andi %ne3A_1998, %ne3A_2001 : i1
      %sub3A_2003 = arith.constant 1 : i32
      %sub3A_2004 = arith.subi %div3A_1983, %sub3A_2003 : i32
      %select_n3A_2005 = arith.select %and3A_2002, %sub3A_2004, %div3A_1983 : i32
      %jit3A_2006 = arith.constant 16384 : i32
      %eq3A_2007 = arith.constant 0 : i32
      %eq3A_2008 = arith.cmpi eq, %jit3A_2006, %eq3A_2007 : i32
      %jit3A_2009 = arith.constant 1 : i32
      %select_n3A_2010 = arith.select %eq3A_2008, %jit3A_2009, %jit3A_2006 : i32
      %rem3A_2011 = arith.remsi %add3A_1981, %select_n3A_2010 : i32
      %ne3A_2012 = arith.constant 0 : i32
      %ne3A_2013 = arith.cmpi ne, %rem3A_2011, %ne3A_2012 : i32
      %lt3A_2014 = arith.constant 0 : i32
      %lt3A_2015 = arith.cmpi slt, %rem3A_2011, %lt3A_2014 : i32
      %lt3A_2016 = arith.constant 0 : i32
      %lt3A_2017 = arith.cmpi slt, %select_n3A_2010, %lt3A_2016 : i32
      %ne3A_2018 = arith.xori %lt3A_2015, %lt3A_2017 : i1
      %and3A_2019 = arith.andi %ne3A_2018, %ne3A_2013 : i1
      %add3A_2020 = arith.addi %rem3A_2011, %select_n3A_2010 : i32
      %select_n3A_2021 = arith.select %and3A_2019, %add3A_2020, %rem3A_2011 : i32
      %mul3A_2022 = arith.constant 32 : i32
      %mul3A_2023 = arith.muli %select_n3A_2005, %mul3A_2022 : i32
      %dma_wait3A_2024 = tpu.memref_slice %arg4[%select_n3A_2021, %mul3A_2023] : memref<16384x3200xf32, #tpu.memory_space<hbm>> -> memref<256x32xf32, #tpu.memory_space<hbm>>
      %dma_wait3A_2025 = tpu.memref_slice %arg4[%select_n3A_2021, %mul3A_2023] : memref<16384x3200xf32, #tpu.memory_space<hbm>> -> memref<256x32xf32, #tpu.memory_space<hbm>>
      tpu.wait_dma2 semaphore(%arg23 : memref<!tpu.dma_semaphore, #tpu.memory_space<semaphore_mem>>) src(%arg7 : memref<256x32xf32, #tpu.memory_space<vmem>>) dst(%dma_wait3A_2025 : memref<256x32xf32, #tpu.memory_space<hbm>>)
      %mul3A_2026 = arith.constant 256 : i32
      %mul3A_2027 = arith.muli %add3A_1976, %mul3A_2026 : i32
      %dma_start3A_2028 = tpu.memref_slice %arg5[%mul3A_2027] : memref<51200xi32, #tpu.memory_space<vmem>> -> memref<256xi32, #tpu.memory_space<vmem>>
      %dma_start3A_2029 = arith.constant 0 : i32
      %dma_start3A_2030 = arith.constant 0 : i32
      %dma_start3A_2031 = tpu.memref_slice %arg3[%dma_start3A_2029, %dma_start3A_2030] : memref<1000000x32xf32, #tpu.memory_space<hbm>> -> memref<1000000x32xf32, #tpu.memory_space<hbm>>
      tpu.enqueue_indirect_dma source(%dma_start3A_2031 : memref<1000000x32xf32, #tpu.memory_space<hbm>>) target(%arg7 : memref<256x32xf32, #tpu.memory_space<vmem>>) offsets(%dma_start3A_2028 : memref<256xi32, #tpu.memory_space<vmem>>) semaphore(%arg15 : memref<!tpu.dma_semaphore, #tpu.memory_space<semaphore_mem>>)
      %mul3A_2032 = arith.constant 256 : i32
      %mul3A_2033 = arith.muli %add3A_1974, %mul3A_2032 : i32
      %dma_wait3A_2034 = tpu.memref_slice %arg5[%mul3A_2033] : memref<51200xi32, #tpu.memory_space<vmem>> -> memref<256xi32, #tpu.memory_space<vmem>>
      %dma_wait3A_2035 = arith.constant 0 : i32
      %dma_wait3A_2036 = arith.constant 0 : i32
      %dma_wait3A_2037 = tpu.memref_slice %arg3[%dma_wait3A_2035, %dma_wait3A_2036] : memref<1000000x32xf32, #tpu.memory_space<hbm>> -> memref<1000000x32xf32, #tpu.memory_space<hbm>>
      tpu.wait_indirect_dma semaphore(%arg17 : memref<!tpu.dma_semaphore, #tpu.memory_space<semaphore_mem>>) src(%dma_wait3A_2037 : memref<1000000x32xf32, #tpu.memory_space<hbm>>) dst(%arg9 : memref<256x32xf32, #tpu.memory_space<vmem>>)
      %mul3A_2038 = arith.constant 256 : i32
      %mul3A_2039 = arith.muli %add3A_1974, %mul3A_2038 : i32
      %add3A_2040 = arith.addi %mul3A_2, %mul3A_2039 : i32
      %jit3A_2041 = arith.constant 16384 : i32
      %div3A_2042 = arith.divsi %add3A_2040, %jit3A_2041 : i32
      %sign3A_2043 = arith.constant 0 : i32
      %sign3A_2044 = arith.cmpi sgt, %add3A_2040, %sign3A_2043 : i32
      %sign3A_2045 = arith.extui %sign3A_2044 : i1 to i32
      %sign3A_2046 = arith.constant 0 : i32
      %sign3A_2047 = arith.cmpi slt, %add3A_2040, %sign3A_2046 : i32
      %sign3A_2048 = arith.extui %sign3A_2047 : i1 to i32
      %sign3A_2049 = arith.subi %sign3A_2045, %sign3A_2048 : i32
      %sign3A_2050 = arith.constant 0 : i32
      %sign3A_2051 = arith.cmpi sgt, %jit3A_2041, %sign3A_2050 : i32
      %sign3A_2052 = arith.extui %sign3A_2051 : i1 to i32
      %sign3A_2053 = arith.constant 0 : i32
      %sign3A_2054 = arith.cmpi slt, %jit3A_2041, %sign3A_2053 : i32
      %sign3A_2055 = arith.extui %sign3A_2054 : i1 to i32
      %sign3A_2056 = arith.subi %sign3A_2052, %sign3A_2055 : i32
      %ne3A_2057 = arith.cmpi ne, %sign3A_2049, %sign3A_2056 : i32
      %rem3A_2058 = arith.remsi %add3A_2040, %jit3A_2041 : i32
      %ne3A_2059 = arith.constant 0 : i32
      %ne3A_2060 = arith.cmpi ne, %rem3A_2058, %ne3A_2059 : i32
      %and3A_2061 = arith.andi %ne3A_2057, %ne3A_2060 : i1
      %sub3A_2062 = arith.constant 1 : i32
      %sub3A_2063 = arith.subi %div3A_2042, %sub3A_2062 : i32
      %select_n3A_2064 = arith.select %and3A_2061, %sub3A_2063, %div3A_2042 : i32
      %jit3A_2065 = arith.constant 16384 : i32
      %eq3A_2066 = arith.constant 0 : i32
      %eq3A_2067 = arith.cmpi eq, %jit3A_2065, %eq3A_2066 : i32
      %jit3A_2068 = arith.constant 1 : i32
      %select_n3A_2069 = arith.select %eq3A_2067, %jit3A_2068, %jit3A_2065 : i32
      %rem3A_2070 = arith.remsi %add3A_2040, %select_n3A_2069 : i32
      %ne3A_2071 = arith.constant 0 : i32
      %ne3A_2072 = arith.cmpi ne, %rem3A_2070, %ne3A_2071 : i32
      %lt3A_2073 = arith.constant 0 : i32
      %lt3A_2074 = arith.cmpi slt, %rem3A_2070, %lt3A_2073 : i32
      %lt3A_2075 = arith.constant 0 : i32
      %lt3A_2076 = arith.cmpi slt, %select_n3A_2069, %lt3A_2075 : i32
      %ne3A_2077 = arith.xori %lt3A_2074, %lt3A_2076 : i1
      %and3A_2078 = arith.andi %ne3A_2077, %ne3A_2072 : i1
      %add3A_2079 = arith.addi %rem3A_2070, %select_n3A_2069 : i32
      %select_n3A_2080 = arith.select %and3A_2078, %add3A_2079, %rem3A_2070 : i32
      %mul3A_2081 = arith.constant 32 : i32
      %mul3A_2082 = arith.muli %select_n3A_2064, %mul3A_2081 : i32
      %dma_start3A_2083 = tpu.memref_slice %arg4[%select_n3A_2080, %mul3A_2082] : memref<16384x3200xf32, #tpu.memory_space<hbm>> -> memref<256x32xf32, #tpu.memory_space<hbm>>
      %dma_start3A_2084 = tpu.memref_slice %arg4[%select_n3A_2080, %mul3A_2082] : memref<16384x3200xf32, #tpu.memory_space<hbm>> -> memref<256x32xf32, #tpu.memory_space<hbm>>
      tpu.enqueue_dma source(%arg9 : memref<256x32xf32, #tpu.memory_space<vmem>>) target(%dma_start3A_2084 : memref<256x32xf32, #tpu.memory_space<hbm>>) target_semaphore(%arg25 : memref<!tpu.dma_semaphore, #tpu.memory_space<semaphore_mem>>)
      %mul3A_2085 = arith.constant 8 : i32
      %mul3A_2086 = arith.muli %scan3A_1628, %mul3A_2085 : i32
      %add3A_2087 = arith.constant 4 : i32
      %add3A_2088 = arith.addi %mul3A_2086, %add3A_2087 : i32
      %add3A_2089 = arith.constant 6 : i32
      %add3A_2090 = arith.addi %add3A_2088, %add3A_2089 : i32
      %sub3A_2091 = arith.constant 8 : i32
      %sub3A_2092 = arith.subi %add3A_2090, %sub3A_2091 : i32
      %mul3A_2093 = arith.constant 256 : i32
      %mul3A_2094 = arith.muli %sub3A_2092, %mul3A_2093 : i32
      %add3A_2095 = arith.addi %mul3A_2, %mul3A_2094 : i32
      %jit3A_2096 = arith.constant 16384 : i32
      %div3A_2097 = arith.divsi %add3A_2095, %jit3A_2096 : i32
      %sign3A_2098 = arith.constant 0 : i32
      %sign3A_2099 = arith.cmpi sgt, %add3A_2095, %sign3A_2098 : i32
      %sign3A_2100 = arith.extui %sign3A_2099 : i1 to i32
      %sign3A_2101 = arith.constant 0 : i32
      %sign3A_2102 = arith.cmpi slt, %add3A_2095, %sign3A_2101 : i32
      %sign3A_2103 = arith.extui %sign3A_2102 : i1 to i32
      %sign3A_2104 = arith.subi %sign3A_2100, %sign3A_2103 : i32
      %sign3A_2105 = arith.constant 0 : i32
      %sign3A_2106 = arith.cmpi sgt, %jit3A_2096, %sign3A_2105 : i32
      %sign3A_2107 = arith.extui %sign3A_2106 : i1 to i32
      %sign3A_2108 = arith.constant 0 : i32
      %sign3A_2109 = arith.cmpi slt, %jit3A_2096, %sign3A_2108 : i32
      %sign3A_2110 = arith.extui %sign3A_2109 : i1 to i32
      %sign3A_2111 = arith.subi %sign3A_2107, %sign3A_2110 : i32
      %ne3A_2112 = arith.cmpi ne, %sign3A_2104, %sign3A_2111 : i32
      %rem3A_2113 = arith.remsi %add3A_2095, %jit3A_2096 : i32
      %ne3A_2114 = arith.constant 0 : i32
      %ne3A_2115 = arith.cmpi ne, %rem3A_2113, %ne3A_2114 : i32
      %and3A_2116 = arith.andi %ne3A_2112, %ne3A_2115 : i1
      %sub3A_2117 = arith.constant 1 : i32
      %sub3A_2118 = arith.subi %div3A_2097, %sub3A_2117 : i32
      %select_n3A_2119 = arith.select %and3A_2116, %sub3A_2118, %div3A_2097 : i32
      %jit3A_2120 = arith.constant 16384 : i32
      %eq3A_2121 = arith.constant 0 : i32
      %eq3A_2122 = arith.cmpi eq, %jit3A_2120, %eq3A_2121 : i32
      %jit3A_2123 = arith.constant 1 : i32
      %select_n3A_2124 = arith.select %eq3A_2122, %jit3A_2123, %jit3A_2120 : i32
      %rem3A_2125 = arith.remsi %add3A_2095, %select_n3A_2124 : i32
      %ne3A_2126 = arith.constant 0 : i32
      %ne3A_2127 = arith.cmpi ne, %rem3A_2125, %ne3A_2126 : i32
      %lt3A_2128 = arith.constant 0 : i32
      %lt3A_2129 = arith.cmpi slt, %rem3A_2125, %lt3A_2128 : i32
      %lt3A_2130 = arith.constant 0 : i32
      %lt3A_2131 = arith.cmpi slt, %select_n3A_2124, %lt3A_2130 : i32
      %ne3A_2132 = arith.xori %lt3A_2129, %lt3A_2131 : i1
      %and3A_2133 = arith.andi %ne3A_2132, %ne3A_2127 : i1
      %add3A_2134 = arith.addi %rem3A_2125, %select_n3A_2124 : i32
      %select_n3A_2135 = arith.select %and3A_2133, %add3A_2134, %rem3A_2125 : i32
      %mul3A_2136 = arith.constant 32 : i32
      %mul3A_2137 = arith.muli %select_n3A_2119, %mul3A_2136 : i32
      %dma_wait3A_2138 = tpu.memref_slice %arg4[%select_n3A_2135, %mul3A_2137] : memref<16384x3200xf32, #tpu.memory_space<hbm>> -> memref<256x32xf32, #tpu.memory_space<hbm>>
      %dma_wait3A_2139 = tpu.memref_slice %arg4[%select_n3A_2135, %mul3A_2137] : memref<16384x3200xf32, #tpu.memory_space<hbm>> -> memref<256x32xf32, #tpu.memory_space<hbm>>
      tpu.wait_dma2 semaphore(%arg24 : memref<!tpu.dma_semaphore, #tpu.memory_space<semaphore_mem>>) src(%arg8 : memref<256x32xf32, #tpu.memory_space<vmem>>) dst(%dma_wait3A_2139 : memref<256x32xf32, #tpu.memory_space<hbm>>)
      %mul3A_2140 = arith.constant 256 : i32
      %mul3A_2141 = arith.muli %add3A_2090, %mul3A_2140 : i32
      %dma_start3A_2142 = tpu.memref_slice %arg5[%mul3A_2141] : memref<51200xi32, #tpu.memory_space<vmem>> -> memref<256xi32, #tpu.memory_space<vmem>>
      %dma_start3A_2143 = arith.constant 0 : i32
      %dma_start3A_2144 = arith.constant 0 : i32
      %dma_start3A_2145 = tpu.memref_slice %arg3[%dma_start3A_2143, %dma_start3A_2144] : memref<1000000x32xf32, #tpu.memory_space<hbm>> -> memref<1000000x32xf32, #tpu.memory_space<hbm>>
      tpu.enqueue_indirect_dma source(%dma_start3A_2145 : memref<1000000x32xf32, #tpu.memory_space<hbm>>) target(%arg8 : memref<256x32xf32, #tpu.memory_space<vmem>>) offsets(%dma_start3A_2142 : memref<256xi32, #tpu.memory_space<vmem>>) semaphore(%arg16 : memref<!tpu.dma_semaphore, #tpu.memory_space<semaphore_mem>>)
      %mul3A_2146 = arith.constant 256 : i32
      %mul3A_2147 = arith.muli %add3A_2088, %mul3A_2146 : i32
      %dma_wait3A_2148 = tpu.memref_slice %arg5[%mul3A_2147] : memref<51200xi32, #tpu.memory_space<vmem>> -> memref<256xi32, #tpu.memory_space<vmem>>
      %dma_wait3A_2149 = arith.constant 0 : i32
      %dma_wait3A_2150 = arith.constant 0 : i32
      %dma_wait3A_2151 = tpu.memref_slice %arg3[%dma_wait3A_2149, %dma_wait3A_2150] : memref<1000000x32xf32, #tpu.memory_space<hbm>> -> memref<1000000x32xf32, #tpu.memory_space<hbm>>
      tpu.wait_indirect_dma semaphore(%arg18 : memref<!tpu.dma_semaphore, #tpu.memory_space<semaphore_mem>>) src(%dma_wait3A_2151 : memref<1000000x32xf32, #tpu.memory_space<hbm>>) dst(%arg10 : memref<256x32xf32, #tpu.memory_space<vmem>>)
      %mul3A_2152 = arith.constant 256 : i32
      %mul3A_2153 = arith.muli %add3A_2088, %mul3A_2152 : i32
      %add3A_2154 = arith.addi %mul3A_2, %mul3A_2153 : i32
      %jit3A_2155 = arith.constant 16384 : i32
      %div3A_2156 = arith.divsi %add3A_2154, %jit3A_2155 : i32
      %sign3A_2157 = arith.constant 0 : i32
      %sign3A_2158 = arith.cmpi sgt, %add3A_2154, %sign3A_2157 : i32
      %sign3A_2159 = arith.extui %sign3A_2158 : i1 to i32
      %sign3A_2160 = arith.constant 0 : i32
      %sign3A_2161 = arith.cmpi slt, %add3A_2154, %sign3A_2160 : i32
      %sign3A_2162 = arith.extui %sign3A_2161 : i1 to i32
      %sign3A_2163 = arith.subi %sign3A_2159, %sign3A_2162 : i32
      %sign3A_2164 = arith.constant 0 : i32
      %sign3A_2165 = arith.cmpi sgt, %jit3A_2155, %sign3A_2164 : i32
      %sign3A_2166 = arith.extui %sign3A_2165 : i1 to i32
      %sign3A_2167 = arith.constant 0 : i32
      %sign3A_2168 = arith.cmpi slt, %jit3A_2155, %sign3A_2167 : i32
      %sign3A_2169 = arith.extui %sign3A_2168 : i1 to i32
      %sign3A_2170 = arith.subi %sign3A_2166, %sign3A_2169 : i32
      %ne3A_2171 = arith.cmpi ne, %sign3A_2163, %sign3A_2170 : i32
      %rem3A_2172 = arith.remsi %add3A_2154, %jit3A_2155 : i32
      %ne3A_2173 = arith.constant 0 : i32
      %ne3A_2174 = arith.cmpi ne, %rem3A_2172, %ne3A_2173 : i32
      %and3A_2175 = arith.andi %ne3A_2171, %ne3A_2174 : i1
      %sub3A_2176 = arith.constant 1 : i32
      %sub3A_2177 = arith.subi %div3A_2156, %sub3A_2176 : i32
      %select_n3A_2178 = arith.select %and3A_2175, %sub3A_2177, %div3A_2156 : i32
      %jit3A_2179 = arith.constant 16384 : i32
      %eq3A_2180 = arith.constant 0 : i32
      %eq3A_2181 = arith.cmpi eq, %jit3A_2179, %eq3A_2180 : i32
      %jit3A_2182 = arith.constant 1 : i32
      %select_n3A_2183 = arith.select %eq3A_2181, %jit3A_2182, %jit3A_2179 : i32
      %rem3A_2184 = arith.remsi %add3A_2154, %select_n3A_2183 : i32
      %ne3A_2185 = arith.constant 0 : i32
      %ne3A_2186 = arith.cmpi ne, %rem3A_2184, %ne3A_2185 : i32
      %lt3A_2187 = arith.constant 0 : i32
      %lt3A_2188 = arith.cmpi slt, %rem3A_2184, %lt3A_2187 : i32
      %lt3A_2189 = arith.constant 0 : i32
      %lt3A_2190 = arith.cmpi slt, %select_n3A_2183, %lt3A_2189 : i32
      %ne3A_2191 = arith.xori %lt3A_2188, %lt3A_2190 : i1
      %and3A_2192 = arith.andi %ne3A_2191, %ne3A_2186 : i1
      %add3A_2193 = arith.addi %rem3A_2184, %select_n3A_2183 : i32
      %select_n3A_2194 = arith.select %and3A_2192, %add3A_2193, %rem3A_2184 : i32
      %mul3A_2195 = arith.constant 32 : i32
      %mul3A_2196 = arith.muli %select_n3A_2178, %mul3A_2195 : i32
      %dma_start3A_2197 = tpu.memref_slice %arg4[%select_n3A_2194, %mul3A_2196] : memref<16384x3200xf32, #tpu.memory_space<hbm>> -> memref<256x32xf32, #tpu.memory_space<hbm>>
      %dma_start3A_2198 = tpu.memref_slice %arg4[%select_n3A_2194, %mul3A_2196] : memref<16384x3200xf32, #tpu.memory_space<hbm>> -> memref<256x32xf32, #tpu.memory_space<hbm>>
      tpu.enqueue_dma source(%arg10 : memref<256x32xf32, #tpu.memory_space<vmem>>) target(%dma_start3A_2198 : memref<256x32xf32, #tpu.memory_space<hbm>>) target_semaphore(%arg26 : memref<!tpu.dma_semaphore, #tpu.memory_space<semaphore_mem>>)
      %mul3A_2199 = arith.constant 8 : i32
      %mul3A_2200 = arith.muli %scan3A_1628, %mul3A_2199 : i32
      %add3A_2201 = arith.constant 5 : i32
      %add3A_2202 = arith.addi %mul3A_2200, %add3A_2201 : i32
      %add3A_2203 = arith.constant 6 : i32
      %add3A_2204 = arith.addi %add3A_2202, %add3A_2203 : i32
      %sub3A_2205 = arith.constant 8 : i32
      %sub3A_2206 = arith.subi %add3A_2204, %sub3A_2205 : i32
      %mul3A_2207 = arith.constant 256 : i32
      %mul3A_2208 = arith.muli %sub3A_2206, %mul3A_2207 : i32
      %add3A_2209 = arith.addi %mul3A_2, %mul3A_2208 : i32
      %jit3A_2210 = arith.constant 16384 : i32
      %div3A_2211 = arith.divsi %add3A_2209, %jit3A_2210 : i32
      %sign3A_2212 = arith.constant 0 : i32
      %sign3A_2213 = arith.cmpi sgt, %add3A_2209, %sign3A_2212 : i32
      %sign3A_2214 = arith.extui %sign3A_2213 : i1 to i32
      %sign3A_2215 = arith.constant 0 : i32
      %sign3A_2216 = arith.cmpi slt, %add3A_2209, %sign3A_2215 : i32
      %sign3A_2217 = arith.extui %sign3A_2216 : i1 to i32
      %sign3A_2218 = arith.subi %sign3A_2214, %sign3A_2217 : i32
      %sign3A_2219 = arith.constant 0 : i32
      %sign3A_2220 = arith.cmpi sgt, %jit3A_2210, %sign3A_2219 : i32
      %sign3A_2221 = arith.extui %sign3A_2220 : i1 to i32
      %sign3A_2222 = arith.constant 0 : i32
      %sign3A_2223 = arith.cmpi slt, %jit3A_2210, %sign3A_2222 : i32
      %sign3A_2224 = arith.extui %sign3A_2223 : i1 to i32
      %sign3A_2225 = arith.subi %sign3A_2221, %sign3A_2224 : i32
      %ne3A_2226 = arith.cmpi ne, %sign3A_2218, %sign3A_2225 : i32
      %rem3A_2227 = arith.remsi %add3A_2209, %jit3A_2210 : i32
      %ne3A_2228 = arith.constant 0 : i32
      %ne3A_2229 = arith.cmpi ne, %rem3A_2227, %ne3A_2228 : i32
      %and3A_2230 = arith.andi %ne3A_2226, %ne3A_2229 : i1
      %sub3A_2231 = arith.constant 1 : i32
      %sub3A_2232 = arith.subi %div3A_2211, %sub3A_2231 : i32
      %select_n3A_2233 = arith.select %and3A_2230, %sub3A_2232, %div3A_2211 : i32
      %jit3A_2234 = arith.constant 16384 : i32
      %eq3A_2235 = arith.constant 0 : i32
      %eq3A_2236 = arith.cmpi eq, %jit3A_2234, %eq3A_2235 : i32
      %jit3A_2237 = arith.constant 1 : i32
      %select_n3A_2238 = arith.select %eq3A_2236, %jit3A_2237, %jit3A_2234 : i32
      %rem3A_2239 = arith.remsi %add3A_2209, %select_n3A_2238 : i32
      %ne3A_2240 = arith.constant 0 : i32
      %ne3A_2241 = arith.cmpi ne, %rem3A_2239, %ne3A_2240 : i32
      %lt3A_2242 = arith.constant 0 : i32
      %lt3A_2243 = arith.cmpi slt, %rem3A_2239, %lt3A_2242 : i32
      %lt3A_2244 = arith.constant 0 : i32
      %lt3A_2245 = arith.cmpi slt, %select_n3A_2238, %lt3A_2244 : i32
      %ne3A_2246 = arith.xori %lt3A_2243, %lt3A_2245 : i1
      %and3A_2247 = arith.andi %ne3A_2246, %ne3A_2241 : i1
      %add3A_2248 = arith.addi %rem3A_2239, %select_n3A_2238 : i32
      %select_n3A_2249 = arith.select %and3A_2247, %add3A_2248, %rem3A_2239 : i32
      %mul3A_2250 = arith.constant 32 : i32
      %mul3A_2251 = arith.muli %select_n3A_2233, %mul3A_2250 : i32
      %dma_wait3A_2252 = tpu.memref_slice %arg4[%select_n3A_2249, %mul3A_2251] : memref<16384x3200xf32, #tpu.memory_space<hbm>> -> memref<256x32xf32, #tpu.memory_space<hbm>>
      %dma_wait3A_2253 = tpu.memref_slice %arg4[%select_n3A_2249, %mul3A_2251] : memref<16384x3200xf32, #tpu.memory_space<hbm>> -> memref<256x32xf32, #tpu.memory_space<hbm>>
      tpu.wait_dma2 semaphore(%arg25 : memref<!tpu.dma_semaphore, #tpu.memory_space<semaphore_mem>>) src(%arg9 : memref<256x32xf32, #tpu.memory_space<vmem>>) dst(%dma_wait3A_2253 : memref<256x32xf32, #tpu.memory_space<hbm>>)
      %mul3A_2254 = arith.constant 256 : i32
      %mul3A_2255 = arith.muli %add3A_2204, %mul3A_2254 : i32
      %dma_start3A_2256 = tpu.memref_slice %arg5[%mul3A_2255] : memref<51200xi32, #tpu.memory_space<vmem>> -> memref<256xi32, #tpu.memory_space<vmem>>
      %dma_start3A_2257 = arith.constant 0 : i32
      %dma_start3A_2258 = arith.constant 0 : i32
      %dma_start3A_2259 = tpu.memref_slice %arg3[%dma_start3A_2257, %dma_start3A_2258] : memref<1000000x32xf32, #tpu.memory_space<hbm>> -> memref<1000000x32xf32, #tpu.memory_space<hbm>>
      tpu.enqueue_indirect_dma source(%dma_start3A_2259 : memref<1000000x32xf32, #tpu.memory_space<hbm>>) target(%arg9 : memref<256x32xf32, #tpu.memory_space<vmem>>) offsets(%dma_start3A_2256 : memref<256xi32, #tpu.memory_space<vmem>>) semaphore(%arg17 : memref<!tpu.dma_semaphore, #tpu.memory_space<semaphore_mem>>)
      %mul3A_2260 = arith.constant 256 : i32
      %mul3A_2261 = arith.muli %add3A_2202, %mul3A_2260 : i32
      %dma_wait3A_2262 = tpu.memref_slice %arg5[%mul3A_2261] : memref<51200xi32, #tpu.memory_space<vmem>> -> memref<256xi32, #tpu.memory_space<vmem>>
      %dma_wait3A_2263 = arith.constant 0 : i32
      %dma_wait3A_2264 = arith.constant 0 : i32
      %dma_wait3A_2265 = tpu.memref_slice %arg3[%dma_wait3A_2263, %dma_wait3A_2264] : memref<1000000x32xf32, #tpu.memory_space<hbm>> -> memref<1000000x32xf32, #tpu.memory_space<hbm>>
      tpu.wait_indirect_dma semaphore(%arg19 : memref<!tpu.dma_semaphore, #tpu.memory_space<semaphore_mem>>) src(%dma_wait3A_2265 : memref<1000000x32xf32, #tpu.memory_space<hbm>>) dst(%arg11 : memref<256x32xf32, #tpu.memory_space<vmem>>)
      %mul3A_2266 = arith.constant 256 : i32
      %mul3A_2267 = arith.muli %add3A_2202, %mul3A_2266 : i32
      %add3A_2268 = arith.addi %mul3A_2, %mul3A_2267 : i32
      %jit3A_2269 = arith.constant 16384 : i32
      %div3A_2270 = arith.divsi %add3A_2268, %jit3A_2269 : i32
      %sign3A_2271 = arith.constant 0 : i32
      %sign3A_2272 = arith.cmpi sgt, %add3A_2268, %sign3A_2271 : i32
      %sign3A_2273 = arith.extui %sign3A_2272 : i1 to i32
      %sign3A_2274 = arith.constant 0 : i32
      %sign3A_2275 = arith.cmpi slt, %add3A_2268, %sign3A_2274 : i32
      %sign3A_2276 = arith.extui %sign3A_2275 : i1 to i32
      %sign3A_2277 = arith.subi %sign3A_2273, %sign3A_2276 : i32
      %sign3A_2278 = arith.constant 0 : i32
      %sign3A_2279 = arith.cmpi sgt, %jit3A_2269, %sign3A_2278 : i32
      %sign3A_2280 = arith.extui %sign3A_2279 : i1 to i32
      %sign3A_2281 = arith.constant 0 : i32
      %sign3A_2282 = arith.cmpi slt, %jit3A_2269, %sign3A_2281 : i32
      %sign3A_2283 = arith.extui %sign3A_2282 : i1 to i32
      %sign3A_2284 = arith.subi %sign3A_2280, %sign3A_2283 : i32
      %ne3A_2285 = arith.cmpi ne, %sign3A_2277, %sign3A_2284 : i32
      %rem3A_2286 = arith.remsi %add3A_2268, %jit3A_2269 : i32
      %ne3A_2287 = arith.constant 0 : i32
      %ne3A_2288 = arith.cmpi ne, %rem3A_2286, %ne3A_2287 : i32
      %and3A_2289 = arith.andi %ne3A_2285, %ne3A_2288 : i1
      %sub3A_2290 = arith.constant 1 : i32
      %sub3A_2291 = arith.subi %div3A_2270, %sub3A_2290 : i32
      %select_n3A_2292 = arith.select %and3A_2289, %sub3A_2291, %div3A_2270 : i32
      %jit3A_2293 = arith.constant 16384 : i32
      %eq3A_2294 = arith.constant 0 : i32
      %eq3A_2295 = arith.cmpi eq, %jit3A_2293, %eq3A_2294 : i32
      %jit3A_2296 = arith.constant 1 : i32
      %select_n3A_2297 = arith.select %eq3A_2295, %jit3A_2296, %jit3A_2293 : i32
      %rem3A_2298 = arith.remsi %add3A_2268, %select_n3A_2297 : i32
      %ne3A_2299 = arith.constant 0 : i32
      %ne3A_2300 = arith.cmpi ne, %rem3A_2298, %ne3A_2299 : i32
      %lt3A_2301 = arith.constant 0 : i32
      %lt3A_2302 = arith.cmpi slt, %rem3A_2298, %lt3A_2301 : i32
      %lt3A_2303 = arith.constant 0 : i32
      %lt3A_2304 = arith.cmpi slt, %select_n3A_2297, %lt3A_2303 : i32
      %ne3A_2305 = arith.xori %lt3A_2302, %lt3A_2304 : i1
      %and3A_2306 = arith.andi %ne3A_2305, %ne3A_2300 : i1
      %add3A_2307 = arith.addi %rem3A_2298, %select_n3A_2297 : i32
      %select_n3A_2308 = arith.select %and3A_2306, %add3A_2307, %rem3A_2298 : i32
      %mul3A_2309 = arith.constant 32 : i32
      %mul3A_2310 = arith.muli %select_n3A_2292, %mul3A_2309 : i32
      %dma_start3A_2311 = tpu.memref_slice %arg4[%select_n3A_2308, %mul3A_2310] : memref<16384x3200xf32, #tpu.memory_space<hbm>> -> memref<256x32xf32, #tpu.memory_space<hbm>>
      %dma_start3A_2312 = tpu.memref_slice %arg4[%select_n3A_2308, %mul3A_2310] : memref<16384x3200xf32, #tpu.memory_space<hbm>> -> memref<256x32xf32, #tpu.memory_space<hbm>>
      tpu.enqueue_dma source(%arg11 : memref<256x32xf32, #tpu.memory_space<vmem>>) target(%dma_start3A_2312 : memref<256x32xf32, #tpu.memory_space<hbm>>) target_semaphore(%arg27 : memref<!tpu.dma_semaphore, #tpu.memory_space<semaphore_mem>>)
      %mul3A_2313 = arith.constant 8 : i32
      %mul3A_2314 = arith.muli %scan3A_1628, %mul3A_2313 : i32
      %add3A_2315 = arith.constant 6 : i32
      %add3A_2316 = arith.addi %mul3A_2314, %add3A_2315 : i32
      %add3A_2317 = arith.constant 6 : i32
      %add3A_2318 = arith.addi %add3A_2316, %add3A_2317 : i32
      %sub3A_2319 = arith.constant 8 : i32
      %sub3A_2320 = arith.subi %add3A_2318, %sub3A_2319 : i32
      %mul3A_2321 = arith.constant 256 : i32
      %mul3A_2322 = arith.muli %sub3A_2320, %mul3A_2321 : i32
      %add3A_2323 = arith.addi %mul3A_2, %mul3A_2322 : i32
      %jit3A_2324 = arith.constant 16384 : i32
      %div3A_2325 = arith.divsi %add3A_2323, %jit3A_2324 : i32
      %sign3A_2326 = arith.constant 0 : i32
      %sign3A_2327 = arith.cmpi sgt, %add3A_2323, %sign3A_2326 : i32
      %sign3A_2328 = arith.extui %sign3A_2327 : i1 to i32
      %sign3A_2329 = arith.constant 0 : i32
      %sign3A_2330 = arith.cmpi slt, %add3A_2323, %sign3A_2329 : i32
      %sign3A_2331 = arith.extui %sign3A_2330 : i1 to i32
      %sign3A_2332 = arith.subi %sign3A_2328, %sign3A_2331 : i32
      %sign3A_2333 = arith.constant 0 : i32
      %sign3A_2334 = arith.cmpi sgt, %jit3A_2324, %sign3A_2333 : i32
      %sign3A_2335 = arith.extui %sign3A_2334 : i1 to i32
      %sign3A_2336 = arith.constant 0 : i32
      %sign3A_2337 = arith.cmpi slt, %jit3A_2324, %sign3A_2336 : i32
      %sign3A_2338 = arith.extui %sign3A_2337 : i1 to i32
      %sign3A_2339 = arith.subi %sign3A_2335, %sign3A_2338 : i32
      %ne3A_2340 = arith.cmpi ne, %sign3A_2332, %sign3A_2339 : i32
      %rem3A_2341 = arith.remsi %add3A_2323, %jit3A_2324 : i32
      %ne3A_2342 = arith.constant 0 : i32
      %ne3A_2343 = arith.cmpi ne, %rem3A_2341, %ne3A_2342 : i32
      %and3A_2344 = arith.andi %ne3A_2340, %ne3A_2343 : i1
      %sub3A_2345 = arith.constant 1 : i32
      %sub3A_2346 = arith.subi %div3A_2325, %sub3A_2345 : i32
      %select_n3A_2347 = arith.select %and3A_2344, %sub3A_2346, %div3A_2325 : i32
      %jit3A_2348 = arith.constant 16384 : i32
      %eq3A_2349 = arith.constant 0 : i32
      %eq3A_2350 = arith.cmpi eq, %jit3A_2348, %eq3A_2349 : i32
      %jit3A_2351 = arith.constant 1 : i32
      %select_n3A_2352 = arith.select %eq3A_2350, %jit3A_2351, %jit3A_2348 : i32
      %rem3A_2353 = arith.remsi %add3A_2323, %select_n3A_2352 : i32
      %ne3A_2354 = arith.constant 0 : i32
      %ne3A_2355 = arith.cmpi ne, %rem3A_2353, %ne3A_2354 : i32
      %lt3A_2356 = arith.constant 0 : i32
      %lt3A_2357 = arith.cmpi slt, %rem3A_2353, %lt3A_2356 : i32
      %lt3A_2358 = arith.constant 0 : i32
      %lt3A_2359 = arith.cmpi slt, %select_n3A_2352, %lt3A_2358 : i32
      %ne3A_2360 = arith.xori %lt3A_2357, %lt3A_2359 : i1
      %and3A_2361 = arith.andi %ne3A_2360, %ne3A_2355 : i1
      %add3A_2362 = arith.addi %rem3A_2353, %select_n3A_2352 : i32
      %select_n3A_2363 = arith.select %and3A_2361, %add3A_2362, %rem3A_2353 : i32
      %mul3A_2364 = arith.constant 32 : i32
      %mul3A_2365 = arith.muli %select_n3A_2347, %mul3A_2364 : i32
      %dma_wait3A_2366 = tpu.memref_slice %arg4[%select_n3A_2363, %mul3A_2365] : memref<16384x3200xf32, #tpu.memory_space<hbm>> -> memref<256x32xf32, #tpu.memory_space<hbm>>
      %dma_wait3A_2367 = tpu.memref_slice %arg4[%select_n3A_2363, %mul3A_2365] : memref<16384x3200xf32, #tpu.memory_space<hbm>> -> memref<256x32xf32, #tpu.memory_space<hbm>>
      tpu.wait_dma2 semaphore(%arg26 : memref<!tpu.dma_semaphore, #tpu.memory_space<semaphore_mem>>) src(%arg10 : memref<256x32xf32, #tpu.memory_space<vmem>>) dst(%dma_wait3A_2367 : memref<256x32xf32, #tpu.memory_space<hbm>>)
      %mul3A_2368 = arith.constant 256 : i32
      %mul3A_2369 = arith.muli %add3A_2318, %mul3A_2368 : i32
      %dma_start3A_2370 = tpu.memref_slice %arg5[%mul3A_2369] : memref<51200xi32, #tpu.memory_space<vmem>> -> memref<256xi32, #tpu.memory_space<vmem>>
      %dma_start3A_2371 = arith.constant 0 : i32
      %dma_start3A_2372 = arith.constant 0 : i32
      %dma_start3A_2373 = tpu.memref_slice %arg3[%dma_start3A_2371, %dma_start3A_2372] : memref<1000000x32xf32, #tpu.memory_space<hbm>> -> memref<1000000x32xf32, #tpu.memory_space<hbm>>
      tpu.enqueue_indirect_dma source(%dma_start3A_2373 : memref<1000000x32xf32, #tpu.memory_space<hbm>>) target(%arg10 : memref<256x32xf32, #tpu.memory_space<vmem>>) offsets(%dma_start3A_2370 : memref<256xi32, #tpu.memory_space<vmem>>) semaphore(%arg18 : memref<!tpu.dma_semaphore, #tpu.memory_space<semaphore_mem>>)
      %mul3A_2374 = arith.constant 256 : i32
      %mul3A_2375 = arith.muli %add3A_2316, %mul3A_2374 : i32
      %dma_wait3A_2376 = tpu.memref_slice %arg5[%mul3A_2375] : memref<51200xi32, #tpu.memory_space<vmem>> -> memref<256xi32, #tpu.memory_space<vmem>>
      %dma_wait3A_2377 = arith.constant 0 : i32
      %dma_wait3A_2378 = arith.constant 0 : i32
      %dma_wait3A_2379 = tpu.memref_slice %arg3[%dma_wait3A_2377, %dma_wait3A_2378] : memref<1000000x32xf32, #tpu.memory_space<hbm>> -> memref<1000000x32xf32, #tpu.memory_space<hbm>>
      tpu.wait_indirect_dma semaphore(%arg20 : memref<!tpu.dma_semaphore, #tpu.memory_space<semaphore_mem>>) src(%dma_wait3A_2379 : memref<1000000x32xf32, #tpu.memory_space<hbm>>) dst(%arg12 : memref<256x32xf32, #tpu.memory_space<vmem>>)
      %mul3A_2380 = arith.constant 256 : i32
      %mul3A_2381 = arith.muli %add3A_2316, %mul3A_2380 : i32
      %add3A_2382 = arith.addi %mul3A_2, %mul3A_2381 : i32
      %jit3A_2383 = arith.constant 16384 : i32
      %div3A_2384 = arith.divsi %add3A_2382, %jit3A_2383 : i32
      %sign3A_2385 = arith.constant 0 : i32
      %sign3A_2386 = arith.cmpi sgt, %add3A_2382, %sign3A_2385 : i32
      %sign3A_2387 = arith.extui %sign3A_2386 : i1 to i32
      %sign3A_2388 = arith.constant 0 : i32
      %sign3A_2389 = arith.cmpi slt, %add3A_2382, %sign3A_2388 : i32
      %sign3A_2390 = arith.extui %sign3A_2389 : i1 to i32
      %sign3A_2391 = arith.subi %sign3A_2387, %sign3A_2390 : i32
      %sign3A_2392 = arith.constant 0 : i32
      %sign3A_2393 = arith.cmpi sgt, %jit3A_2383, %sign3A_2392 : i32
      %sign3A_2394 = arith.extui %sign3A_2393 : i1 to i32
      %sign3A_2395 = arith.constant 0 : i32
      %sign3A_2396 = arith.cmpi slt, %jit3A_2383, %sign3A_2395 : i32
      %sign3A_2397 = arith.extui %sign3A_2396 : i1 to i32
      %sign3A_2398 = arith.subi %sign3A_2394, %sign3A_2397 : i32
      %ne3A_2399 = arith.cmpi ne, %sign3A_2391, %sign3A_2398 : i32
      %rem3A_2400 = arith.remsi %add3A_2382, %jit3A_2383 : i32
      %ne3A_2401 = arith.constant 0 : i32
      %ne3A_2402 = arith.cmpi ne, %rem3A_2400, %ne3A_2401 : i32
      %and3A_2403 = arith.andi %ne3A_2399, %ne3A_2402 : i1
      %sub3A_2404 = arith.constant 1 : i32
      %sub3A_2405 = arith.subi %div3A_2384, %sub3A_2404 : i32
      %select_n3A_2406 = arith.select %and3A_2403, %sub3A_2405, %div3A_2384 : i32
      %jit3A_2407 = arith.constant 16384 : i32
      %eq3A_2408 = arith.constant 0 : i32
      %eq3A_2409 = arith.cmpi eq, %jit3A_2407, %eq3A_2408 : i32
      %jit3A_2410 = arith.constant 1 : i32
      %select_n3A_2411 = arith.select %eq3A_2409, %jit3A_2410, %jit3A_2407 : i32
      %rem3A_2412 = arith.remsi %add3A_2382, %select_n3A_2411 : i32
      %ne3A_2413 = arith.constant 0 : i32
      %ne3A_2414 = arith.cmpi ne, %rem3A_2412, %ne3A_2413 : i32
      %lt3A_2415 = arith.constant 0 : i32
      %lt3A_2416 = arith.cmpi slt, %rem3A_2412, %lt3A_2415 : i32
      %lt3A_2417 = arith.constant 0 : i32
      %lt3A_2418 = arith.cmpi slt, %select_n3A_2411, %lt3A_2417 : i32
      %ne3A_2419 = arith.xori %lt3A_2416, %lt3A_2418 : i1
      %and3A_2420 = arith.andi %ne3A_2419, %ne3A_2414 : i1
      %add3A_2421 = arith.addi %rem3A_2412, %select_n3A_2411 : i32
      %select_n3A_2422 = arith.select %and3A_2420, %add3A_2421, %rem3A_2412 : i32
      %mul3A_2423 = arith.constant 32 : i32
      %mul3A_2424 = arith.muli %select_n3A_2406, %mul3A_2423 : i32
      %dma_start3A_2425 = tpu.memref_slice %arg4[%select_n3A_2422, %mul3A_2424] : memref<16384x3200xf32, #tpu.memory_space<hbm>> -> memref<256x32xf32, #tpu.memory_space<hbm>>
      %dma_start3A_2426 = tpu.memref_slice %arg4[%select_n3A_2422, %mul3A_2424] : memref<16384x3200xf32, #tpu.memory_space<hbm>> -> memref<256x32xf32, #tpu.memory_space<hbm>>
      tpu.enqueue_dma source(%arg12 : memref<256x32xf32, #tpu.memory_space<vmem>>) target(%dma_start3A_2426 : memref<256x32xf32, #tpu.memory_space<hbm>>) target_semaphore(%arg28 : memref<!tpu.dma_semaphore, #tpu.memory_space<semaphore_mem>>)
      %mul3A_2427 = arith.constant 8 : i32
      %mul3A_2428 = arith.muli %scan3A_1628, %mul3A_2427 : i32
      %add3A_2429 = arith.constant 7 : i32
      %add3A_2430 = arith.addi %mul3A_2428, %add3A_2429 : i32
      %add3A_2431 = arith.constant 6 : i32
      %add3A_2432 = arith.addi %add3A_2430, %add3A_2431 : i32
      %sub3A_2433 = arith.constant 8 : i32
      %sub3A_2434 = arith.subi %add3A_2432, %sub3A_2433 : i32
      %mul3A_2435 = arith.constant 256 : i32
      %mul3A_2436 = arith.muli %sub3A_2434, %mul3A_2435 : i32
      %add3A_2437 = arith.addi %mul3A_2, %mul3A_2436 : i32
      %jit3A_2438 = arith.constant 16384 : i32
      %div3A_2439 = arith.divsi %add3A_2437, %jit3A_2438 : i32
      %sign3A_2440 = arith.constant 0 : i32
      %sign3A_2441 = arith.cmpi sgt, %add3A_2437, %sign3A_2440 : i32
      %sign3A_2442 = arith.extui %sign3A_2441 : i1 to i32
      %sign3A_2443 = arith.constant 0 : i32
      %sign3A_2444 = arith.cmpi slt, %add3A_2437, %sign3A_2443 : i32
      %sign3A_2445 = arith.extui %sign3A_2444 : i1 to i32
      %sign3A_2446 = arith.subi %sign3A_2442, %sign3A_2445 : i32
      %sign3A_2447 = arith.constant 0 : i32
      %sign3A_2448 = arith.cmpi sgt, %jit3A_2438, %sign3A_2447 : i32
      %sign3A_2449 = arith.extui %sign3A_2448 : i1 to i32
      %sign3A_2450 = arith.constant 0 : i32
      %sign3A_2451 = arith.cmpi slt, %jit3A_2438, %sign3A_2450 : i32
      %sign3A_2452 = arith.extui %sign3A_2451 : i1 to i32
      %sign3A_2453 = arith.subi %sign3A_2449, %sign3A_2452 : i32
      %ne3A_2454 = arith.cmpi ne, %sign3A_2446, %sign3A_2453 : i32
      %rem3A_2455 = arith.remsi %add3A_2437, %jit3A_2438 : i32
      %ne3A_2456 = arith.constant 0 : i32
      %ne3A_2457 = arith.cmpi ne, %rem3A_2455, %ne3A_2456 : i32
      %and3A_2458 = arith.andi %ne3A_2454, %ne3A_2457 : i1
      %sub3A_2459 = arith.constant 1 : i32
      %sub3A_2460 = arith.subi %div3A_2439, %sub3A_2459 : i32
      %select_n3A_2461 = arith.select %and3A_2458, %sub3A_2460, %div3A_2439 : i32
      %jit3A_2462 = arith.constant 16384 : i32
      %eq3A_2463 = arith.constant 0 : i32
      %eq3A_2464 = arith.cmpi eq, %jit3A_2462, %eq3A_2463 : i32
      %jit3A_2465 = arith.constant 1 : i32
      %select_n3A_2466 = arith.select %eq3A_2464, %jit3A_2465, %jit3A_2462 : i32
      %rem3A_2467 = arith.remsi %add3A_2437, %select_n3A_2466 : i32
      %ne3A_2468 = arith.constant 0 : i32
      %ne3A_2469 = arith.cmpi ne, %rem3A_2467, %ne3A_2468 : i32
      %lt3A_2470 = arith.constant 0 : i32
      %lt3A_2471 = arith.cmpi slt, %rem3A_2467, %lt3A_2470 : i32
      %lt3A_2472 = arith.constant 0 : i32
      %lt3A_2473 = arith.cmpi slt, %select_n3A_2466, %lt3A_2472 : i32
      %ne3A_2474 = arith.xori %lt3A_2471, %lt3A_2473 : i1
      %and3A_2475 = arith.andi %ne3A_2474, %ne3A_2469 : i1
      %add3A_2476 = arith.addi %rem3A_2467, %select_n3A_2466 : i32
      %select_n3A_2477 = arith.select %and3A_2475, %add3A_2476, %rem3A_2467 : i32
      %mul3A_2478 = arith.constant 32 : i32
      %mul3A_2479 = arith.muli %select_n3A_2461, %mul3A_2478 : i32
      %dma_wait3A_2480 = tpu.memref_slice %arg4[%select_n3A_2477, %mul3A_2479] : memref<16384x3200xf32, #tpu.memory_space<hbm>> -> memref<256x32xf32, #tpu.memory_space<hbm>>
      %dma_wait3A_2481 = tpu.memref_slice %arg4[%select_n3A_2477, %mul3A_2479] : memref<16384x3200xf32, #tpu.memory_space<hbm>> -> memref<256x32xf32, #tpu.memory_space<hbm>>
      tpu.wait_dma2 semaphore(%arg27 : memref<!tpu.dma_semaphore, #tpu.memory_space<semaphore_mem>>) src(%arg11 : memref<256x32xf32, #tpu.memory_space<vmem>>) dst(%dma_wait3A_2481 : memref<256x32xf32, #tpu.memory_space<hbm>>)
      %mul3A_2482 = arith.constant 256 : i32
      %mul3A_2483 = arith.muli %add3A_2432, %mul3A_2482 : i32
      %dma_start3A_2484 = tpu.memref_slice %arg5[%mul3A_2483] : memref<51200xi32, #tpu.memory_space<vmem>> -> memref<256xi32, #tpu.memory_space<vmem>>
      %dma_start3A_2485 = arith.constant 0 : i32
      %dma_start3A_2486 = arith.constant 0 : i32
      %dma_start3A_2487 = tpu.memref_slice %arg3[%dma_start3A_2485, %dma_start3A_2486] : memref<1000000x32xf32, #tpu.memory_space<hbm>> -> memref<1000000x32xf32, #tpu.memory_space<hbm>>
      tpu.enqueue_indirect_dma source(%dma_start3A_2487 : memref<1000000x32xf32, #tpu.memory_space<hbm>>) target(%arg11 : memref<256x32xf32, #tpu.memory_space<vmem>>) offsets(%dma_start3A_2484 : memref<256xi32, #tpu.memory_space<vmem>>) semaphore(%arg19 : memref<!tpu.dma_semaphore, #tpu.memory_space<semaphore_mem>>)
      %mul3A_2488 = arith.constant 256 : i32
      %mul3A_2489 = arith.muli %add3A_2430, %mul3A_2488 : i32
      %dma_wait3A_2490 = tpu.memref_slice %arg5[%mul3A_2489] : memref<51200xi32, #tpu.memory_space<vmem>> -> memref<256xi32, #tpu.memory_space<vmem>>
      %dma_wait3A_2491 = arith.constant 0 : i32
      %dma_wait3A_2492 = arith.constant 0 : i32
      %dma_wait3A_2493 = tpu.memref_slice %arg3[%dma_wait3A_2491, %dma_wait3A_2492] : memref<1000000x32xf32, #tpu.memory_space<hbm>> -> memref<1000000x32xf32, #tpu.memory_space<hbm>>
      tpu.wait_indirect_dma semaphore(%arg21 : memref<!tpu.dma_semaphore, #tpu.memory_space<semaphore_mem>>) src(%dma_wait3A_2493 : memref<1000000x32xf32, #tpu.memory_space<hbm>>) dst(%arg13 : memref<256x32xf32, #tpu.memory_space<vmem>>)
      %mul3A_2494 = arith.constant 256 : i32
      %mul3A_2495 = arith.muli %add3A_2430, %mul3A_2494 : i32
      %add3A_2496 = arith.addi %mul3A_2, %mul3A_2495 : i32
      %jit3A_2497 = arith.constant 16384 : i32
      %div3A_2498 = arith.divsi %add3A_2496, %jit3A_2497 : i32
      %sign3A_2499 = arith.constant 0 : i32
      %sign3A_2500 = arith.cmpi sgt, %add3A_2496, %sign3A_2499 : i32
      %sign3A_2501 = arith.extui %sign3A_2500 : i1 to i32
      %sign3A_2502 = arith.constant 0 : i32
      %sign3A_2503 = arith.cmpi slt, %add3A_2496, %sign3A_2502 : i32
      %sign3A_2504 = arith.extui %sign3A_2503 : i1 to i32
      %sign3A_2505 = arith.subi %sign3A_2501, %sign3A_2504 : i32
      %sign3A_2506 = arith.constant 0 : i32
      %sign3A_2507 = arith.cmpi sgt, %jit3A_2497, %sign3A_2506 : i32
      %sign3A_2508 = arith.extui %sign3A_2507 : i1 to i32
      %sign3A_2509 = arith.constant 0 : i32
      %sign3A_2510 = arith.cmpi slt, %jit3A_2497, %sign3A_2509 : i32
      %sign3A_2511 = arith.extui %sign3A_2510 : i1 to i32
      %sign3A_2512 = arith.subi %sign3A_2508, %sign3A_2511 : i32
      %ne3A_2513 = arith.cmpi ne, %sign3A_2505, %sign3A_2512 : i32
      %rem3A_2514 = arith.remsi %add3A_2496, %jit3A_2497 : i32
      %ne3A_2515 = arith.constant 0 : i32
      %ne3A_2516 = arith.cmpi ne, %rem3A_2514, %ne3A_2515 : i32
      %and3A_2517 = arith.andi %ne3A_2513, %ne3A_2516 : i1
      %sub3A_2518 = arith.constant 1 : i32
      %sub3A_2519 = arith.subi %div3A_2498, %sub3A_2518 : i32
      %select_n3A_2520 = arith.select %and3A_2517, %sub3A_2519, %div3A_2498 : i32
      %jit3A_2521 = arith.constant 16384 : i32
      %eq3A_2522 = arith.constant 0 : i32
      %eq3A_2523 = arith.cmpi eq, %jit3A_2521, %eq3A_2522 : i32
      %jit3A_2524 = arith.constant 1 : i32
      %select_n3A_2525 = arith.select %eq3A_2523, %jit3A_2524, %jit3A_2521 : i32
      %rem3A_2526 = arith.remsi %add3A_2496, %select_n3A_2525 : i32
      %ne3A_2527 = arith.constant 0 : i32
      %ne3A_2528 = arith.cmpi ne, %rem3A_2526, %ne3A_2527 : i32
      %lt3A_2529 = arith.constant 0 : i32
      %lt3A_2530 = arith.cmpi slt, %rem3A_2526, %lt3A_2529 : i32
      %lt3A_2531 = arith.constant 0 : i32
      %lt3A_2532 = arith.cmpi slt, %select_n3A_2525, %lt3A_2531 : i32
      %ne3A_2533 = arith.xori %lt3A_2530, %lt3A_2532 : i1
      %and3A_2534 = arith.andi %ne3A_2533, %ne3A_2528 : i1
      %add3A_2535 = arith.addi %rem3A_2526, %select_n3A_2525 : i32
      %select_n3A_2536 = arith.select %and3A_2534, %add3A_2535, %rem3A_2526 : i32
      %mul3A_2537 = arith.constant 32 : i32
      %mul3A_2538 = arith.muli %select_n3A_2520, %mul3A_2537 : i32
      %dma_start3A_2539 = tpu.memref_slice %arg4[%select_n3A_2536, %mul3A_2538] : memref<16384x3200xf32, #tpu.memory_space<hbm>> -> memref<256x32xf32, #tpu.memory_space<hbm>>
      %dma_start3A_2540 = tpu.memref_slice %arg4[%select_n3A_2536, %mul3A_2538] : memref<16384x3200xf32, #tpu.memory_space<hbm>> -> memref<256x32xf32, #tpu.memory_space<hbm>>
      tpu.enqueue_dma source(%arg13 : memref<256x32xf32, #tpu.memory_space<vmem>>) target(%dma_start3A_2540 : memref<256x32xf32, #tpu.memory_space<hbm>>) target_semaphore(%arg29 : memref<!tpu.dma_semaphore, #tpu.memory_space<semaphore_mem>>)
    }
    %scan3A_749 = arith.constant 23 : i32
    %add3A_750 = arith.constant 48640 : i32
    %add3A_751 = arith.addi %mul3A_2, %add3A_750 : i32
    %jit3A_752 = arith.constant 16384 : i32
    %div3A_753 = arith.divsi %add3A_751, %jit3A_752 : i32
    %sign3A_754 = arith.constant 0 : i32
    %sign3A_755 = arith.cmpi sgt, %add3A_751, %sign3A_754 : i32
    %sign3A_756 = arith.extui %sign3A_755 : i1 to i32
    %sign3A_757 = arith.constant 0 : i32
    %sign3A_758 = arith.cmpi slt, %add3A_751, %sign3A_757 : i32
    %sign3A_759 = arith.extui %sign3A_758 : i1 to i32
    %sign3A_760 = arith.subi %sign3A_756, %sign3A_759 : i32
    %sign3A_761 = arith.constant 0 : i32
    %sign3A_762 = arith.cmpi sgt, %jit3A_752, %sign3A_761 : i32
    %sign3A_763 = arith.extui %sign3A_762 : i1 to i32
    %sign3A_764 = arith.constant 0 : i32
    %sign3A_765 = arith.cmpi slt, %jit3A_752, %sign3A_764 : i32
    %sign3A_766 = arith.extui %sign3A_765 : i1 to i32
    %sign3A_767 = arith.subi %sign3A_763, %sign3A_766 : i32
    %ne3A_768 = arith.cmpi ne, %sign3A_760, %sign3A_767 : i32
    %rem3A_769 = arith.remsi %add3A_751, %jit3A_752 : i32
    %ne3A_770 = arith.constant 0 : i32
    %ne3A_771 = arith.cmpi ne, %rem3A_769, %ne3A_770 : i32
    %and3A_772 = arith.andi %ne3A_768, %ne3A_771 : i1
    %sub3A_773 = arith.constant 1 : i32
    %sub3A_774 = arith.subi %div3A_753, %sub3A_773 : i32
    %select_n3A_775 = arith.select %and3A_772, %sub3A_774, %div3A_753 : i32
    %jit3A_776 = arith.constant 16384 : i32
    %eq3A_777 = arith.constant 0 : i32
    %eq3A_778 = arith.cmpi eq, %jit3A_776, %eq3A_777 : i32
    %jit3A_779 = arith.constant 1 : i32
    %select_n3A_780 = arith.select %eq3A_778, %jit3A_779, %jit3A_776 : i32
    %rem3A_781 = arith.remsi %add3A_751, %select_n3A_780 : i32
    %ne3A_782 = arith.constant 0 : i32
    %ne3A_783 = arith.cmpi ne, %rem3A_781, %ne3A_782 : i32
    %lt3A_784 = arith.constant 0 : i32
    %lt3A_785 = arith.cmpi slt, %rem3A_781, %lt3A_784 : i32
    %lt3A_786 = arith.constant 0 : i32
    %lt3A_787 = arith.cmpi slt, %select_n3A_780, %lt3A_786 : i32
    %ne3A_788 = arith.xori %lt3A_785, %lt3A_787 : i1
    %and3A_789 = arith.andi %ne3A_788, %ne3A_783 : i1
    %add3A_790 = arith.addi %rem3A_781, %select_n3A_780 : i32
    %select_n3A_791 = arith.select %and3A_789, %add3A_790, %rem3A_781 : i32
    %mul3A_792 = arith.constant 32 : i32
    %mul3A_793 = arith.muli %select_n3A_775, %mul3A_792 : i32
    %dma_wait3A_794 = tpu.memref_slice %arg4[%select_n3A_791, %mul3A_793] : memref<16384x3200xf32, #tpu.memory_space<hbm>> -> memref<256x32xf32, #tpu.memory_space<hbm>>
    %dma_wait3A_795 = tpu.memref_slice %arg4[%select_n3A_791, %mul3A_793] : memref<16384x3200xf32, #tpu.memory_space<hbm>> -> memref<256x32xf32, #tpu.memory_space<hbm>>
    tpu.wait_dma2 semaphore(%arg28 : memref<!tpu.dma_semaphore, #tpu.memory_space<semaphore_mem>>) src(%arg12 : memref<256x32xf32, #tpu.memory_space<vmem>>) dst(%dma_wait3A_795 : memref<256x32xf32, #tpu.memory_space<hbm>>)
    %dma_start3A_796 = arith.constant 50688 : i32
    %dma_start3A_797 = tpu.memref_slice %arg5[%dma_start3A_796] : memref<51200xi32, #tpu.memory_space<vmem>> -> memref<256xi32, #tpu.memory_space<vmem>>
    %dma_start3A_798 = arith.constant 0 : i32
    %dma_start3A_799 = arith.constant 0 : i32
    %dma_start3A_800 = tpu.memref_slice %arg3[%dma_start3A_798, %dma_start3A_799] : memref<1000000x32xf32, #tpu.memory_space<hbm>> -> memref<1000000x32xf32, #tpu.memory_space<hbm>>
    tpu.enqueue_indirect_dma source(%dma_start3A_800 : memref<1000000x32xf32, #tpu.memory_space<hbm>>) target(%arg12 : memref<256x32xf32, #tpu.memory_space<vmem>>) offsets(%dma_start3A_797 : memref<256xi32, #tpu.memory_space<vmem>>) semaphore(%arg20 : memref<!tpu.dma_semaphore, #tpu.memory_space<semaphore_mem>>)
    %dma_wait3A_801 = arith.constant 49152 : i32
    %dma_wait3A_802 = tpu.memref_slice %arg5[%dma_wait3A_801] : memref<51200xi32, #tpu.memory_space<vmem>> -> memref<256xi32, #tpu.memory_space<vmem>>
    %dma_wait3A_803 = arith.constant 0 : i32
    %dma_wait3A_804 = arith.constant 0 : i32
    %dma_wait3A_805 = tpu.memref_slice %arg3[%dma_wait3A_803, %dma_wait3A_804] : memref<1000000x32xf32, #tpu.memory_space<hbm>> -> memref<1000000x32xf32, #tpu.memory_space<hbm>>
    tpu.wait_indirect_dma semaphore(%arg14 : memref<!tpu.dma_semaphore, #tpu.memory_space<semaphore_mem>>) src(%dma_wait3A_805 : memref<1000000x32xf32, #tpu.memory_space<hbm>>) dst(%arg6 : memref<256x32xf32, #tpu.memory_space<vmem>>)
    %add3A_806 = arith.constant 49152 : i32
    %add3A_807 = arith.addi %mul3A_2, %add3A_806 : i32
    %jit3A_808 = arith.constant 16384 : i32
    %div3A_809 = arith.divsi %add3A_807, %jit3A_808 : i32
    %sign3A_810 = arith.constant 0 : i32
    %sign3A_811 = arith.cmpi sgt, %add3A_807, %sign3A_810 : i32
    %sign3A_812 = arith.extui %sign3A_811 : i1 to i32
    %sign3A_813 = arith.constant 0 : i32
    %sign3A_814 = arith.cmpi slt, %add3A_807, %sign3A_813 : i32
    %sign3A_815 = arith.extui %sign3A_814 : i1 to i32
    %sign3A_816 = arith.subi %sign3A_812, %sign3A_815 : i32
    %sign3A_817 = arith.constant 0 : i32
    %sign3A_818 = arith.cmpi sgt, %jit3A_808, %sign3A_817 : i32
    %sign3A_819 = arith.extui %sign3A_818 : i1 to i32
    %sign3A_820 = arith.constant 0 : i32
    %sign3A_821 = arith.cmpi slt, %jit3A_808, %sign3A_820 : i32
    %sign3A_822 = arith.extui %sign3A_821 : i1 to i32
    %sign3A_823 = arith.subi %sign3A_819, %sign3A_822 : i32
    %ne3A_824 = arith.cmpi ne, %sign3A_816, %sign3A_823 : i32
    %rem3A_825 = arith.remsi %add3A_807, %jit3A_808 : i32
    %ne3A_826 = arith.constant 0 : i32
    %ne3A_827 = arith.cmpi ne, %rem3A_825, %ne3A_826 : i32
    %and3A_828 = arith.andi %ne3A_824, %ne3A_827 : i1
    %sub3A_829 = arith.constant 1 : i32
    %sub3A_830 = arith.subi %div3A_809, %sub3A_829 : i32
    %select_n3A_831 = arith.select %and3A_828, %sub3A_830, %div3A_809 : i32
    %jit3A_832 = arith.constant 16384 : i32
    %eq3A_833 = arith.constant 0 : i32
    %eq3A_834 = arith.cmpi eq, %jit3A_832, %eq3A_833 : i32
    %jit3A_835 = arith.constant 1 : i32
    %select_n3A_836 = arith.select %eq3A_834, %jit3A_835, %jit3A_832 : i32
    %rem3A_837 = arith.remsi %add3A_807, %select_n3A_836 : i32
    %ne3A_838 = arith.constant 0 : i32
    %ne3A_839 = arith.cmpi ne, %rem3A_837, %ne3A_838 : i32
    %lt3A_840 = arith.constant 0 : i32
    %lt3A_841 = arith.cmpi slt, %rem3A_837, %lt3A_840 : i32
    %lt3A_842 = arith.constant 0 : i32
    %lt3A_843 = arith.cmpi slt, %select_n3A_836, %lt3A_842 : i32
    %ne3A_844 = arith.xori %lt3A_841, %lt3A_843 : i1
    %and3A_845 = arith.andi %ne3A_844, %ne3A_839 : i1
    %add3A_846 = arith.addi %rem3A_837, %select_n3A_836 : i32
    %select_n3A_847 = arith.select %and3A_845, %add3A_846, %rem3A_837 : i32
    %mul3A_848 = arith.constant 32 : i32
    %mul3A_849 = arith.muli %select_n3A_831, %mul3A_848 : i32
    %dma_start3A_850 = tpu.memref_slice %arg4[%select_n3A_847, %mul3A_849] : memref<16384x3200xf32, #tpu.memory_space<hbm>> -> memref<256x32xf32, #tpu.memory_space<hbm>>
    %dma_start3A_851 = tpu.memref_slice %arg4[%select_n3A_847, %mul3A_849] : memref<16384x3200xf32, #tpu.memory_space<hbm>> -> memref<256x32xf32, #tpu.memory_space<hbm>>
    tpu.enqueue_dma source(%arg6 : memref<256x32xf32, #tpu.memory_space<vmem>>) target(%dma_start3A_851 : memref<256x32xf32, #tpu.memory_space<hbm>>) target_semaphore(%arg22 : memref<!tpu.dma_semaphore, #tpu.memory_space<semaphore_mem>>)
    %add3A_852 = arith.constant 48896 : i32
    %add3A_853 = arith.addi %mul3A_2, %add3A_852 : i32
    %jit3A_854 = arith.constant 16384 : i32
    %div3A_855 = arith.divsi %add3A_853, %jit3A_854 : i32
    %sign3A_856 = arith.constant 0 : i32
    %sign3A_857 = arith.cmpi sgt, %add3A_853, %sign3A_856 : i32
    %sign3A_858 = arith.extui %sign3A_857 : i1 to i32
    %sign3A_859 = arith.constant 0 : i32
    %sign3A_860 = arith.cmpi slt, %add3A_853, %sign3A_859 : i32
    %sign3A_861 = arith.extui %sign3A_860 : i1 to i32
    %sign3A_862 = arith.subi %sign3A_858, %sign3A_861 : i32
    %sign3A_863 = arith.constant 0 : i32
    %sign3A_864 = arith.cmpi sgt, %jit3A_854, %sign3A_863 : i32
    %sign3A_865 = arith.extui %sign3A_864 : i1 to i32
    %sign3A_866 = arith.constant 0 : i32
    %sign3A_867 = arith.cmpi slt, %jit3A_854, %sign3A_866 : i32
    %sign3A_868 = arith.extui %sign3A_867 : i1 to i32
    %sign3A_869 = arith.subi %sign3A_865, %sign3A_868 : i32
    %ne3A_870 = arith.cmpi ne, %sign3A_862, %sign3A_869 : i32
    %rem3A_871 = arith.remsi %add3A_853, %jit3A_854 : i32
    %ne3A_872 = arith.constant 0 : i32
    %ne3A_873 = arith.cmpi ne, %rem3A_871, %ne3A_872 : i32
    %and3A_874 = arith.andi %ne3A_870, %ne3A_873 : i1
    %sub3A_875 = arith.constant 1 : i32
    %sub3A_876 = arith.subi %div3A_855, %sub3A_875 : i32
    %select_n3A_877 = arith.select %and3A_874, %sub3A_876, %div3A_855 : i32
    %jit3A_878 = arith.constant 16384 : i32
    %eq3A_879 = arith.constant 0 : i32
    %eq3A_880 = arith.cmpi eq, %jit3A_878, %eq3A_879 : i32
    %jit3A_881 = arith.constant 1 : i32
    %select_n3A_882 = arith.select %eq3A_880, %jit3A_881, %jit3A_878 : i32
    %rem3A_883 = arith.remsi %add3A_853, %select_n3A_882 : i32
    %ne3A_884 = arith.constant 0 : i32
    %ne3A_885 = arith.cmpi ne, %rem3A_883, %ne3A_884 : i32
    %lt3A_886 = arith.constant 0 : i32
    %lt3A_887 = arith.cmpi slt, %rem3A_883, %lt3A_886 : i32
    %lt3A_888 = arith.constant 0 : i32
    %lt3A_889 = arith.cmpi slt, %select_n3A_882, %lt3A_888 : i32
    %ne3A_890 = arith.xori %lt3A_887, %lt3A_889 : i1
    %and3A_891 = arith.andi %ne3A_890, %ne3A_885 : i1
    %add3A_892 = arith.addi %rem3A_883, %select_n3A_882 : i32
    %select_n3A_893 = arith.select %and3A_891, %add3A_892, %rem3A_883 : i32
    %mul3A_894 = arith.constant 32 : i32
    %mul3A_895 = arith.muli %select_n3A_877, %mul3A_894 : i32
    %dma_wait3A_896 = tpu.memref_slice %arg4[%select_n3A_893, %mul3A_895] : memref<16384x3200xf32, #tpu.memory_space<hbm>> -> memref<256x32xf32, #tpu.memory_space<hbm>>
    %dma_wait3A_897 = tpu.memref_slice %arg4[%select_n3A_893, %mul3A_895] : memref<16384x3200xf32, #tpu.memory_space<hbm>> -> memref<256x32xf32, #tpu.memory_space<hbm>>
    tpu.wait_dma2 semaphore(%arg29 : memref<!tpu.dma_semaphore, #tpu.memory_space<semaphore_mem>>) src(%arg13 : memref<256x32xf32, #tpu.memory_space<vmem>>) dst(%dma_wait3A_897 : memref<256x32xf32, #tpu.memory_space<hbm>>)
    %dma_start3A_898 = arith.constant 50944 : i32
    %dma_start3A_899 = tpu.memref_slice %arg5[%dma_start3A_898] : memref<51200xi32, #tpu.memory_space<vmem>> -> memref<256xi32, #tpu.memory_space<vmem>>
    %dma_start3A_900 = arith.constant 0 : i32
    %dma_start3A_901 = arith.constant 0 : i32
    %dma_start3A_902 = tpu.memref_slice %arg3[%dma_start3A_900, %dma_start3A_901] : memref<1000000x32xf32, #tpu.memory_space<hbm>> -> memref<1000000x32xf32, #tpu.memory_space<hbm>>
    tpu.enqueue_indirect_dma source(%dma_start3A_902 : memref<1000000x32xf32, #tpu.memory_space<hbm>>) target(%arg13 : memref<256x32xf32, #tpu.memory_space<vmem>>) offsets(%dma_start3A_899 : memref<256xi32, #tpu.memory_space<vmem>>) semaphore(%arg21 : memref<!tpu.dma_semaphore, #tpu.memory_space<semaphore_mem>>)
    %dma_wait3A_903 = arith.constant 49408 : i32
    %dma_wait3A_904 = tpu.memref_slice %arg5[%dma_wait3A_903] : memref<51200xi32, #tpu.memory_space<vmem>> -> memref<256xi32, #tpu.memory_space<vmem>>
    %dma_wait3A_905 = arith.constant 0 : i32
    %dma_wait3A_906 = arith.constant 0 : i32
    %dma_wait3A_907 = tpu.memref_slice %arg3[%dma_wait3A_905, %dma_wait3A_906] : memref<1000000x32xf32, #tpu.memory_space<hbm>> -> memref<1000000x32xf32, #tpu.memory_space<hbm>>
    tpu.wait_indirect_dma semaphore(%arg15 : memref<!tpu.dma_semaphore, #tpu.memory_space<semaphore_mem>>) src(%dma_wait3A_907 : memref<1000000x32xf32, #tpu.memory_space<hbm>>) dst(%arg7 : memref<256x32xf32, #tpu.memory_space<vmem>>)
    %add3A_908 = arith.constant 49408 : i32
    %add3A_909 = arith.addi %mul3A_2, %add3A_908 : i32
    %jit3A_910 = arith.constant 16384 : i32
    %div3A_911 = arith.divsi %add3A_909, %jit3A_910 : i32
    %sign3A_912 = arith.constant 0 : i32
    %sign3A_913 = arith.cmpi sgt, %add3A_909, %sign3A_912 : i32
    %sign3A_914 = arith.extui %sign3A_913 : i1 to i32
    %sign3A_915 = arith.constant 0 : i32
    %sign3A_916 = arith.cmpi slt, %add3A_909, %sign3A_915 : i32
    %sign3A_917 = arith.extui %sign3A_916 : i1 to i32
    %sign3A_918 = arith.subi %sign3A_914, %sign3A_917 : i32
    %sign3A_919 = arith.constant 0 : i32
    %sign3A_920 = arith.cmpi sgt, %jit3A_910, %sign3A_919 : i32
    %sign3A_921 = arith.extui %sign3A_920 : i1 to i32
    %sign3A_922 = arith.constant 0 : i32
    %sign3A_923 = arith.cmpi slt, %jit3A_910, %sign3A_922 : i32
    %sign3A_924 = arith.extui %sign3A_923 : i1 to i32
    %sign3A_925 = arith.subi %sign3A_921, %sign3A_924 : i32
    %ne3A_926 = arith.cmpi ne, %sign3A_918, %sign3A_925 : i32
    %rem3A_927 = arith.remsi %add3A_909, %jit3A_910 : i32
    %ne3A_928 = arith.constant 0 : i32
    %ne3A_929 = arith.cmpi ne, %rem3A_927, %ne3A_928 : i32
    %and3A_930 = arith.andi %ne3A_926, %ne3A_929 : i1
    %sub3A_931 = arith.constant 1 : i32
    %sub3A_932 = arith.subi %div3A_911, %sub3A_931 : i32
    %select_n3A_933 = arith.select %and3A_930, %sub3A_932, %div3A_911 : i32
    %jit3A_934 = arith.constant 16384 : i32
    %eq3A_935 = arith.constant 0 : i32
    %eq3A_936 = arith.cmpi eq, %jit3A_934, %eq3A_935 : i32
    %jit3A_937 = arith.constant 1 : i32
    %select_n3A_938 = arith.select %eq3A_936, %jit3A_937, %jit3A_934 : i32
    %rem3A_939 = arith.remsi %add3A_909, %select_n3A_938 : i32
    %ne3A_940 = arith.constant 0 : i32
    %ne3A_941 = arith.cmpi ne, %rem3A_939, %ne3A_940 : i32
    %lt3A_942 = arith.constant 0 : i32
    %lt3A_943 = arith.cmpi slt, %rem3A_939, %lt3A_942 : i32
    %lt3A_944 = arith.constant 0 : i32
    %lt3A_945 = arith.cmpi slt, %select_n3A_938, %lt3A_944 : i32
    %ne3A_946 = arith.xori %lt3A_943, %lt3A_945 : i1
    %and3A_947 = arith.andi %ne3A_946, %ne3A_941 : i1
    %add3A_948 = arith.addi %rem3A_939, %select_n3A_938 : i32
    %select_n3A_949 = arith.select %and3A_947, %add3A_948, %rem3A_939 : i32
    %mul3A_950 = arith.constant 32 : i32
    %mul3A_951 = arith.muli %select_n3A_933, %mul3A_950 : i32
    %dma_start3A_952 = tpu.memref_slice %arg4[%select_n3A_949, %mul3A_951] : memref<16384x3200xf32, #tpu.memory_space<hbm>> -> memref<256x32xf32, #tpu.memory_space<hbm>>
    %dma_start3A_953 = tpu.memref_slice %arg4[%select_n3A_949, %mul3A_951] : memref<16384x3200xf32, #tpu.memory_space<hbm>> -> memref<256x32xf32, #tpu.memory_space<hbm>>
    tpu.enqueue_dma source(%arg7 : memref<256x32xf32, #tpu.memory_space<vmem>>) target(%dma_start3A_953 : memref<256x32xf32, #tpu.memory_space<hbm>>) target_semaphore(%arg23 : memref<!tpu.dma_semaphore, #tpu.memory_space<semaphore_mem>>)
    %dma_wait3A_954 = arith.constant 49664 : i32
    %dma_wait3A_955 = tpu.memref_slice %arg5[%dma_wait3A_954] : memref<51200xi32, #tpu.memory_space<vmem>> -> memref<256xi32, #tpu.memory_space<vmem>>
    %dma_wait3A_956 = arith.constant 0 : i32
    %dma_wait3A_957 = arith.constant 0 : i32
    %dma_wait3A_958 = tpu.memref_slice %arg3[%dma_wait3A_956, %dma_wait3A_957] : memref<1000000x32xf32, #tpu.memory_space<hbm>> -> memref<1000000x32xf32, #tpu.memory_space<hbm>>
    tpu.wait_indirect_dma semaphore(%arg16 : memref<!tpu.dma_semaphore, #tpu.memory_space<semaphore_mem>>) src(%dma_wait3A_958 : memref<1000000x32xf32, #tpu.memory_space<hbm>>) dst(%arg8 : memref<256x32xf32, #tpu.memory_space<vmem>>)
    %add3A_959 = arith.constant 49664 : i32
    %add3A_960 = arith.addi %mul3A_2, %add3A_959 : i32
    %jit3A_961 = arith.constant 16384 : i32
    %div3A_962 = arith.divsi %add3A_960, %jit3A_961 : i32
    %sign3A_963 = arith.constant 0 : i32
    %sign3A_964 = arith.cmpi sgt, %add3A_960, %sign3A_963 : i32
    %sign3A_965 = arith.extui %sign3A_964 : i1 to i32
    %sign3A_966 = arith.constant 0 : i32
    %sign3A_967 = arith.cmpi slt, %add3A_960, %sign3A_966 : i32
    %sign3A_968 = arith.extui %sign3A_967 : i1 to i32
    %sign3A_969 = arith.subi %sign3A_965, %sign3A_968 : i32
    %sign3A_970 = arith.constant 0 : i32
    %sign3A_971 = arith.cmpi sgt, %jit3A_961, %sign3A_970 : i32
    %sign3A_972 = arith.extui %sign3A_971 : i1 to i32
    %sign3A_973 = arith.constant 0 : i32
    %sign3A_974 = arith.cmpi slt, %jit3A_961, %sign3A_973 : i32
    %sign3A_975 = arith.extui %sign3A_974 : i1 to i32
    %sign3A_976 = arith.subi %sign3A_972, %sign3A_975 : i32
    %ne3A_977 = arith.cmpi ne, %sign3A_969, %sign3A_976 : i32
    %rem3A_978 = arith.remsi %add3A_960, %jit3A_961 : i32
    %ne3A_979 = arith.constant 0 : i32
    %ne3A_980 = arith.cmpi ne, %rem3A_978, %ne3A_979 : i32
    %and3A_981 = arith.andi %ne3A_977, %ne3A_980 : i1
    %sub3A_982 = arith.constant 1 : i32
    %sub3A_983 = arith.subi %div3A_962, %sub3A_982 : i32
    %select_n3A_984 = arith.select %and3A_981, %sub3A_983, %div3A_962 : i32
    %jit3A_985 = arith.constant 16384 : i32
    %eq3A_986 = arith.constant 0 : i32
    %eq3A_987 = arith.cmpi eq, %jit3A_985, %eq3A_986 : i32
    %jit3A_988 = arith.constant 1 : i32
    %select_n3A_989 = arith.select %eq3A_987, %jit3A_988, %jit3A_985 : i32
    %rem3A_990 = arith.remsi %add3A_960, %select_n3A_989 : i32
    %ne3A_991 = arith.constant 0 : i32
    %ne3A_992 = arith.cmpi ne, %rem3A_990, %ne3A_991 : i32
    %lt3A_993 = arith.constant 0 : i32
    %lt3A_994 = arith.cmpi slt, %rem3A_990, %lt3A_993 : i32
    %lt3A_995 = arith.constant 0 : i32
    %lt3A_996 = arith.cmpi slt, %select_n3A_989, %lt3A_995 : i32
    %ne3A_997 = arith.xori %lt3A_994, %lt3A_996 : i1
    %and3A_998 = arith.andi %ne3A_997, %ne3A_992 : i1
    %add3A_999 = arith.addi %rem3A_990, %select_n3A_989 : i32
    %select_n3A_1000 = arith.select %and3A_998, %add3A_999, %rem3A_990 : i32
    %mul3A_1001 = arith.constant 32 : i32
    %mul3A_1002 = arith.muli %select_n3A_984, %mul3A_1001 : i32
    %dma_start3A_1003 = tpu.memref_slice %arg4[%select_n3A_1000, %mul3A_1002] : memref<16384x3200xf32, #tpu.memory_space<hbm>> -> memref<256x32xf32, #tpu.memory_space<hbm>>
    %dma_start3A_1004 = tpu.memref_slice %arg4[%select_n3A_1000, %mul3A_1002] : memref<16384x3200xf32, #tpu.memory_space<hbm>> -> memref<256x32xf32, #tpu.memory_space<hbm>>
    tpu.enqueue_dma source(%arg8 : memref<256x32xf32, #tpu.memory_space<vmem>>) target(%dma_start3A_1004 : memref<256x32xf32, #tpu.memory_space<hbm>>) target_semaphore(%arg24 : memref<!tpu.dma_semaphore, #tpu.memory_space<semaphore_mem>>)
    %dma_wait3A_1005 = arith.constant 49920 : i32
    %dma_wait3A_1006 = tpu.memref_slice %arg5[%dma_wait3A_1005] : memref<51200xi32, #tpu.memory_space<vmem>> -> memref<256xi32, #tpu.memory_space<vmem>>
    %dma_wait3A_1007 = arith.constant 0 : i32
    %dma_wait3A_1008 = arith.constant 0 : i32
    %dma_wait3A_1009 = tpu.memref_slice %arg3[%dma_wait3A_1007, %dma_wait3A_1008] : memref<1000000x32xf32, #tpu.memory_space<hbm>> -> memref<1000000x32xf32, #tpu.memory_space<hbm>>
    tpu.wait_indirect_dma semaphore(%arg17 : memref<!tpu.dma_semaphore, #tpu.memory_space<semaphore_mem>>) src(%dma_wait3A_1009 : memref<1000000x32xf32, #tpu.memory_space<hbm>>) dst(%arg9 : memref<256x32xf32, #tpu.memory_space<vmem>>)
    %add3A_1010 = arith.constant 49920 : i32
    %add3A_1011 = arith.addi %mul3A_2, %add3A_1010 : i32
    %jit3A_1012 = arith.constant 16384 : i32
    %div3A_1013 = arith.divsi %add3A_1011, %jit3A_1012 : i32
    %sign3A_1014 = arith.constant 0 : i32
    %sign3A_1015 = arith.cmpi sgt, %add3A_1011, %sign3A_1014 : i32
    %sign3A_1016 = arith.extui %sign3A_1015 : i1 to i32
    %sign3A_1017 = arith.constant 0 : i32
    %sign3A_1018 = arith.cmpi slt, %add3A_1011, %sign3A_1017 : i32
    %sign3A_1019 = arith.extui %sign3A_1018 : i1 to i32
    %sign3A_1020 = arith.subi %sign3A_1016, %sign3A_1019 : i32
    %sign3A_1021 = arith.constant 0 : i32
    %sign3A_1022 = arith.cmpi sgt, %jit3A_1012, %sign3A_1021 : i32
    %sign3A_1023 = arith.extui %sign3A_1022 : i1 to i32
    %sign3A_1024 = arith.constant 0 : i32
    %sign3A_1025 = arith.cmpi slt, %jit3A_1012, %sign3A_1024 : i32
    %sign3A_1026 = arith.extui %sign3A_1025 : i1 to i32
    %sign3A_1027 = arith.subi %sign3A_1023, %sign3A_1026 : i32
    %ne3A_1028 = arith.cmpi ne, %sign3A_1020, %sign3A_1027 : i32
    %rem3A_1029 = arith.remsi %add3A_1011, %jit3A_1012 : i32
    %ne3A_1030 = arith.constant 0 : i32
    %ne3A_1031 = arith.cmpi ne, %rem3A_1029, %ne3A_1030 : i32
    %and3A_1032 = arith.andi %ne3A_1028, %ne3A_1031 : i1
    %sub3A_1033 = arith.constant 1 : i32
    %sub3A_1034 = arith.subi %div3A_1013, %sub3A_1033 : i32
    %select_n3A_1035 = arith.select %and3A_1032, %sub3A_1034, %div3A_1013 : i32
    %jit3A_1036 = arith.constant 16384 : i32
    %eq3A_1037 = arith.constant 0 : i32
    %eq3A_1038 = arith.cmpi eq, %jit3A_1036, %eq3A_1037 : i32
    %jit3A_1039 = arith.constant 1 : i32
    %select_n3A_1040 = arith.select %eq3A_1038, %jit3A_1039, %jit3A_1036 : i32
    %rem3A_1041 = arith.remsi %add3A_1011, %select_n3A_1040 : i32
    %ne3A_1042 = arith.constant 0 : i32
    %ne3A_1043 = arith.cmpi ne, %rem3A_1041, %ne3A_1042 : i32
    %lt3A_1044 = arith.constant 0 : i32
    %lt3A_1045 = arith.cmpi slt, %rem3A_1041, %lt3A_1044 : i32
    %lt3A_1046 = arith.constant 0 : i32
    %lt3A_1047 = arith.cmpi slt, %select_n3A_1040, %lt3A_1046 : i32
    %ne3A_1048 = arith.xori %lt3A_1045, %lt3A_1047 : i1
    %and3A_1049 = arith.andi %ne3A_1048, %ne3A_1043 : i1
    %add3A_1050 = arith.addi %rem3A_1041, %select_n3A_1040 : i32
    %select_n3A_1051 = arith.select %and3A_1049, %add3A_1050, %rem3A_1041 : i32
    %mul3A_1052 = arith.constant 32 : i32
    %mul3A_1053 = arith.muli %select_n3A_1035, %mul3A_1052 : i32
    %dma_start3A_1054 = tpu.memref_slice %arg4[%select_n3A_1051, %mul3A_1053] : memref<16384x3200xf32, #tpu.memory_space<hbm>> -> memref<256x32xf32, #tpu.memory_space<hbm>>
    %dma_start3A_1055 = tpu.memref_slice %arg4[%select_n3A_1051, %mul3A_1053] : memref<16384x3200xf32, #tpu.memory_space<hbm>> -> memref<256x32xf32, #tpu.memory_space<hbm>>
    tpu.enqueue_dma source(%arg9 : memref<256x32xf32, #tpu.memory_space<vmem>>) target(%dma_start3A_1055 : memref<256x32xf32, #tpu.memory_space<hbm>>) target_semaphore(%arg25 : memref<!tpu.dma_semaphore, #tpu.memory_space<semaphore_mem>>)
    %dma_wait3A_1056 = arith.constant 50176 : i32
    %dma_wait3A_1057 = tpu.memref_slice %arg5[%dma_wait3A_1056] : memref<51200xi32, #tpu.memory_space<vmem>> -> memref<256xi32, #tpu.memory_space<vmem>>
    %dma_wait3A_1058 = arith.constant 0 : i32
    %dma_wait3A_1059 = arith.constant 0 : i32
    %dma_wait3A_1060 = tpu.memref_slice %arg3[%dma_wait3A_1058, %dma_wait3A_1059] : memref<1000000x32xf32, #tpu.memory_space<hbm>> -> memref<1000000x32xf32, #tpu.memory_space<hbm>>
    tpu.wait_indirect_dma semaphore(%arg18 : memref<!tpu.dma_semaphore, #tpu.memory_space<semaphore_mem>>) src(%dma_wait3A_1060 : memref<1000000x32xf32, #tpu.memory_space<hbm>>) dst(%arg10 : memref<256x32xf32, #tpu.memory_space<vmem>>)
    %add3A_1061 = arith.constant 50176 : i32
    %add3A_1062 = arith.addi %mul3A_2, %add3A_1061 : i32
    %jit3A_1063 = arith.constant 16384 : i32
    %div3A_1064 = arith.divsi %add3A_1062, %jit3A_1063 : i32
    %sign3A_1065 = arith.constant 0 : i32
    %sign3A_1066 = arith.cmpi sgt, %add3A_1062, %sign3A_1065 : i32
    %sign3A_1067 = arith.extui %sign3A_1066 : i1 to i32
    %sign3A_1068 = arith.constant 0 : i32
    %sign3A_1069 = arith.cmpi slt, %add3A_1062, %sign3A_1068 : i32
    %sign3A_1070 = arith.extui %sign3A_1069 : i1 to i32
    %sign3A_1071 = arith.subi %sign3A_1067, %sign3A_1070 : i32
    %sign3A_1072 = arith.constant 0 : i32
    %sign3A_1073 = arith.cmpi sgt, %jit3A_1063, %sign3A_1072 : i32
    %sign3A_1074 = arith.extui %sign3A_1073 : i1 to i32
    %sign3A_1075 = arith.constant 0 : i32
    %sign3A_1076 = arith.cmpi slt, %jit3A_1063, %sign3A_1075 : i32
    %sign3A_1077 = arith.extui %sign3A_1076 : i1 to i32
    %sign3A_1078 = arith.subi %sign3A_1074, %sign3A_1077 : i32
    %ne3A_1079 = arith.cmpi ne, %sign3A_1071, %sign3A_1078 : i32
    %rem3A_1080 = arith.remsi %add3A_1062, %jit3A_1063 : i32
    %ne3A_1081 = arith.constant 0 : i32
    %ne3A_1082 = arith.cmpi ne, %rem3A_1080, %ne3A_1081 : i32
    %and3A_1083 = arith.andi %ne3A_1079, %ne3A_1082 : i1
    %sub3A_1084 = arith.constant 1 : i32
    %sub3A_1085 = arith.subi %div3A_1064, %sub3A_1084 : i32
    %select_n3A_1086 = arith.select %and3A_1083, %sub3A_1085, %div3A_1064 : i32
    %jit3A_1087 = arith.constant 16384 : i32
    %eq3A_1088 = arith.constant 0 : i32
    %eq3A_1089 = arith.cmpi eq, %jit3A_1087, %eq3A_1088 : i32
    %jit3A_1090 = arith.constant 1 : i32
    %select_n3A_1091 = arith.select %eq3A_1089, %jit3A_1090, %jit3A_1087 : i32
    %rem3A_1092 = arith.remsi %add3A_1062, %select_n3A_1091 : i32
    %ne3A_1093 = arith.constant 0 : i32
    %ne3A_1094 = arith.cmpi ne, %rem3A_1092, %ne3A_1093 : i32
    %lt3A_1095 = arith.constant 0 : i32
    %lt3A_1096 = arith.cmpi slt, %rem3A_1092, %lt3A_1095 : i32
    %lt3A_1097 = arith.constant 0 : i32
    %lt3A_1098 = arith.cmpi slt, %select_n3A_1091, %lt3A_1097 : i32
    %ne3A_1099 = arith.xori %lt3A_1096, %lt3A_1098 : i1
    %and3A_1100 = arith.andi %ne3A_1099, %ne3A_1094 : i1
    %add3A_1101 = arith.addi %rem3A_1092, %select_n3A_1091 : i32
    %select_n3A_1102 = arith.select %and3A_1100, %add3A_1101, %rem3A_1092 : i32
    %mul3A_1103 = arith.constant 32 : i32
    %mul3A_1104 = arith.muli %select_n3A_1086, %mul3A_1103 : i32
    %dma_start3A_1105 = tpu.memref_slice %arg4[%select_n3A_1102, %mul3A_1104] : memref<16384x3200xf32, #tpu.memory_space<hbm>> -> memref<256x32xf32, #tpu.memory_space<hbm>>
    %dma_start3A_1106 = tpu.memref_slice %arg4[%select_n3A_1102, %mul3A_1104] : memref<16384x3200xf32, #tpu.memory_space<hbm>> -> memref<256x32xf32, #tpu.memory_space<hbm>>
    tpu.enqueue_dma source(%arg10 : memref<256x32xf32, #tpu.memory_space<vmem>>) target(%dma_start3A_1106 : memref<256x32xf32, #tpu.memory_space<hbm>>) target_semaphore(%arg26 : memref<!tpu.dma_semaphore, #tpu.memory_space<semaphore_mem>>)
    %dma_wait3A_1107 = arith.constant 50432 : i32
    %dma_wait3A_1108 = tpu.memref_slice %arg5[%dma_wait3A_1107] : memref<51200xi32, #tpu.memory_space<vmem>> -> memref<256xi32, #tpu.memory_space<vmem>>
    %dma_wait3A_1109 = arith.constant 0 : i32
    %dma_wait3A_1110 = arith.constant 0 : i32
    %dma_wait3A_1111 = tpu.memref_slice %arg3[%dma_wait3A_1109, %dma_wait3A_1110] : memref<1000000x32xf32, #tpu.memory_space<hbm>> -> memref<1000000x32xf32, #tpu.memory_space<hbm>>
    tpu.wait_indirect_dma semaphore(%arg19 : memref<!tpu.dma_semaphore, #tpu.memory_space<semaphore_mem>>) src(%dma_wait3A_1111 : memref<1000000x32xf32, #tpu.memory_space<hbm>>) dst(%arg11 : memref<256x32xf32, #tpu.memory_space<vmem>>)
    %add3A_1112 = arith.constant 50432 : i32
    %add3A_1113 = arith.addi %mul3A_2, %add3A_1112 : i32
    %jit3A_1114 = arith.constant 16384 : i32
    %div3A_1115 = arith.divsi %add3A_1113, %jit3A_1114 : i32
    %sign3A_1116 = arith.constant 0 : i32
    %sign3A_1117 = arith.cmpi sgt, %add3A_1113, %sign3A_1116 : i32
    %sign3A_1118 = arith.extui %sign3A_1117 : i1 to i32
    %sign3A_1119 = arith.constant 0 : i32
    %sign3A_1120 = arith.cmpi slt, %add3A_1113, %sign3A_1119 : i32
    %sign3A_1121 = arith.extui %sign3A_1120 : i1 to i32
    %sign3A_1122 = arith.subi %sign3A_1118, %sign3A_1121 : i32
    %sign3A_1123 = arith.constant 0 : i32
    %sign3A_1124 = arith.cmpi sgt, %jit3A_1114, %sign3A_1123 : i32
    %sign3A_1125 = arith.extui %sign3A_1124 : i1 to i32
    %sign3A_1126 = arith.constant 0 : i32
    %sign3A_1127 = arith.cmpi slt, %jit3A_1114, %sign3A_1126 : i32
    %sign3A_1128 = arith.extui %sign3A_1127 : i1 to i32
    %sign3A_1129 = arith.subi %sign3A_1125, %sign3A_1128 : i32
    %ne3A_1130 = arith.cmpi ne, %sign3A_1122, %sign3A_1129 : i32
    %rem3A_1131 = arith.remsi %add3A_1113, %jit3A_1114 : i32
    %ne3A_1132 = arith.constant 0 : i32
    %ne3A_1133 = arith.cmpi ne, %rem3A_1131, %ne3A_1132 : i32
    %and3A_1134 = arith.andi %ne3A_1130, %ne3A_1133 : i1
    %sub3A_1135 = arith.constant 1 : i32
    %sub3A_1136 = arith.subi %div3A_1115, %sub3A_1135 : i32
    %select_n3A_1137 = arith.select %and3A_1134, %sub3A_1136, %div3A_1115 : i32
    %jit3A_1138 = arith.constant 16384 : i32
    %eq3A_1139 = arith.constant 0 : i32
    %eq3A_1140 = arith.cmpi eq, %jit3A_1138, %eq3A_1139 : i32
    %jit3A_1141 = arith.constant 1 : i32
    %select_n3A_1142 = arith.select %eq3A_1140, %jit3A_1141, %jit3A_1138 : i32
    %rem3A_1143 = arith.remsi %add3A_1113, %select_n3A_1142 : i32
    %ne3A_1144 = arith.constant 0 : i32
    %ne3A_1145 = arith.cmpi ne, %rem3A_1143, %ne3A_1144 : i32
    %lt3A_1146 = arith.constant 0 : i32
    %lt3A_1147 = arith.cmpi slt, %rem3A_1143, %lt3A_1146 : i32
    %lt3A_1148 = arith.constant 0 : i32
    %lt3A_1149 = arith.cmpi slt, %select_n3A_1142, %lt3A_1148 : i32
    %ne3A_1150 = arith.xori %lt3A_1147, %lt3A_1149 : i1
    %and3A_1151 = arith.andi %ne3A_1150, %ne3A_1145 : i1
    %add3A_1152 = arith.addi %rem3A_1143, %select_n3A_1142 : i32
    %select_n3A_1153 = arith.select %and3A_1151, %add3A_1152, %rem3A_1143 : i32
    %mul3A_1154 = arith.constant 32 : i32
    %mul3A_1155 = arith.muli %select_n3A_1137, %mul3A_1154 : i32
    %dma_start3A_1156 = tpu.memref_slice %arg4[%select_n3A_1153, %mul3A_1155] : memref<16384x3200xf32, #tpu.memory_space<hbm>> -> memref<256x32xf32, #tpu.memory_space<hbm>>
    %dma_start3A_1157 = tpu.memref_slice %arg4[%select_n3A_1153, %mul3A_1155] : memref<16384x3200xf32, #tpu.memory_space<hbm>> -> memref<256x32xf32, #tpu.memory_space<hbm>>
    tpu.enqueue_dma source(%arg11 : memref<256x32xf32, #tpu.memory_space<vmem>>) target(%dma_start3A_1157 : memref<256x32xf32, #tpu.memory_space<hbm>>) target_semaphore(%arg27 : memref<!tpu.dma_semaphore, #tpu.memory_space<semaphore_mem>>)
    %dma_wait3A_1158 = arith.constant 50688 : i32
    %dma_wait3A_1159 = tpu.memref_slice %arg5[%dma_wait3A_1158] : memref<51200xi32, #tpu.memory_space<vmem>> -> memref<256xi32, #tpu.memory_space<vmem>>
    %dma_wait3A_1160 = arith.constant 0 : i32
    %dma_wait3A_1161 = arith.constant 0 : i32
    %dma_wait3A_1162 = tpu.memref_slice %arg3[%dma_wait3A_1160, %dma_wait3A_1161] : memref<1000000x32xf32, #tpu.memory_space<hbm>> -> memref<1000000x32xf32, #tpu.memory_space<hbm>>
    tpu.wait_indirect_dma semaphore(%arg20 : memref<!tpu.dma_semaphore, #tpu.memory_space<semaphore_mem>>) src(%dma_wait3A_1162 : memref<1000000x32xf32, #tpu.memory_space<hbm>>) dst(%arg12 : memref<256x32xf32, #tpu.memory_space<vmem>>)
    %add3A_1163 = arith.constant 50688 : i32
    %add3A_1164 = arith.addi %mul3A_2, %add3A_1163 : i32
    %jit3A_1165 = arith.constant 16384 : i32
    %div3A_1166 = arith.divsi %add3A_1164, %jit3A_1165 : i32
    %sign3A_1167 = arith.constant 0 : i32
    %sign3A_1168 = arith.cmpi sgt, %add3A_1164, %sign3A_1167 : i32
    %sign3A_1169 = arith.extui %sign3A_1168 : i1 to i32
    %sign3A_1170 = arith.constant 0 : i32
    %sign3A_1171 = arith.cmpi slt, %add3A_1164, %sign3A_1170 : i32
    %sign3A_1172 = arith.extui %sign3A_1171 : i1 to i32
    %sign3A_1173 = arith.subi %sign3A_1169, %sign3A_1172 : i32
    %sign3A_1174 = arith.constant 0 : i32
    %sign3A_1175 = arith.cmpi sgt, %jit3A_1165, %sign3A_1174 : i32
    %sign3A_1176 = arith.extui %sign3A_1175 : i1 to i32
    %sign3A_1177 = arith.constant 0 : i32
    %sign3A_1178 = arith.cmpi slt, %jit3A_1165, %sign3A_1177 : i32
    %sign3A_1179 = arith.extui %sign3A_1178 : i1 to i32
    %sign3A_1180 = arith.subi %sign3A_1176, %sign3A_1179 : i32
    %ne3A_1181 = arith.cmpi ne, %sign3A_1173, %sign3A_1180 : i32
    %rem3A_1182 = arith.remsi %add3A_1164, %jit3A_1165 : i32
    %ne3A_1183 = arith.constant 0 : i32
    %ne3A_1184 = arith.cmpi ne, %rem3A_1182, %ne3A_1183 : i32
    %and3A_1185 = arith.andi %ne3A_1181, %ne3A_1184 : i1
    %sub3A_1186 = arith.constant 1 : i32
    %sub3A_1187 = arith.subi %div3A_1166, %sub3A_1186 : i32
    %select_n3A_1188 = arith.select %and3A_1185, %sub3A_1187, %div3A_1166 : i32
    %jit3A_1189 = arith.constant 16384 : i32
    %eq3A_1190 = arith.constant 0 : i32
    %eq3A_1191 = arith.cmpi eq, %jit3A_1189, %eq3A_1190 : i32
    %jit3A_1192 = arith.constant 1 : i32
    %select_n3A_1193 = arith.select %eq3A_1191, %jit3A_1192, %jit3A_1189 : i32
    %rem3A_1194 = arith.remsi %add3A_1164, %select_n3A_1193 : i32
    %ne3A_1195 = arith.constant 0 : i32
    %ne3A_1196 = arith.cmpi ne, %rem3A_1194, %ne3A_1195 : i32
    %lt3A_1197 = arith.constant 0 : i32
    %lt3A_1198 = arith.cmpi slt, %rem3A_1194, %lt3A_1197 : i32
    %lt3A_1199 = arith.constant 0 : i32
    %lt3A_1200 = arith.cmpi slt, %select_n3A_1193, %lt3A_1199 : i32
    %ne3A_1201 = arith.xori %lt3A_1198, %lt3A_1200 : i1
    %and3A_1202 = arith.andi %ne3A_1201, %ne3A_1196 : i1
    %add3A_1203 = arith.addi %rem3A_1194, %select_n3A_1193 : i32
    %select_n3A_1204 = arith.select %and3A_1202, %add3A_1203, %rem3A_1194 : i32
    %mul3A_1205 = arith.constant 32 : i32
    %mul3A_1206 = arith.muli %select_n3A_1188, %mul3A_1205 : i32
    %dma_start3A_1207 = tpu.memref_slice %arg4[%select_n3A_1204, %mul3A_1206] : memref<16384x3200xf32, #tpu.memory_space<hbm>> -> memref<256x32xf32, #tpu.memory_space<hbm>>
    %dma_start3A_1208 = tpu.memref_slice %arg4[%select_n3A_1204, %mul3A_1206] : memref<16384x3200xf32, #tpu.memory_space<hbm>> -> memref<256x32xf32, #tpu.memory_space<hbm>>
    tpu.enqueue_dma source(%arg12 : memref<256x32xf32, #tpu.memory_space<vmem>>) target(%dma_start3A_1208 : memref<256x32xf32, #tpu.memory_space<hbm>>) target_semaphore(%arg28 : memref<!tpu.dma_semaphore, #tpu.memory_space<semaphore_mem>>)
    %dma_wait3A_1209 = arith.constant 50944 : i32
    %dma_wait3A_1210 = tpu.memref_slice %arg5[%dma_wait3A_1209] : memref<51200xi32, #tpu.memory_space<vmem>> -> memref<256xi32, #tpu.memory_space<vmem>>
    %dma_wait3A_1211 = arith.constant 0 : i32
    %dma_wait3A_1212 = arith.constant 0 : i32
    %dma_wait3A_1213 = tpu.memref_slice %arg3[%dma_wait3A_1211, %dma_wait3A_1212] : memref<1000000x32xf32, #tpu.memory_space<hbm>> -> memref<1000000x32xf32, #tpu.memory_space<hbm>>
    tpu.wait_indirect_dma semaphore(%arg21 : memref<!tpu.dma_semaphore, #tpu.memory_space<semaphore_mem>>) src(%dma_wait3A_1213 : memref<1000000x32xf32, #tpu.memory_space<hbm>>) dst(%arg13 : memref<256x32xf32, #tpu.memory_space<vmem>>)
    %add3A_1214 = arith.constant 50944 : i32
    %add3A_1215 = arith.addi %mul3A_2, %add3A_1214 : i32
    %jit3A_1216 = arith.constant 16384 : i32
    %div3A_1217 = arith.divsi %add3A_1215, %jit3A_1216 : i32
    %sign3A_1218 = arith.constant 0 : i32
    %sign3A_1219 = arith.cmpi sgt, %add3A_1215, %sign3A_1218 : i32
    %sign3A_1220 = arith.extui %sign3A_1219 : i1 to i32
    %sign3A_1221 = arith.constant 0 : i32
    %sign3A_1222 = arith.cmpi slt, %add3A_1215, %sign3A_1221 : i32
    %sign3A_1223 = arith.extui %sign3A_1222 : i1 to i32
    %sign3A_1224 = arith.subi %sign3A_1220, %sign3A_1223 : i32
    %sign3A_1225 = arith.constant 0 : i32
    %sign3A_1226 = arith.cmpi sgt, %jit3A_1216, %sign3A_1225 : i32
    %sign3A_1227 = arith.extui %sign3A_1226 : i1 to i32
    %sign3A_1228 = arith.constant 0 : i32
    %sign3A_1229 = arith.cmpi slt, %jit3A_1216, %sign3A_1228 : i32
    %sign3A_1230 = arith.extui %sign3A_1229 : i1 to i32
    %sign3A_1231 = arith.subi %sign3A_1227, %sign3A_1230 : i32
    %ne3A_1232 = arith.cmpi ne, %sign3A_1224, %sign3A_1231 : i32
    %rem3A_1233 = arith.remsi %add3A_1215, %jit3A_1216 : i32
    %ne3A_1234 = arith.constant 0 : i32
    %ne3A_1235 = arith.cmpi ne, %rem3A_1233, %ne3A_1234 : i32
    %and3A_1236 = arith.andi %ne3A_1232, %ne3A_1235 : i1
    %sub3A_1237 = arith.constant 1 : i32
    %sub3A_1238 = arith.subi %div3A_1217, %sub3A_1237 : i32
    %select_n3A_1239 = arith.select %and3A_1236, %sub3A_1238, %div3A_1217 : i32
    %jit3A_1240 = arith.constant 16384 : i32
    %eq3A_1241 = arith.constant 0 : i32
    %eq3A_1242 = arith.cmpi eq, %jit3A_1240, %eq3A_1241 : i32
    %jit3A_1243 = arith.constant 1 : i32
    %select_n3A_1244 = arith.select %eq3A_1242, %jit3A_1243, %jit3A_1240 : i32
    %rem3A_1245 = arith.remsi %add3A_1215, %select_n3A_1244 : i32
    %ne3A_1246 = arith.constant 0 : i32
    %ne3A_1247 = arith.cmpi ne, %rem3A_1245, %ne3A_1246 : i32
    %lt3A_1248 = arith.constant 0 : i32
    %lt3A_1249 = arith.cmpi slt, %rem3A_1245, %lt3A_1248 : i32
    %lt3A_1250 = arith.constant 0 : i32
    %lt3A_1251 = arith.cmpi slt, %select_n3A_1244, %lt3A_1250 : i32
    %ne3A_1252 = arith.xori %lt3A_1249, %lt3A_1251 : i1
    %and3A_1253 = arith.andi %ne3A_1252, %ne3A_1247 : i1
    %add3A_1254 = arith.addi %rem3A_1245, %select_n3A_1244 : i32
    %select_n3A_1255 = arith.select %and3A_1253, %add3A_1254, %rem3A_1245 : i32
    %mul3A_1256 = arith.constant 32 : i32
    %mul3A_1257 = arith.muli %select_n3A_1239, %mul3A_1256 : i32
    %dma_start3A_1258 = tpu.memref_slice %arg4[%select_n3A_1255, %mul3A_1257] : memref<16384x3200xf32, #tpu.memory_space<hbm>> -> memref<256x32xf32, #tpu.memory_space<hbm>>
    %dma_start3A_1259 = tpu.memref_slice %arg4[%select_n3A_1255, %mul3A_1257] : memref<16384x3200xf32, #tpu.memory_space<hbm>> -> memref<256x32xf32, #tpu.memory_space<hbm>>
    tpu.enqueue_dma source(%arg13 : memref<256x32xf32, #tpu.memory_space<vmem>>) target(%dma_start3A_1259 : memref<256x32xf32, #tpu.memory_space<hbm>>) target_semaphore(%arg29 : memref<!tpu.dma_semaphore, #tpu.memory_space<semaphore_mem>>)
    %add3A_1260 = arith.constant 49152 : i32
    %add3A_1261 = arith.addi %mul3A_2, %add3A_1260 : i32
    %jit3A_1262 = arith.constant 16384 : i32
    %div3A_1263 = arith.divsi %add3A_1261, %jit3A_1262 : i32
    %sign3A_1264 = arith.constant 0 : i32
    %sign3A_1265 = arith.cmpi sgt, %add3A_1261, %sign3A_1264 : i32
    %sign3A_1266 = arith.extui %sign3A_1265 : i1 to i32
    %sign3A_1267 = arith.constant 0 : i32
    %sign3A_1268 = arith.cmpi slt, %add3A_1261, %sign3A_1267 : i32
    %sign3A_1269 = arith.extui %sign3A_1268 : i1 to i32
    %sign3A_1270 = arith.subi %sign3A_1266, %sign3A_1269 : i32
    %sign3A_1271 = arith.constant 0 : i32
    %sign3A_1272 = arith.cmpi sgt, %jit3A_1262, %sign3A_1271 : i32
    %sign3A_1273 = arith.extui %sign3A_1272 : i1 to i32
    %sign3A_1274 = arith.constant 0 : i32
    %sign3A_1275 = arith.cmpi slt, %jit3A_1262, %sign3A_1274 : i32
    %sign3A_1276 = arith.extui %sign3A_1275 : i1 to i32
    %sign3A_1277 = arith.subi %sign3A_1273, %sign3A_1276 : i32
    %ne3A_1278 = arith.cmpi ne, %sign3A_1270, %sign3A_1277 : i32
    %rem3A_1279 = arith.remsi %add3A_1261, %jit3A_1262 : i32
    %ne3A_1280 = arith.constant 0 : i32
    %ne3A_1281 = arith.cmpi ne, %rem3A_1279, %ne3A_1280 : i32
    %and3A_1282 = arith.andi %ne3A_1278, %ne3A_1281 : i1
    %sub3A_1283 = arith.constant 1 : i32
    %sub3A_1284 = arith.subi %div3A_1263, %sub3A_1283 : i32
    %select_n3A_1285 = arith.select %and3A_1282, %sub3A_1284, %div3A_1263 : i32
    %jit3A_1286 = arith.constant 16384 : i32
    %eq3A_1287 = arith.constant 0 : i32
    %eq3A_1288 = arith.cmpi eq, %jit3A_1286, %eq3A_1287 : i32
    %jit3A_1289 = arith.constant 1 : i32
    %select_n3A_1290 = arith.select %eq3A_1288, %jit3A_1289, %jit3A_1286 : i32
    %rem3A_1291 = arith.remsi %add3A_1261, %select_n3A_1290 : i32
    %ne3A_1292 = arith.constant 0 : i32
    %ne3A_1293 = arith.cmpi ne, %rem3A_1291, %ne3A_1292 : i32
    %lt3A_1294 = arith.constant 0 : i32
    %lt3A_1295 = arith.cmpi slt, %rem3A_1291, %lt3A_1294 : i32
    %lt3A_1296 = arith.constant 0 : i32
    %lt3A_1297 = arith.cmpi slt, %select_n3A_1290, %lt3A_1296 : i32
    %ne3A_1298 = arith.xori %lt3A_1295, %lt3A_1297 : i1
    %and3A_1299 = arith.andi %ne3A_1298, %ne3A_1293 : i1
    %add3A_1300 = arith.addi %rem3A_1291, %select_n3A_1290 : i32
    %select_n3A_1301 = arith.select %and3A_1299, %add3A_1300, %rem3A_1291 : i32
    %mul3A_1302 = arith.constant 32 : i32
    %mul3A_1303 = arith.muli %select_n3A_1285, %mul3A_1302 : i32
    %dma_wait3A_1304 = tpu.memref_slice %arg4[%select_n3A_1301, %mul3A_1303] : memref<16384x3200xf32, #tpu.memory_space<hbm>> -> memref<256x32xf32, #tpu.memory_space<hbm>>
    %dma_wait3A_1305 = tpu.memref_slice %arg4[%select_n3A_1301, %mul3A_1303] : memref<16384x3200xf32, #tpu.memory_space<hbm>> -> memref<256x32xf32, #tpu.memory_space<hbm>>
    tpu.wait_dma2 semaphore(%arg22 : memref<!tpu.dma_semaphore, #tpu.memory_space<semaphore_mem>>) src(%arg6 : memref<256x32xf32, #tpu.memory_space<vmem>>) dst(%dma_wait3A_1305 : memref<256x32xf32, #tpu.memory_space<hbm>>)
    %add3A_1306 = arith.constant 49408 : i32
    %add3A_1307 = arith.addi %mul3A_2, %add3A_1306 : i32
    %jit3A_1308 = arith.constant 16384 : i32
    %div3A_1309 = arith.divsi %add3A_1307, %jit3A_1308 : i32
    %sign3A_1310 = arith.constant 0 : i32
    %sign3A_1311 = arith.cmpi sgt, %add3A_1307, %sign3A_1310 : i32
    %sign3A_1312 = arith.extui %sign3A_1311 : i1 to i32
    %sign3A_1313 = arith.constant 0 : i32
    %sign3A_1314 = arith.cmpi slt, %add3A_1307, %sign3A_1313 : i32
    %sign3A_1315 = arith.extui %sign3A_1314 : i1 to i32
    %sign3A_1316 = arith.subi %sign3A_1312, %sign3A_1315 : i32
    %sign3A_1317 = arith.constant 0 : i32
    %sign3A_1318 = arith.cmpi sgt, %jit3A_1308, %sign3A_1317 : i32
    %sign3A_1319 = arith.extui %sign3A_1318 : i1 to i32
    %sign3A_1320 = arith.constant 0 : i32
    %sign3A_1321 = arith.cmpi slt, %jit3A_1308, %sign3A_1320 : i32
    %sign3A_1322 = arith.extui %sign3A_1321 : i1 to i32
    %sign3A_1323 = arith.subi %sign3A_1319, %sign3A_1322 : i32
    %ne3A_1324 = arith.cmpi ne, %sign3A_1316, %sign3A_1323 : i32
    %rem3A_1325 = arith.remsi %add3A_1307, %jit3A_1308 : i32
    %ne3A_1326 = arith.constant 0 : i32
    %ne3A_1327 = arith.cmpi ne, %rem3A_1325, %ne3A_1326 : i32
    %and3A_1328 = arith.andi %ne3A_1324, %ne3A_1327 : i1
    %sub3A_1329 = arith.constant 1 : i32
    %sub3A_1330 = arith.subi %div3A_1309, %sub3A_1329 : i32
    %select_n3A_1331 = arith.select %and3A_1328, %sub3A_1330, %div3A_1309 : i32
    %jit3A_1332 = arith.constant 16384 : i32
    %eq3A_1333 = arith.constant 0 : i32
    %eq3A_1334 = arith.cmpi eq, %jit3A_1332, %eq3A_1333 : i32
    %jit3A_1335 = arith.constant 1 : i32
    %select_n3A_1336 = arith.select %eq3A_1334, %jit3A_1335, %jit3A_1332 : i32
    %rem3A_1337 = arith.remsi %add3A_1307, %select_n3A_1336 : i32
    %ne3A_1338 = arith.constant 0 : i32
    %ne3A_1339 = arith.cmpi ne, %rem3A_1337, %ne3A_1338 : i32
    %lt3A_1340 = arith.constant 0 : i32
    %lt3A_1341 = arith.cmpi slt, %rem3A_1337, %lt3A_1340 : i32
    %lt3A_1342 = arith.constant 0 : i32
    %lt3A_1343 = arith.cmpi slt, %select_n3A_1336, %lt3A_1342 : i32
    %ne3A_1344 = arith.xori %lt3A_1341, %lt3A_1343 : i1
    %and3A_1345 = arith.andi %ne3A_1344, %ne3A_1339 : i1
    %add3A_1346 = arith.addi %rem3A_1337, %select_n3A_1336 : i32
    %select_n3A_1347 = arith.select %and3A_1345, %add3A_1346, %rem3A_1337 : i32
    %mul3A_1348 = arith.constant 32 : i32
    %mul3A_1349 = arith.muli %select_n3A_1331, %mul3A_1348 : i32
    %dma_wait3A_1350 = tpu.memref_slice %arg4[%select_n3A_1347, %mul3A_1349] : memref<16384x3200xf32, #tpu.memory_space<hbm>> -> memref<256x32xf32, #tpu.memory_space<hbm>>
    %dma_wait3A_1351 = tpu.memref_slice %arg4[%select_n3A_1347, %mul3A_1349] : memref<16384x3200xf32, #tpu.memory_space<hbm>> -> memref<256x32xf32, #tpu.memory_space<hbm>>
    tpu.wait_dma2 semaphore(%arg23 : memref<!tpu.dma_semaphore, #tpu.memory_space<semaphore_mem>>) src(%arg7 : memref<256x32xf32, #tpu.memory_space<vmem>>) dst(%dma_wait3A_1351 : memref<256x32xf32, #tpu.memory_space<hbm>>)
    %add3A_1352 = arith.constant 49664 : i32
    %add3A_1353 = arith.addi %mul3A_2, %add3A_1352 : i32
    %jit3A_1354 = arith.constant 16384 : i32
    %div3A_1355 = arith.divsi %add3A_1353, %jit3A_1354 : i32
    %sign3A_1356 = arith.constant 0 : i32
    %sign3A_1357 = arith.cmpi sgt, %add3A_1353, %sign3A_1356 : i32
    %sign3A_1358 = arith.extui %sign3A_1357 : i1 to i32
    %sign3A_1359 = arith.constant 0 : i32
    %sign3A_1360 = arith.cmpi slt, %add3A_1353, %sign3A_1359 : i32
    %sign3A_1361 = arith.extui %sign3A_1360 : i1 to i32
    %sign3A_1362 = arith.subi %sign3A_1358, %sign3A_1361 : i32
    %sign3A_1363 = arith.constant 0 : i32
    %sign3A_1364 = arith.cmpi sgt, %jit3A_1354, %sign3A_1363 : i32
    %sign3A_1365 = arith.extui %sign3A_1364 : i1 to i32
    %sign3A_1366 = arith.constant 0 : i32
    %sign3A_1367 = arith.cmpi slt, %jit3A_1354, %sign3A_1366 : i32
    %sign3A_1368 = arith.extui %sign3A_1367 : i1 to i32
    %sign3A_1369 = arith.subi %sign3A_1365, %sign3A_1368 : i32
    %ne3A_1370 = arith.cmpi ne, %sign3A_1362, %sign3A_1369 : i32
    %rem3A_1371 = arith.remsi %add3A_1353, %jit3A_1354 : i32
    %ne3A_1372 = arith.constant 0 : i32
    %ne3A_1373 = arith.cmpi ne, %rem3A_1371, %ne3A_1372 : i32
    %and3A_1374 = arith.andi %ne3A_1370, %ne3A_1373 : i1
    %sub3A_1375 = arith.constant 1 : i32
    %sub3A_1376 = arith.subi %div3A_1355, %sub3A_1375 : i32
    %select_n3A_1377 = arith.select %and3A_1374, %sub3A_1376, %div3A_1355 : i32
    %jit3A_1378 = arith.constant 16384 : i32
    %eq3A_1379 = arith.constant 0 : i32
    %eq3A_1380 = arith.cmpi eq, %jit3A_1378, %eq3A_1379 : i32
    %jit3A_1381 = arith.constant 1 : i32
    %select_n3A_1382 = arith.select %eq3A_1380, %jit3A_1381, %jit3A_1378 : i32
    %rem3A_1383 = arith.remsi %add3A_1353, %select_n3A_1382 : i32
    %ne3A_1384 = arith.constant 0 : i32
    %ne3A_1385 = arith.cmpi ne, %rem3A_1383, %ne3A_1384 : i32
    %lt3A_1386 = arith.constant 0 : i32
    %lt3A_1387 = arith.cmpi slt, %rem3A_1383, %lt3A_1386 : i32
    %lt3A_1388 = arith.constant 0 : i32
    %lt3A_1389 = arith.cmpi slt, %select_n3A_1382, %lt3A_1388 : i32
    %ne3A_1390 = arith.xori %lt3A_1387, %lt3A_1389 : i1
    %and3A_1391 = arith.andi %ne3A_1390, %ne3A_1385 : i1
    %add3A_1392 = arith.addi %rem3A_1383, %select_n3A_1382 : i32
    %select_n3A_1393 = arith.select %and3A_1391, %add3A_1392, %rem3A_1383 : i32
    %mul3A_1394 = arith.constant 32 : i32
    %mul3A_1395 = arith.muli %select_n3A_1377, %mul3A_1394 : i32
    %dma_wait3A_1396 = tpu.memref_slice %arg4[%select_n3A_1393, %mul3A_1395] : memref<16384x3200xf32, #tpu.memory_space<hbm>> -> memref<256x32xf32, #tpu.memory_space<hbm>>
    %dma_wait3A_1397 = tpu.memref_slice %arg4[%select_n3A_1393, %mul3A_1395] : memref<16384x3200xf32, #tpu.memory_space<hbm>> -> memref<256x32xf32, #tpu.memory_space<hbm>>
    tpu.wait_dma2 semaphore(%arg24 : memref<!tpu.dma_semaphore, #tpu.memory_space<semaphore_mem>>) src(%arg8 : memref<256x32xf32, #tpu.memory_space<vmem>>) dst(%dma_wait3A_1397 : memref<256x32xf32, #tpu.memory_space<hbm>>)
    %add3A_1398 = arith.constant 49920 : i32
    %add3A_1399 = arith.addi %mul3A_2, %add3A_1398 : i32
    %jit3A_1400 = arith.constant 16384 : i32
    %div3A_1401 = arith.divsi %add3A_1399, %jit3A_1400 : i32
    %sign3A_1402 = arith.constant 0 : i32
    %sign3A_1403 = arith.cmpi sgt, %add3A_1399, %sign3A_1402 : i32
    %sign3A_1404 = arith.extui %sign3A_1403 : i1 to i32
    %sign3A_1405 = arith.constant 0 : i32
    %sign3A_1406 = arith.cmpi slt, %add3A_1399, %sign3A_1405 : i32
    %sign3A_1407 = arith.extui %sign3A_1406 : i1 to i32
    %sign3A_1408 = arith.subi %sign3A_1404, %sign3A_1407 : i32
    %sign3A_1409 = arith.constant 0 : i32
    %sign3A_1410 = arith.cmpi sgt, %jit3A_1400, %sign3A_1409 : i32
    %sign3A_1411 = arith.extui %sign3A_1410 : i1 to i32
    %sign3A_1412 = arith.constant 0 : i32
    %sign3A_1413 = arith.cmpi slt, %jit3A_1400, %sign3A_1412 : i32
    %sign3A_1414 = arith.extui %sign3A_1413 : i1 to i32
    %sign3A_1415 = arith.subi %sign3A_1411, %sign3A_1414 : i32
    %ne3A_1416 = arith.cmpi ne, %sign3A_1408, %sign3A_1415 : i32
    %rem3A_1417 = arith.remsi %add3A_1399, %jit3A_1400 : i32
    %ne3A_1418 = arith.constant 0 : i32
    %ne3A_1419 = arith.cmpi ne, %rem3A_1417, %ne3A_1418 : i32
    %and3A_1420 = arith.andi %ne3A_1416, %ne3A_1419 : i1
    %sub3A_1421 = arith.constant 1 : i32
    %sub3A_1422 = arith.subi %div3A_1401, %sub3A_1421 : i32
    %select_n3A_1423 = arith.select %and3A_1420, %sub3A_1422, %div3A_1401 : i32
    %jit3A_1424 = arith.constant 16384 : i32
    %eq3A_1425 = arith.constant 0 : i32
    %eq3A_1426 = arith.cmpi eq, %jit3A_1424, %eq3A_1425 : i32
    %jit3A_1427 = arith.constant 1 : i32
    %select_n3A_1428 = arith.select %eq3A_1426, %jit3A_1427, %jit3A_1424 : i32
    %rem3A_1429 = arith.remsi %add3A_1399, %select_n3A_1428 : i32
    %ne3A_1430 = arith.constant 0 : i32
    %ne3A_1431 = arith.cmpi ne, %rem3A_1429, %ne3A_1430 : i32
    %lt3A_1432 = arith.constant 0 : i32
    %lt3A_1433 = arith.cmpi slt, %rem3A_1429, %lt3A_1432 : i32
    %lt3A_1434 = arith.constant 0 : i32
    %lt3A_1435 = arith.cmpi slt, %select_n3A_1428, %lt3A_1434 : i32
    %ne3A_1436 = arith.xori %lt3A_1433, %lt3A_1435 : i1
    %and3A_1437 = arith.andi %ne3A_1436, %ne3A_1431 : i1
    %add3A_1438 = arith.addi %rem3A_1429, %select_n3A_1428 : i32
    %select_n3A_1439 = arith.select %and3A_1437, %add3A_1438, %rem3A_1429 : i32
    %mul3A_1440 = arith.constant 32 : i32
    %mul3A_1441 = arith.muli %select_n3A_1423, %mul3A_1440 : i32
    %dma_wait3A_1442 = tpu.memref_slice %arg4[%select_n3A_1439, %mul3A_1441] : memref<16384x3200xf32, #tpu.memory_space<hbm>> -> memref<256x32xf32, #tpu.memory_space<hbm>>
    %dma_wait3A_1443 = tpu.memref_slice %arg4[%select_n3A_1439, %mul3A_1441] : memref<16384x3200xf32, #tpu.memory_space<hbm>> -> memref<256x32xf32, #tpu.memory_space<hbm>>
    tpu.wait_dma2 semaphore(%arg25 : memref<!tpu.dma_semaphore, #tpu.memory_space<semaphore_mem>>) src(%arg9 : memref<256x32xf32, #tpu.memory_space<vmem>>) dst(%dma_wait3A_1443 : memref<256x32xf32, #tpu.memory_space<hbm>>)
    %add3A_1444 = arith.constant 50176 : i32
    %add3A_1445 = arith.addi %mul3A_2, %add3A_1444 : i32
    %jit3A_1446 = arith.constant 16384 : i32
    %div3A_1447 = arith.divsi %add3A_1445, %jit3A_1446 : i32
    %sign3A_1448 = arith.constant 0 : i32
    %sign3A_1449 = arith.cmpi sgt, %add3A_1445, %sign3A_1448 : i32
    %sign3A_1450 = arith.extui %sign3A_1449 : i1 to i32
    %sign3A_1451 = arith.constant 0 : i32
    %sign3A_1452 = arith.cmpi slt, %add3A_1445, %sign3A_1451 : i32
    %sign3A_1453 = arith.extui %sign3A_1452 : i1 to i32
    %sign3A_1454 = arith.subi %sign3A_1450, %sign3A_1453 : i32
    %sign3A_1455 = arith.constant 0 : i32
    %sign3A_1456 = arith.cmpi sgt, %jit3A_1446, %sign3A_1455 : i32
    %sign3A_1457 = arith.extui %sign3A_1456 : i1 to i32
    %sign3A_1458 = arith.constant 0 : i32
    %sign3A_1459 = arith.cmpi slt, %jit3A_1446, %sign3A_1458 : i32
    %sign3A_1460 = arith.extui %sign3A_1459 : i1 to i32
    %sign3A_1461 = arith.subi %sign3A_1457, %sign3A_1460 : i32
    %ne3A_1462 = arith.cmpi ne, %sign3A_1454, %sign3A_1461 : i32
    %rem3A_1463 = arith.remsi %add3A_1445, %jit3A_1446 : i32
    %ne3A_1464 = arith.constant 0 : i32
    %ne3A_1465 = arith.cmpi ne, %rem3A_1463, %ne3A_1464 : i32
    %and3A_1466 = arith.andi %ne3A_1462, %ne3A_1465 : i1
    %sub3A_1467 = arith.constant 1 : i32
    %sub3A_1468 = arith.subi %div3A_1447, %sub3A_1467 : i32
    %select_n3A_1469 = arith.select %and3A_1466, %sub3A_1468, %div3A_1447 : i32
    %jit3A_1470 = arith.constant 16384 : i32
    %eq3A_1471 = arith.constant 0 : i32
    %eq3A_1472 = arith.cmpi eq, %jit3A_1470, %eq3A_1471 : i32
    %jit3A_1473 = arith.constant 1 : i32
    %select_n3A_1474 = arith.select %eq3A_1472, %jit3A_1473, %jit3A_1470 : i32
    %rem3A_1475 = arith.remsi %add3A_1445, %select_n3A_1474 : i32
    %ne3A_1476 = arith.constant 0 : i32
    %ne3A_1477 = arith.cmpi ne, %rem3A_1475, %ne3A_1476 : i32
    %lt3A_1478 = arith.constant 0 : i32
    %lt3A_1479 = arith.cmpi slt, %rem3A_1475, %lt3A_1478 : i32
    %lt3A_1480 = arith.constant 0 : i32
    %lt3A_1481 = arith.cmpi slt, %select_n3A_1474, %lt3A_1480 : i32
    %ne3A_1482 = arith.xori %lt3A_1479, %lt3A_1481 : i1
    %and3A_1483 = arith.andi %ne3A_1482, %ne3A_1477 : i1
    %add3A_1484 = arith.addi %rem3A_1475, %select_n3A_1474 : i32
    %select_n3A_1485 = arith.select %and3A_1483, %add3A_1484, %rem3A_1475 : i32
    %mul3A_1486 = arith.constant 32 : i32
    %mul3A_1487 = arith.muli %select_n3A_1469, %mul3A_1486 : i32
    %dma_wait3A_1488 = tpu.memref_slice %arg4[%select_n3A_1485, %mul3A_1487] : memref<16384x3200xf32, #tpu.memory_space<hbm>> -> memref<256x32xf32, #tpu.memory_space<hbm>>
    %dma_wait3A_1489 = tpu.memref_slice %arg4[%select_n3A_1485, %mul3A_1487] : memref<16384x3200xf32, #tpu.memory_space<hbm>> -> memref<256x32xf32, #tpu.memory_space<hbm>>
    tpu.wait_dma2 semaphore(%arg26 : memref<!tpu.dma_semaphore, #tpu.memory_space<semaphore_mem>>) src(%arg10 : memref<256x32xf32, #tpu.memory_space<vmem>>) dst(%dma_wait3A_1489 : memref<256x32xf32, #tpu.memory_space<hbm>>)
    %add3A_1490 = arith.constant 50432 : i32
    %add3A_1491 = arith.addi %mul3A_2, %add3A_1490 : i32
    %jit3A_1492 = arith.constant 16384 : i32
    %div3A_1493 = arith.divsi %add3A_1491, %jit3A_1492 : i32
    %sign3A_1494 = arith.constant 0 : i32
    %sign3A_1495 = arith.cmpi sgt, %add3A_1491, %sign3A_1494 : i32
    %sign3A_1496 = arith.extui %sign3A_1495 : i1 to i32
    %sign3A_1497 = arith.constant 0 : i32
    %sign3A_1498 = arith.cmpi slt, %add3A_1491, %sign3A_1497 : i32
    %sign3A_1499 = arith.extui %sign3A_1498 : i1 to i32
    %sign3A_1500 = arith.subi %sign3A_1496, %sign3A_1499 : i32
    %sign3A_1501 = arith.constant 0 : i32
    %sign3A_1502 = arith.cmpi sgt, %jit3A_1492, %sign3A_1501 : i32
    %sign3A_1503 = arith.extui %sign3A_1502 : i1 to i32
    %sign3A_1504 = arith.constant 0 : i32
    %sign3A_1505 = arith.cmpi slt, %jit3A_1492, %sign3A_1504 : i32
    %sign3A_1506 = arith.extui %sign3A_1505 : i1 to i32
    %sign3A_1507 = arith.subi %sign3A_1503, %sign3A_1506 : i32
    %ne3A_1508 = arith.cmpi ne, %sign3A_1500, %sign3A_1507 : i32
    %rem3A_1509 = arith.remsi %add3A_1491, %jit3A_1492 : i32
    %ne3A_1510 = arith.constant 0 : i32
    %ne3A_1511 = arith.cmpi ne, %rem3A_1509, %ne3A_1510 : i32
    %and3A_1512 = arith.andi %ne3A_1508, %ne3A_1511 : i1
    %sub3A_1513 = arith.constant 1 : i32
    %sub3A_1514 = arith.subi %div3A_1493, %sub3A_1513 : i32
    %select_n3A_1515 = arith.select %and3A_1512, %sub3A_1514, %div3A_1493 : i32
    %jit3A_1516 = arith.constant 16384 : i32
    %eq3A_1517 = arith.constant 0 : i32
    %eq3A_1518 = arith.cmpi eq, %jit3A_1516, %eq3A_1517 : i32
    %jit3A_1519 = arith.constant 1 : i32
    %select_n3A_1520 = arith.select %eq3A_1518, %jit3A_1519, %jit3A_1516 : i32
    %rem3A_1521 = arith.remsi %add3A_1491, %select_n3A_1520 : i32
    %ne3A_1522 = arith.constant 0 : i32
    %ne3A_1523 = arith.cmpi ne, %rem3A_1521, %ne3A_1522 : i32
    %lt3A_1524 = arith.constant 0 : i32
    %lt3A_1525 = arith.cmpi slt, %rem3A_1521, %lt3A_1524 : i32
    %lt3A_1526 = arith.constant 0 : i32
    %lt3A_1527 = arith.cmpi slt, %select_n3A_1520, %lt3A_1526 : i32
    %ne3A_1528 = arith.xori %lt3A_1525, %lt3A_1527 : i1
    %and3A_1529 = arith.andi %ne3A_1528, %ne3A_1523 : i1
    %add3A_1530 = arith.addi %rem3A_1521, %select_n3A_1520 : i32
    %select_n3A_1531 = arith.select %and3A_1529, %add3A_1530, %rem3A_1521 : i32
    %mul3A_1532 = arith.constant 32 : i32
    %mul3A_1533 = arith.muli %select_n3A_1515, %mul3A_1532 : i32
    %dma_wait3A_1534 = tpu.memref_slice %arg4[%select_n3A_1531, %mul3A_1533] : memref<16384x3200xf32, #tpu.memory_space<hbm>> -> memref<256x32xf32, #tpu.memory_space<hbm>>
    %dma_wait3A_1535 = tpu.memref_slice %arg4[%select_n3A_1531, %mul3A_1533] : memref<16384x3200xf32, #tpu.memory_space<hbm>> -> memref<256x32xf32, #tpu.memory_space<hbm>>
    tpu.wait_dma2 semaphore(%arg27 : memref<!tpu.dma_semaphore, #tpu.memory_space<semaphore_mem>>) src(%arg11 : memref<256x32xf32, #tpu.memory_space<vmem>>) dst(%dma_wait3A_1535 : memref<256x32xf32, #tpu.memory_space<hbm>>)
    %add3A_1536 = arith.constant 50688 : i32
    %add3A_1537 = arith.addi %mul3A_2, %add3A_1536 : i32
    %jit3A_1538 = arith.constant 16384 : i32
    %div3A_1539 = arith.divsi %add3A_1537, %jit3A_1538 : i32
    %sign3A_1540 = arith.constant 0 : i32
    %sign3A_1541 = arith.cmpi sgt, %add3A_1537, %sign3A_1540 : i32
    %sign3A_1542 = arith.extui %sign3A_1541 : i1 to i32
    %sign3A_1543 = arith.constant 0 : i32
    %sign3A_1544 = arith.cmpi slt, %add3A_1537, %sign3A_1543 : i32
    %sign3A_1545 = arith.extui %sign3A_1544 : i1 to i32
    %sign3A_1546 = arith.subi %sign3A_1542, %sign3A_1545 : i32
    %sign3A_1547 = arith.constant 0 : i32
    %sign3A_1548 = arith.cmpi sgt, %jit3A_1538, %sign3A_1547 : i32
    %sign3A_1549 = arith.extui %sign3A_1548 : i1 to i32
    %sign3A_1550 = arith.constant 0 : i32
    %sign3A_1551 = arith.cmpi slt, %jit3A_1538, %sign3A_1550 : i32
    %sign3A_1552 = arith.extui %sign3A_1551 : i1 to i32
    %sign3A_1553 = arith.subi %sign3A_1549, %sign3A_1552 : i32
    %ne3A_1554 = arith.cmpi ne, %sign3A_1546, %sign3A_1553 : i32
    %rem3A_1555 = arith.remsi %add3A_1537, %jit3A_1538 : i32
    %ne3A_1556 = arith.constant 0 : i32
    %ne3A_1557 = arith.cmpi ne, %rem3A_1555, %ne3A_1556 : i32
    %and3A_1558 = arith.andi %ne3A_1554, %ne3A_1557 : i1
    %sub3A_1559 = arith.constant 1 : i32
    %sub3A_1560 = arith.subi %div3A_1539, %sub3A_1559 : i32
    %select_n3A_1561 = arith.select %and3A_1558, %sub3A_1560, %div3A_1539 : i32
    %jit3A_1562 = arith.constant 16384 : i32
    %eq3A_1563 = arith.constant 0 : i32
    %eq3A_1564 = arith.cmpi eq, %jit3A_1562, %eq3A_1563 : i32
    %jit3A_1565 = arith.constant 1 : i32
    %select_n3A_1566 = arith.select %eq3A_1564, %jit3A_1565, %jit3A_1562 : i32
    %rem3A_1567 = arith.remsi %add3A_1537, %select_n3A_1566 : i32
    %ne3A_1568 = arith.constant 0 : i32
    %ne3A_1569 = arith.cmpi ne, %rem3A_1567, %ne3A_1568 : i32
    %lt3A_1570 = arith.constant 0 : i32
    %lt3A_1571 = arith.cmpi slt, %rem3A_1567, %lt3A_1570 : i32
    %lt3A_1572 = arith.constant 0 : i32
    %lt3A_1573 = arith.cmpi slt, %select_n3A_1566, %lt3A_1572 : i32
    %ne3A_1574 = arith.xori %lt3A_1571, %lt3A_1573 : i1
    %and3A_1575 = arith.andi %ne3A_1574, %ne3A_1569 : i1
    %add3A_1576 = arith.addi %rem3A_1567, %select_n3A_1566 : i32
    %select_n3A_1577 = arith.select %and3A_1575, %add3A_1576, %rem3A_1567 : i32
    %mul3A_1578 = arith.constant 32 : i32
    %mul3A_1579 = arith.muli %select_n3A_1561, %mul3A_1578 : i32
    %dma_wait3A_1580 = tpu.memref_slice %arg4[%select_n3A_1577, %mul3A_1579] : memref<16384x3200xf32, #tpu.memory_space<hbm>> -> memref<256x32xf32, #tpu.memory_space<hbm>>
    %dma_wait3A_1581 = tpu.memref_slice %arg4[%select_n3A_1577, %mul3A_1579] : memref<16384x3200xf32, #tpu.memory_space<hbm>> -> memref<256x32xf32, #tpu.memory_space<hbm>>
    tpu.wait_dma2 semaphore(%arg28 : memref<!tpu.dma_semaphore, #tpu.memory_space<semaphore_mem>>) src(%arg12 : memref<256x32xf32, #tpu.memory_space<vmem>>) dst(%dma_wait3A_1581 : memref<256x32xf32, #tpu.memory_space<hbm>>)
    %add3A_1582 = arith.constant 50944 : i32
    %add3A_1583 = arith.addi %mul3A_2, %add3A_1582 : i32
    %jit3A_1584 = arith.constant 16384 : i32
    %div3A_1585 = arith.divsi %add3A_1583, %jit3A_1584 : i32
    %sign3A_1586 = arith.constant 0 : i32
    %sign3A_1587 = arith.cmpi sgt, %add3A_1583, %sign3A_1586 : i32
    %sign3A_1588 = arith.extui %sign3A_1587 : i1 to i32
    %sign3A_1589 = arith.constant 0 : i32
    %sign3A_1590 = arith.cmpi slt, %add3A_1583, %sign3A_1589 : i32
    %sign3A_1591 = arith.extui %sign3A_1590 : i1 to i32
    %sign3A_1592 = arith.subi %sign3A_1588, %sign3A_1591 : i32
    %sign3A_1593 = arith.constant 0 : i32
    %sign3A_1594 = arith.cmpi sgt, %jit3A_1584, %sign3A_1593 : i32
    %sign3A_1595 = arith.extui %sign3A_1594 : i1 to i32
    %sign3A_1596 = arith.constant 0 : i32
    %sign3A_1597 = arith.cmpi slt, %jit3A_1584, %sign3A_1596 : i32
    %sign3A_1598 = arith.extui %sign3A_1597 : i1 to i32
    %sign3A_1599 = arith.subi %sign3A_1595, %sign3A_1598 : i32
    %ne3A_1600 = arith.cmpi ne, %sign3A_1592, %sign3A_1599 : i32
    %rem3A_1601 = arith.remsi %add3A_1583, %jit3A_1584 : i32
    %ne3A_1602 = arith.constant 0 : i32
    %ne3A_1603 = arith.cmpi ne, %rem3A_1601, %ne3A_1602 : i32
    %and3A_1604 = arith.andi %ne3A_1600, %ne3A_1603 : i1
    %sub3A_1605 = arith.constant 1 : i32
    %sub3A_1606 = arith.subi %div3A_1585, %sub3A_1605 : i32
    %select_n3A_1607 = arith.select %and3A_1604, %sub3A_1606, %div3A_1585 : i32
    %jit3A_1608 = arith.constant 16384 : i32
    %eq3A_1609 = arith.constant 0 : i32
    %eq3A_1610 = arith.cmpi eq, %jit3A_1608, %eq3A_1609 : i32
    %jit3A_1611 = arith.constant 1 : i32
    %select_n3A_1612 = arith.select %eq3A_1610, %jit3A_1611, %jit3A_1608 : i32
    %rem3A_1613 = arith.remsi %add3A_1583, %select_n3A_1612 : i32
    %ne3A_1614 = arith.constant 0 : i32
    %ne3A_1615 = arith.cmpi ne, %rem3A_1613, %ne3A_1614 : i32
    %lt3A_1616 = arith.constant 0 : i32
    %lt3A_1617 = arith.cmpi slt, %rem3A_1613, %lt3A_1616 : i32
    %lt3A_1618 = arith.constant 0 : i32
    %lt3A_1619 = arith.cmpi slt, %select_n3A_1612, %lt3A_1618 : i32
    %ne3A_1620 = arith.xori %lt3A_1617, %lt3A_1619 : i1
    %and3A_1621 = arith.andi %ne3A_1620, %ne3A_1615 : i1
    %add3A_1622 = arith.addi %rem3A_1613, %select_n3A_1612 : i32
    %select_n3A_1623 = arith.select %and3A_1621, %add3A_1622, %rem3A_1613 : i32
    %mul3A_1624 = arith.constant 32 : i32
    %mul3A_1625 = arith.muli %select_n3A_1607, %mul3A_1624 : i32
    %dma_wait3A_1626 = tpu.memref_slice %arg4[%select_n3A_1623, %mul3A_1625] : memref<16384x3200xf32, #tpu.memory_space<hbm>> -> memref<256x32xf32, #tpu.memory_space<hbm>>
    %dma_wait3A_1627 = tpu.memref_slice %arg4[%select_n3A_1623, %mul3A_1625] : memref<16384x3200xf32, #tpu.memory_space<hbm>> -> memref<256x32xf32, #tpu.memory_space<hbm>>
    tpu.wait_dma2 semaphore(%arg29 : memref<!tpu.dma_semaphore, #tpu.memory_space<semaphore_mem>>) src(%arg13 : memref<256x32xf32, #tpu.memory_space<vmem>>) dst(%dma_wait3A_1627 : memref<256x32xf32, #tpu.memory_space<hbm>>)
    return
  }
}

</mosaic_0001>

<sc_bundles>
// kernel: kernel.3.cloned.1.call-start
scs
__scs_entry_jumppad:
0x0: {  	(pc) =	sbr.rel $0x88, $3  }
0x1: {  	(tag) =	ssettag $0x0;
	lr =	simm.s32 $0x1  }
0x2: {  	[smem:$0x3F9F] =	sst lr;
	_ =	strace $0xD0000000  }
0x3: {  	_ = 	snop  }
0x4: {  	_ = 	snop  }
0x5: {  	_ = 	snop  }
0x6: {  	_ = 	snop  }
0x7: {  	_ = 	snop  }
__scs_overlays_trampoline_lowered:
0x8: {  	[smem:$0x3FAE] =	sst s0  }
0x9: {  	[smem:$0x3FAF] =	sst s1  }
0xa: {  	[smem:$0x3FB0] =	sst s2  }
0xb: {  	[smem:$0x3FB1] =	sst s3  }
0xc: {  	[smem:$0x3FB2] =	sst s4  }
0xd: {  	[smem:$0x3FB3] =	sst s5  }
0xe: {  	[smem:$0x3FB4] =	sst s6  }
0xf: {  	[smem:$0x3FB5] =	sst s7  }
0x10: {  	[smem:$0x3FB6] =	sst s8  }
0x11: {  	[smem:$0x3FB7] =	sst s9;
	s0 =	simm.s32 @!p0 $0x0  }
0x12: {  	s1 =	sld [smem:$0x3F9D];
	s0 =	simm.s32 @p0 $0x1  }
0x13: {  	[smem:$0x3FB8] =	sst s0;
	s0 =	simm.s32 @!p1 $0x0  }
0x14: {  	s2 =	sld [smem:$0x3F9C];
	s0 =	simm.s32 @p1 $0x1  }
0x15: {  	[smem:$0x3FB9] =	sst s0;
	s0 =	simm.s32 @!p2 $0x0  }
0x16: {  	s3 =	sld [smem:$0x3FDB];
	s0 =	simm.s32 @p2 $0x1  }
0x17: {  	s4 =	simm.s32 $0x1BF5;
	[smem:$0x3FBB] =	sst s0  }
0x18: {  	s0 =	sld [smem:$0x3F9E];
	_ =	swait.ge [sflag:s4], $0x0  }
0x19: {  	s7 =	sld [smem:$0x3F9F]  }
0x1a: {  	s8 =	sadd.s32 $0xFFFFE003, lr  }
0x1b: {  	s9 =	sadd.s32 $0xFFFFFEF7, lr;
	s5 =	simm.s32 $0xFFFFFFFF;
	p2 =	slt.u32 s8, $0xFFFFF086  }
0x1c: {  	p1 =	slt.u32 s9, $0xF7A;
	s5 =	simm.s32 @!p2 $0x0  }
0x1d: {  	s5 =	simm.s32 @p1 $0x1;
	p0 =	seq.s32 s7, s2  }
0x1e: {  	s7 =	smul.u32 @!p0 $0xF7A, s2;
	p2 =	seq.s32 @!p0 s5, $0x0  }
0x1f: {  	s9 =	smul.u32 $0xF7A, s1;
	s8 =	simm.s32 @!p0 $0x1BF5;
	p2 =	por !p2, p0  }
0x20: {  	[sflag:s8] =	ssyncset.s32 @!p0 $0xFFFFF086;
	s6 =	sadd.s32 @!p0 s3, s7;
	s7 =	simm.s32 @!p0 $0x108  }
0x21: {  	s3 =	sadd.s32 s3, s9;
	s6 =	sadd.s32 @!p0 $0x88, s6;
	s7 =	simm.s32 @p2 $0x1082  }
0x22: {  	[simem:s7], [sflag:s8] =	dma.local @!p0 [hbm:s6], $0xF7A  }
0x23: {  	s9 =	sor.u32 $0xD0000000, s2;
	s6 =	simm.s32 $0x108;
	_ =	swait.ge @!p0 [sflag:s8], $0x0  }
0x24: {  	s3 =	sadd.s32 $0x88, s3;
	s6 =	simm.s32 @!p1 $0x1082;
	[sflag:s4] =	ssyncset.s32 $0xFFFFF086  }
0x25: {  	[simem:s6], [sflag:s4] =	dma.local [hbm:s3], $0xF7A  }
0x26: {  	[smem:$0x3F9F] =	sst s1;
	(tag) =	ssettag s2;
	_ =	strace s9  }
0x27: {  	s1 =	sld [smem:$0x3FAF]  }
0x28: {  	s2 =	sld [smem:$0x3FB0]  }
0x29: {  	s4 =	sld [smem:$0x3FB2]  }
0x2a: {  	p0 =	seq.s32 s5, $0x0;
	s5 =	sld [smem:$0x3FB3]  }
0x2b: {  	s6 =	sld [smem:$0x3FB4]  }
0x2c: {  	s7 =	sld [smem:$0x3FB5]  }
0x2d: {  	s3 =	simm.s32 $0x108;
	s8 =	sld [smem:$0x3FB6]  }
0x2e: {  	s3 =	simm.s32 @!p0 $0x1082;
	s9 =	sld [smem:$0x3FB7]  }
0x2f: {  	lr =	sadd.s32 s0, s3;
	s0 =	sld [smem:$0x3FAE]  }
0x30: {  	s3 =	sld [smem:$0x3FB1]  }
0x31: {  	[smem:$0x3FBA] =	sst s10  }
0x32: {  	s10 =	sld [smem:$0x3FB8];
	_ =	sdelay $0x3  }
0x33: {  	p0 =	seq.s32 s10, $0x1;
	s10 =	sld [smem:$0x3FBA];
	_ =	sdelay $0x3  }
0x34: {  	[smem:$0x3FBA] =	sst s10  }
0x35: {  	s10 =	sld [smem:$0x3FB9];
	_ =	sdelay $0x3  }
0x36: {  	p1 =	seq.s32 s10, $0x1;
	s10 =	sld [smem:$0x3FBA];
	_ =	sdelay $0x3  }
0x37: {  	[smem:$0x3FBA] =	sst s10  }
0x38: {  	s10 =	sld [smem:$0x3FBB]  }
0x39: {  	_ = 	snop;
	(pc) =	sbr.ind lr, $3  }
0x3a: {  	_ = 	snop  }
0x3b: {  	_ = 	snop  }
0x3c: {  	p2 =	seq.s32 s10, $0x1;
	s10 =	sld [smem:$0x3FBA]  }
0x3d: {  	_ =	shalt  }
0x3e: {  	_ =	shalt  }
0x3f: {  	_ =	shalt  }
0x40: {  	_ =	shalt  }
0x41: {  	_ =	shalt  }
0x42: {  	_ =	shalt  }
0x43: {  	_ =	shalt  }
0x44: {  	_ =	shalt  }
0x45: {  	_ =	shalt  }
0x46: {  	_ =	shalt  }
0x47: {  	_ =	shalt  }
0x48: {  	_ =	shalt  }
0x49: {  	_ =	shalt  }
0x4a: {  	_ =	shalt  }
0x4b: {  	_ =	shalt  }
0x4c: {  	_ =	shalt  }
0x4d: {  	_ =	shalt  }
0x4e: {  	_ =	shalt  }
0x4f: {  	_ =	shalt  }
0x50: {  	_ =	shalt  }
0x51: {  	_ =	shalt  }
0x52: {  	_ =	shalt  }
0x53: {  	_ =	shalt  }
0x54: {  	_ =	shalt  }
0x55: {  	_ =	shalt  }
0x56: {  	_ =	shalt  }
0x57: {  	_ =	shalt  }
0x58: {  	_ =	shalt  }
0x59: {  	_ =	shalt  }
0x5a: {  	_ =	shalt  }
0x5b: {  	_ =	shalt  }
0x5c: {  	_ =	shalt  }
0x5d: {  	_ =	shalt  }
0x5e: {  	_ =	shalt  }
0x5f: {  	_ =	shalt  }
0x60: {  	_ =	shalt  }
0x61: {  	_ =	shalt  }
0x62: {  	_ =	shalt  }
0x63: {  	_ =	shalt  }
0x64: {  	_ =	shalt  }
0x65: {  	_ =	shalt  }
0x66: {  	_ =	shalt  }
0x67: {  	_ =	shalt  }
0x68: {  	_ =	shalt  }
0x69: {  	_ =	shalt  }
0x6a: {  	_ =	shalt  }
0x6b: {  	_ =	shalt  }
0x6c: {  	_ =	shalt  }
0x6d: {  	_ =	shalt  }
0x6e: {  	_ =	shalt  }
0x6f: {  	_ =	shalt  }
0x70: {  	_ =	shalt  }
0x71: {  	_ =	shalt  }
0x72: {  	_ =	shalt  }
0x73: {  	_ =	shalt  }
0x74: {  	_ =	shalt  }
0x75: {  	_ =	shalt  }
0x76: {  	_ =	shalt  }
0x77: {  	_ =	shalt  }
0x78: {  	_ =	shalt  }
0x79: {  	_ =	shalt  }
0x7a: {  	_ =	shalt  }
0x7b: {  	_ =	shalt  }
0x7c: {  	_ =	shalt  }
0x7d: {  	_ =	shalt  }
0x7e: {  	_ =	shalt  }
0x7f: {  	_ =	shalt  }
0x80: {  	_ =	shalt  }
0x81: {  	_ =	shalt  }
0x82: {  	_ =	shalt  }
0x83: {  	_ =	shalt  }
0x84: {  	_ =	shalt  }
0x85: {  	_ =	shalt  }
0x86: {  	_ =	shalt  }
0x87: {  	_ =	shalt  }
.Lfunc_end0:
.L_simem_size_0:
called_computation.1_lowered:
.L_overlay_start_0:
0x88: {  	s2 =	sld [smem:$0x3FD9]  }
0x89: {  	s3 =	sld [smem:$0x3FFE];
	_ =	sdelay $0x1  }
0x8a: {  	s1 =	srdreg.scid  }
0x8b: {  	s0 =	sand.u32 $0x1, s1  }
0x8c: {  	s17 =	sshll.u32 s0, $0xA;
	s2 =	sadd.s32 s3, s2  }
0x8d: {  	s2 =	sadd.s32 s2, s17  }
0x8e: {  	[smem:$0x3FC6] =	sst s2  }
0x8f: {  	_ = 	snop  }
0x90: {  	s2 =	sld [smem:$0x3FD0];
	(tm) =	ssettm $0x1  }
0x91: {  	s18 =	sld [smem:$0x3FFB];
	_ =	sdelay $0x3  }
0x92: {  	_ =	strace s18  }
0x93: {  	s3 =	sld [smem:$0x3FFC];
	_ =	sdelay $0x3  }
0x94: {  	_ =	strace s3  }
0x95: {  	s3 =	sld [smem:$0x3FFD];
	_ =	sdelay $0x3  }
0x96: {  	_ =	strace s3  }
0x97: {  	_ =	strace $0x8FFFFFFF  }
0x98: {  	s19 =	sld [smem:$0x3FDB];
	_ =	sdelay $0x1  }
0x99: {  	s4 =	simm.s32 $_scs_section_size  }
0x9a: {  	s5 =	simm.s32 $_size__tile_overlayer_lowered;
	s6 =	simm.s32 $_tile_overlayer_lowered  }
0x9b: {  	s22 =	simm.s32 $0x1BFF;
	s21 =	sshll.u32 s6, $0x1;
	s3 =	sadd.s32 s4, s19  }
0x9c: {  	s7 =	simm.s32 $0x0;
	s20 =	sshll.u32 s5, $0x1;
	s5 =	sadd.s32 s21, s3  }
0x9d: {  	[timem:s7], [sflag:s22] =	dma.local [hbm:s5], s20  }
0x9e: {  	_ =	swait.ge [sflag:s22], s20  }
0x9f: {  	s4 =	ssub.s32 $0x0, s20;
	[sflag:s22] =	ssyncset.done $0x0  }
0xa0: {  	[sflag:s22] =	ssyncadd.s32 s4;
	_ =	sdelay $0x1  }
0xa1: {  	s23 =	simm.s32 $0x1B8B  }
0xa2: {  	_ =	swait.ge [sflag:s23], $0x1  }
0xa3: {  	[sflag:s23] =	ssyncset.done $0x0  }
0xa4: {  	s25 =	simm.s32 $0x1B8E;
	s24 =	sld [smem:$0x3FFE];
	[sflag:s23] =	ssyncadd.s32 $0xFFFFFFFF  }
0xa5: {  	s26 =	simm.s32 $execute0_lowered;
	[smem:$0x3FD2] =	sst s25  }
0xa6: {  	s5 =	sshll.u32 s26, $0x1;
	_ =	strace $0x80000046;
	[dreg:$0x1] =	wrdreg $0xFFFFFFFF  }
0xa7: {  	s28 =	simm.s32 $_size_execute0_lowered;
	s3 =	sadd.s32 s3, s5;
	[dreg:$0x0] =	wrdreg $0x0  }
0xa8: {  	s5 =	sshll.u32 s28, $0x1;
	[dreg:$0x2] =	wrdreg s3  }
0xa9: {  	[dreg:$0x3] =	wrdreg s5  }
0xaa: {  	[dreg:$0x4] =	wrdreg $0xC0  }
0xab: {  	_ =	task [dreg:s7], $0x5FFFF  }
0xac: {  	[dreg:$0x1] =	wrdreg $0xFFFFFFFF  }
0xad: {  	[dreg:$0x0] =	wrdreg $0x60  }
0xae: {  	[dreg:$0x2] =	wrdreg s24  }
0xaf: {  	[dreg:$0x3] =	wrdreg s2  }
0xb0: {  	[dreg:$0x4] =	wrdreg $0x9  }
0xb1: {  	_ =	task.clear_ibuf [dreg:s7], $0x5FFFF;
	_ =	strace $0x90000046  }
0xb2: {  	s29 =	simm.s32 $0x9;
	_ =	strace $0x80000048  }
0xb3: {  	_ =	swait.ge [sflag:s29], $0x1  }
0xb4: {  	[sflag:s29] =	ssyncadd.s32 $0xFFFFFFFF  }
0xb5: {  	_ =	strace $0x90000048  }
0xb6: {  	_ =	sfence  }
0xb7: {  	s30 =	sld [smem:$0x0];
	_ =	sdelay $0x2  }
0xb8: {  	s31 =	sshll.u32 s1, $0xD;
	s1 =	sshrl.u32 s1, $0x2  }
0xb9: {  	s3 =	sand.u32 $0x4000, s31;
	s1 =	sadd.s32 s1, s30  }
0xba: {  	s0 =	sor.u32 s3, s0;
	s1 =	sshll.u32 s1, $0x11  }
0xbb: {  	s0 =	sor.u32 s1, s0  }
0xbc: {  	s0 =	sadd.s32 $0x8F2B, s0  }
0xbd: {  	[sflag:s0] =	ssyncadd.remote.s32 $0x1  }
0xbe: {  	_ =	sfence.sel $0xFFFF  }
0xbf: {  	[dreg:$0x0] =	wrdreg $0xFFFFFFFF;
	(pc) =	sbr.abs _section_cstart, $3  }
0xc0: {  	[dreg:$0x1] =	wrdreg $0xFFFFFFFF  }
0xc1: {  	_ =	task.clear_ibuf [dreg:s7], $0x2FFFF;
	_ =	strace $0x9FFFFFFF  }
0xc2: {  	(tm) =	ssettm $0x7FFFFFFF  }
0xc3: {  	_ =	shalt  }
tec
execute0_lowered:
.L_overlay_start_1:
0x0: {  	(tag) =	ssettag $0x1  }
0x1: {  	s0 =	srdreg.scid;
	s1 =	rddreg [dreg:$0x0]  }
0x2: {  	s11 =	stileid.u32;
	s2 =	rddreg [dreg:$0x1]  }
0x3: {  	s4 =	simm.s32 $0x0;
	s0 =	sand.u32 $0x1, s0;
	s3 =	sshll.u32 s11, $0x1  }
0x4: {  	s28 =	simm.s32 $0xF;
	s30 =	simm.s32 $0x10;
	s3 =	sor.u32 s0, s3  }
0x5: {  	[smem:$0x7FF] =	sst s4;
	s4 =	sadd.s32 $0xF42E00, s1;
	s3 =	smul.u32 $0xC800, s3  }
0x6: {  	_ =	strace $0x80000047;
	s8 =	ssub.s32 $0x2, s0;
	s0 =	smul.u32 $0xC800, s0  }
0x7: {  	s24 =	sshrl.u32 s8, $0x1;
	s23 =	sand.u32 $0x3800, s3;
	s5 =	sshrl.u32 s3, $0x3  }
0x8: {  	s7 =	sshrl.u32 s3, $0x9;
	s17 =	sadd.s32 $0xC100, s3;
	s22 =	sadd.s32 $0xC200, s3  }
0x9: {  	s6 =	smul.u32 $0xC80, s23;
	s5 =	sadd.s32 s5, s1;
	s9 =	sand.u32 $0xFE0, s7  }
0xa: {  	s1 =	ssub.s32 s8, s24;
	s7 =	sadd.s32 $0x60, s7;
	s19 =	sand.u32 $0x3900, s17  }
0xb: {  	s20 =	sshrl.u32 s17, $0x9;
	s23 =	sand.u32 $0x3A00, s22;
	s24 =	sadd.s32 $0xC300, s3  }
0xc: {  	s17 =	smul.u32 $0x19000, s11;
	s5 =	sadd.s32 $0xA00, s5;
	s7 =	sand.u32 $0x1FE0, s7  }
0xd: {  	s21 =	sand.u32 $0x1FE0, s20;
	s1 =	smax.u32 s1, $0x1;
	s9 =	sor.u32 s9, s6  }
0xe: {  	[dreg:$0x3] =	wrdreg s5;
	s18 =	sor.u32 s6, s7;
	s6 =	smul.u32 $0xC80, s19  }
0xf: {  	s7 =	sshrl.u32 s22, $0x9;
	s0 =	sadd.s32 s0, s17;
	[dreg:$0x14] =	wrdreg s1  }
0x10: {  	s25 =	sshrl.u32 s9, $0x3;
	s26 =	sadd.s32 $0xC8000, s9;
	s29 =	sadd.s32 $0x190000, s9  }
0x11: {  	s10 =	sadd.s32 $0x258000, s9;
	s12 =	sadd.s32 $0x3E8000, s9;
	s13 =	sadd.s32 $0x4B0000, s9  }
0x12: {  	s16 =	sadd.s32 $0x578000, s9;
	s7 =	sand.u32 $0x1FE0, s7;
	s20 =	sadd.s32 $0xD00, s0  }
0x13: {  	s22 =	sadd.s32 $0xC00, s0;
	s5 =	sadd.s32 s2, s25;
	s8 =	sshrl.u32 s29, $0x3  }
0x14: {  	s15 =	sshrl.u32 s13, $0x3;
	s25 =	sand.u32 $0x3B00, s24;
	s1 =	sshrl.u32 s22, $0x9  }
0x15: {  	[dreg:$0x4] =	wrdreg s5;
	s5 =	sshrl.u32 s26, $0x3;
	s31 =	sadd.s32 s2, s8  }
0x16: {  	s8 =	sshrl.u32 s10, $0x3;
	s10 =	sadd.s32 $0x320000, s9;
	[dreg:$0x16] =	wrdreg s1  }
0x17: {  	s9 =	smul.u32 $0xC80, s25;
	s5 =	sadd.s32 s2, s5;
	[dreg:$0x6] =	wrdreg s31  }
0x18: {  	[dreg:$0x5] =	wrdreg s5;
	s5 =	sadd.s32 s2, s8;
	s8 =	sshrl.u32 s12, $0x3  }
0x19: {  	[dreg:$0x7] =	wrdreg s5;
	s5 =	sshrl.u32 s10, $0x3;
	s14 =	sadd.s32 s2, s8  }
0x1a: {  	s8 =	sshrl.u32 s24, $0x9;
	s10 =	sadd.s32 $0xC500, s3;
	s24 =	sadd.s32 $0xA00, s0  }
0x1b: {  	s5 =	sadd.s32 s2, s5;
	[dreg:$0x9] =	wrdreg s14;
	s26 =	sand.u32 $0x1FE0, s8  }
0x1c: {  	s8 =	sadd.s32 $0xC400, s3;
	s12 =	sand.u32 $0x3D00, s10;
	s14 =	sadd.s32 $0xC600, s3  }
0x1d: {  	s3 =	sadd.s32 $0xC700, s3;
	s25 =	sshrl.u32 s24, $0x9;
	[dreg:$0x8] =	wrdreg s5  }
0x1e: {  	s5 =	sadd.s32 s2, s15;
	s31 =	sor.u32 s26, s9;
	s9 =	sand.u32 $0x3C00, s8  }
0x1f: {  	s15 =	sand.u32 $0x3E00, s14;
	[dreg:$0xa] =	wrdreg s5;
	s5 =	sshrl.u32 s16, $0x3  }
0x20: {  	[dreg:$0x18] =	wrdreg s25;
	s16 =	sand.u32 $0x3F00, s3;
	s5 =	sadd.s32 s2, s5  }
0x21: {  	s3 =	sshrl.u32 s3, $0x9;
	[dreg:$0xb] =	wrdreg s5;
	s5 =	sshrl.u32 s18, $0x3  }
0x22: {  	s26 =	sadd.s32 $0x900, s0;
	s3 =	sand.u32 $0x1FE0, s3;
	s5 =	sadd.s32 s2, s5  }
0x23: {  	[dreg:$0xc] =	wrdreg s5;
	s5 =	sor.u32 s21, s6;
	s6 =	smul.u32 $0xC80, s23  }
0x24: {  	s21 =	sshrl.u32 s20, $0x9;
	s23 =	sadd.s32 $0xB00, s0;
	s5 =	sshrl.u32 s5, $0x3  }
0x25: {  	[dreg:$0x15] =	wrdreg s21;
	s1 =	sshrl.u32 s23, $0x9;
	s6 =	sor.u32 s7, s6  }
0x26: {  	s5 =	sadd.s32 s2, s5;
	s7 =	sshrl.u32 s31, $0x3;
	[dreg:$0x17] =	wrdreg s1  }
0x27: {  	s1 =	sshrl.u32 s26, $0x9;
	[dreg:$0xd] =	wrdreg s5;
	s29 =	sshrl.u32 s6, $0x3  }
0x28: {  	s6 =	sshrl.u32 s8, $0x9;
	s8 =	smul.u32 $0xC80, s12;
	[dreg:$0x19] =	wrdreg s1  }
0x29: {  	s12 =	simm.s32 $0x20;
	s5 =	sadd.s32 s2, s29;
	s6 =	sand.u32 $0x1FE0, s6  }
0x2a: {  	s29 =	sadd.s32 $0xF00, s0;
	s0 =	sadd.s32 $0xE00, s0;
	[dreg:$0xe] =	wrdreg s5  }
0x2b: {  	s5 =	sadd.s32 s2, s7;
	s7 =	sshrl.u32 s10, $0x9;
	[dreg:$0x1a] =	wrdreg s29  }
0x2c: {  	s0 =	sshrl.u32 s0, $0x9;
	s31 =	sshrl.u32 s29, $0x9;
	[dreg:$0xf] =	wrdreg s5  }
0x2d: {  	s5 =	smul.u32 $0xC80, s9;
	s13 =	sand.u32 $0x1FE0, s7;
	[dreg:$0x1b] =	wrdreg s0  }
0x2e: {  	s7 =	sshrl.u32 s14, $0x9;
	s9 =	smul.u32 $0xC80, s16;
	[dreg:$0x1c] =	wrdreg s31  }
0x2f: {  	s7 =	sand.u32 $0x1FE0, s7;
	s5 =	sor.u32 s6, s5;
	s6 =	sor.u32 s13, s8  }
0x30: {  	s8 =	smul.u32 $0xC80, s15;
	s3 =	sor.u32 s3, s9;
	s5 =	sshrl.u32 s5, $0x3  }
0x31: {  	s6 =	sshrl.u32 s6, $0x3;
	s3 =	sshrl.u32 s3, $0x3;
	s5 =	sadd.s32 s2, s5  }
0x32: {  	s7 =	sor.u32 s7, s8;
	s18 =	sadd.s32 s2, s6;
	[dreg:$0x10] =	wrdreg s5  }
0x33: {  	s3 =	sadd.s32 s2, s3;
	[dreg:$0x11] =	wrdreg s18;
	s19 =	sshrl.u32 s7, $0x3  }
0x34: {  	s1 =	simm.s32 $0x0;
	[dreg:$0x13] =	wrdreg s3;
	s5 =	sadd.s32 s2, s19  }
0x35: {  	s0 =	simm.s32 $0x100;
	s13 =	simm.s32 $0xC80;
	[dreg:$0x12] =	wrdreg s5  }
.LBB2_1:
0x36: {  	[dreg:$0x1d] =	wrdreg s1  }
0x37: {  	s3 =	simm.s32 $0x0;
	s5 =	rddreg [dreg:$0x3];
	s8 =	simm.s32 $0x11  }
0x38: {  	[tilespmem:s3], [sflag:$0x11] =	stream.linear.gather [hbm4b:s5+s3], $0xC800, $0x38;
	[tilespmem:$0x1C800] =	vst v63  }
0x39: {  	_ =	swait.ge [sflag:s8], $0xC800  }
0x3a: {  	[sflag:s8] =	ssyncset.done $0x0  }
0x3b: {  	s7 =	simm.s32 $0xC800;
	[sflag:s8] =	ssyncadd.s32 $0xFFFF3800  }
0x3c: {  	[tilespmem:s7], [sflag:$0x1] =	stream.indirect.gather [hbm4b:s4+s0], $0x20, s3, s0, $0xb8;
	[tilespmem:$0x1C800] =	vst v63  }
0x3d: {  	s29 =	simm.s32 $0xE800  }
0x3e: {  	[tilespmem:s29], [sflag:$0x2] =	stream.indirect.gather [hbm4b:s4+s0], $0x20, s0, s0, $0xb8;
	[tilespmem:$0x1C800] =	vst v63  }
0x3f: {  	s9 =	simm.s32 $0x200;
	s14 =	simm.s32 $0x10800  }
0x40: {  	[tilespmem:s14], [sflag:$0x3] =	stream.indirect.gather [hbm4b:s4+s0], $0x20, s9, s0, $0xb8;
	[tilespmem:$0x1C800] =	vst v63  }
0x41: {  	s10 =	simm.s32 $0x300;
	s11 =	simm.s32 $0x12800  }
0x42: {  	[tilespmem:s11], [sflag:$0x4] =	stream.indirect.gather [hbm4b:s4+s0], $0x20, s10, s0, $0xb8;
	[tilespmem:$0x1C800] =	vst v63  }
0x43: {  	s15 =	simm.s32 $0x400;
	s16 =	simm.s32 $0x14800  }
0x44: {  	[tilespmem:s16], [sflag:$0x5] =	stream.indirect.gather [hbm4b:s4+s0], $0x20, s15, s0, $0xb8;
	[tilespmem:$0x1C800] =	vst v63  }
0x45: {  	s17 =	simm.s32 $0x500;
	s18 =	simm.s32 $0x16800  }
0x46: {  	[tilespmem:s18], [sflag:$0x6] =	stream.indirect.gather [hbm4b:s4+s0], $0x20, s17, s0, $0xb8;
	[tilespmem:$0x1C800] =	vst v63  }
0x47: {  	s19 =	simm.s32 $0x600;
	s1 =	simm.s32 $0x1;
	s9 =	simm.s32 $0x18800  }
0x48: {  	[tilespmem:s9], [sflag:$0x7] =	stream.indirect.gather [hbm4b:s4+s0], $0x20, s19, s0, $0xb8;
	[tilespmem:$0x1C800] =	vst v63  }
0x49: {  	_ =	swait.ge [sflag:s1], $0x2000  }
0x4a: {  	[sflag:s1] =	ssyncset.done $0x0  }
0x4b: {  	s20 =	rddreg [dreg:$0x4];
	[sflag:s1] =	ssyncadd.s32 $0xFFFFE000  }
0x4c: {  	[hbm4b:s20+s12] =	stream.strided.scatter [tilespmem:s7], [sflag:$0x9], $0x2000, s13, s12, $0x38;
	[tilespmem:$0x1C800] =	vst v63  }
0x4d: {  	s21 =	simm.s32 $0x700;
	s10 =	simm.s32 $0x1A800;
	s11 =	simm.s32 $0x2  }
0x4e: {  	[tilespmem:s10], [sflag:$0x8] =	stream.indirect.gather [hbm4b:s4+s0], $0x20, s21, s0, $0xb8;
	[tilespmem:$0x1C800] =	vst v63  }
0x4f: {  	_ =	swait.ge [sflag:s11], $0x2000  }
0x50: {  	[sflag:s11] =	ssyncset.done $0x0  }
0x51: {  	s21 =	simm.s32 $0x9;
	s22 =	rddreg [dreg:$0x5];
	[sflag:s11] =	ssyncadd.s32 $0xFFFFE000  }
0x52: {  	[hbm4b:s22+s12] =	stream.strided.scatter [tilespmem:s29], [sflag:$0xA], $0x2000, s13, s12, $0x38;
	[tilespmem:$0x1C800] =	vst v63  }
0x53: {  	_ =	swait.ge [sflag:s21], $0x2000  }
0x54: {  	[sflag:s21] =	ssyncset.done $0x0  }
0x55: {  	s23 =	simm.s32 $0x800;
	s22 =	simm.s32 $0x3;
	[sflag:s21] =	ssyncadd.s32 $0xFFFFE000  }
0x56: {  	[tilespmem:s7], [sflag:$0x1] =	stream.indirect.gather [hbm4b:s4+s0], $0x20, s23, s0, $0xb8;
	[tilespmem:$0x1C800] =	vst v63  }
0x57: {  	_ =	swait.ge [sflag:s22], $0x2000  }
0x58: {  	[sflag:s22] =	ssyncset.done $0x0  }
0x59: {  	s23 =	simm.s32 $0xA;
	s24 =	rddreg [dreg:$0x6];
	[sflag:s22] =	ssyncadd.s32 $0xFFFFE000  }
0x5a: {  	[hbm4b:s24+s12] =	stream.strided.scatter [tilespmem:s14], [sflag:$0xB], $0x2000, s13, s12, $0x38;
	[tilespmem:$0x1C800] =	vst v63  }
0x5b: {  	_ =	swait.ge [sflag:s23], $0x2000  }
0x5c: {  	[sflag:s23] =	ssyncset.done $0x0  }
0x5d: {  	s25 =	simm.s32 $0x900;
	s24 =	simm.s32 $0x4;
	[sflag:s23] =	ssyncadd.s32 $0xFFFFE000  }
0x5e: {  	[tilespmem:s29], [sflag:$0x2] =	stream.indirect.gather [hbm4b:s4+s0], $0x20, s25, s0, $0xb8;
	[tilespmem:$0x1C800] =	vst v63  }
0x5f: {  	_ =	swait.ge [sflag:s24], $0x2000  }
0x60: {  	s6 =	simm.s32 $0x12800;
	[sflag:s24] =	ssyncset.done $0x0  }
0x61: {  	s25 =	simm.s32 $0xB;
	s26 =	rddreg [dreg:$0x7];
	[sflag:s24] =	ssyncadd.s32 $0xFFFFE000  }
0x62: {  	[hbm4b:s26+s12] =	stream.strided.scatter [tilespmem:s6], [sflag:$0xC], $0x2000, s13, s12, $0x38;
	[tilespmem:$0x1C800] =	vst v63  }
0x63: {  	_ =	swait.ge [sflag:s25], $0x2000  }
0x64: {  	[sflag:s25] =	ssyncset.done $0x0  }
0x65: {  	s5 =	simm.s32 $0xA00;
	s26 =	simm.s32 $0x5;
	[sflag:s25] =	ssyncadd.s32 $0xFFFFE000  }
0x66: {  	[tilespmem:s14], [sflag:$0x3] =	stream.indirect.gather [hbm4b:s4+s0], $0x20, s5, s0, $0xb8;
	[tilespmem:$0x1C800] =	vst v63  }
0x67: {  	_ =	swait.ge [sflag:s26], $0x2000  }
0x68: {  	[sflag:s26] =	ssyncset.done $0x0  }
0x69: {  	s5 =	simm.s32 $0x14800;
	s8 =	rddreg [dreg:$0x8];
	[sflag:s26] =	ssyncadd.s32 $0xFFFFE000  }
0x6a: {  	[hbm4b:s8+s12] =	stream.strided.scatter [tilespmem:s5], [sflag:$0xD], $0x2000, s13, s12, $0x38;
	[tilespmem:$0x1C800] =	vst v63  }
0x6b: {  	s8 =	simm.s32 $0xC  }
0x6c: {  	_ =	swait.ge [sflag:s8], $0x2000  }
0x6d: {  	[sflag:s8] =	ssyncset.done $0x0  }
0x6e: {  	s15 =	simm.s32 $0xB00;
	s18 =	simm.s32 $0x6;
	[sflag:s8] =	ssyncadd.s32 $0xFFFFE000  }
0x6f: {  	[tilespmem:s6], [sflag:$0x4] =	stream.indirect.gather [hbm4b:s4+s0], $0x20, s15, s0, $0xb8;
	[tilespmem:$0x1C800] =	vst v63  }
0x70: {  	_ =	swait.ge [sflag:s18], $0x2000  }
0x71: {  	s17 =	simm.s32 $0x16800;
	[sflag:s18] =	ssyncset.done $0x0  }
0x72: {  	s19 =	simm.s32 $0xD;
	s16 =	rddreg [dreg:$0x9];
	[sflag:s18] =	ssyncadd.s32 $0xFFFFE000  }
0x73: {  	[hbm4b:s16+s12] =	stream.strided.scatter [tilespmem:s17], [sflag:$0xE], $0x2000, s13, s12, $0x38;
	[tilespmem:$0x1C800] =	vst v63  }
0x74: {  	_ =	swait.ge [sflag:s19], $0x2000  }
0x75: {  	[sflag:s19] =	ssyncset.done $0x0  }
0x76: {  	s20 =	simm.s32 $0xC00;
	[sflag:s19] =	ssyncadd.s32 $0xFFFFE000  }
0x77: {  	[tilespmem:s5], [sflag:$0x5] =	stream.indirect.gather [hbm4b:s4+s0], $0x20, s20, s0, $0xb8;
	[tilespmem:$0x1C800] =	vst v63  }
0x78: {  	s20 =	simm.s32 $0x7  }
0x79: {  	_ =	swait.ge [sflag:s20], $0x2000  }
0x7a: {  	[sflag:s20] =	ssyncset.done $0x0  }
0x7b: {  	s15 =	simm.s32 $0xE;
	s5 =	rddreg [dreg:$0xa];
	[sflag:s20] =	ssyncadd.s32 $0xFFFFE000  }
0x7c: {  	[hbm4b:s5+s12] =	stream.strided.scatter [tilespmem:s9], [sflag:$0xF], $0x2000, s13, s12, $0x38;
	[tilespmem:$0x1C800] =	vst v63  }
0x7d: {  	_ =	swait.ge [sflag:s15], $0x2000  }
0x7e: {  	[sflag:s15] =	ssyncset.done $0x0  }
0x7f: {  	s16 =	simm.s32 $0xD00;
	[sflag:s15] =	ssyncadd.s32 $0xFFFFE000  }
0x80: {  	[tilespmem:s17], [sflag:$0x6] =	stream.indirect.gather [hbm4b:s4+s0], $0x20, s16, s0, $0xb8;
	[tilespmem:$0x1C800] =	vst v63  }
0x81: {  	s17 =	simm.s32 $0x8  }
0x82: {  	_ =	swait.ge [sflag:s17], $0x2000  }
0x83: {  	[sflag:s17] =	ssyncset.done $0x0;
	s5 =	rddreg [dreg:$0xb]  }
0x84: {  	[sflag:s17] =	ssyncadd.s32 $0xFFFFE000;
	s17 =	rddreg [dreg:$0x1a]  }
0x85: {  	[hbm4b:s5+s12] =	stream.strided.scatter [tilespmem:s10], [sflag:$0x10], $0x2000, s13, s12, $0x38;
	[tilespmem:$0x1C800] =	vst v63  }
0x86: {  	s16 =	simm.s32 $0xE00;
	s6 =	sadd.s32 $0xFFFFF900, s17;
	_ =	swait.ge [sflag:s28], $0x2000  }
0x87: {  	s15 =	sand.u32 $0x3800, s6;
	s3 =	sshrl.u32 s6, $0x9;
	[sflag:s28] =	ssyncset.done $0x0  }
0x88: {  	s5 =	smul.u32 $0xC80, s15;
	s3 =	sand.u32 $0x3FFFE0, s3;
	[sflag:s28] =	ssyncadd.s32 $0xFFFFE000  }
0x89: {  	[tilespmem:s9], [sflag:$0x7] =	stream.indirect.gather [hbm4b:s4+s0], $0x20, s16, s0, $0xb8;
	[tilespmem:$0x1C800] =	vst v63  }
0x8a: {  	s3 =	sadd.s32 s3, s5;
	_ =	swait.ge [sflag:s1], $0x2000  }
0x8b: {  	s3 =	sshrl.u32 s3, $0x3;
	[sflag:s1] =	ssyncset.done $0x0  }
0x8c: {  	s3 =	sadd.s32 s2, s3;
	[sflag:s1] =	ssyncadd.s32 $0xFFFFE000  }
0x8d: {  	[hbm4b:s3+s12] =	stream.strided.scatter [tilespmem:s7], [sflag:$0x9], $0x2000, s13, s12, $0x38;
	[tilespmem:$0x1C800] =	vst v63  }
0x8e: {  	s9 =	sadd.s32 $0xFFFFFA00, s17;
	s1 =	simm.s32 $0xF00;
	_ =	swait.ge [sflag:s30], $0x2000  }
0x8f: {  	s3 =	sand.u32 $0x3900, s9;
	s16 =	rddreg [dreg:$0x19];
	[sflag:s30] =	ssyncset.done $0x0  }
0x90: {  	s3 =	smul.u32 $0xC80, s3;
	s15 =	sand.u32 $0x3FFFE0, s16;
	[sflag:s30] =	ssyncadd.s32 $0xFFFFE000  }
0x91: {  	[tilespmem:s10], [sflag:$0x8] =	stream.indirect.gather [hbm4b:s4+s0], $0x20, s1, s0, $0xb8;
	[tilespmem:$0x1C800] =	vst v63  }
0x92: {  	s3 =	sadd.s32 s15, s3;
	_ =	swait.ge [sflag:s11], $0x2000  }
0x93: {  	s3 =	sshrl.u32 s3, $0x3;
	[sflag:s11] =	ssyncset.done $0x0  }
0x94: {  	s3 =	sadd.s32 s2, s3;
	[sflag:s11] =	ssyncadd.s32 $0xFFFFE000  }
0x95: {  	[hbm4b:s3+s12] =	stream.strided.scatter [tilespmem:s29], [sflag:$0xA], $0x2000, s13, s12, $0x38;
	[tilespmem:$0x1C800] =	vst v63  }
0x96: {  	s9 =	sadd.s32 $0xFFFFFB00, s17;
	s11 =	simm.s32 $0x1000;
	_ =	swait.ge [sflag:s21], $0x2000  }
0x97: {  	s3 =	sand.u32 $0x3A00, s9;
	s15 =	rddreg [dreg:$0x18];
	[sflag:s21] =	ssyncset.done $0x0  }
0x98: {  	s3 =	smul.u32 $0xC80, s3;
	s10 =	sand.u32 $0x3FFFE0, s15;
	[sflag:s21] =	ssyncadd.s32 $0xFFFFE000  }
0x99: {  	[tilespmem:s7], [sflag:$0x1] =	stream.indirect.gather [hbm4b:s4+s0], $0x20, s11, s0, $0xb8;
	[tilespmem:$0x1C800] =	vst v63  }
0x9a: {  	s3 =	sadd.s32 s10, s3;
	_ =	swait.ge [sflag:s22], $0x2000  }
0x9b: {  	s3 =	sshrl.u32 s3, $0x3;
	[sflag:s22] =	ssyncset.done $0x0  }
0x9c: {  	s3 =	sadd.s32 s2, s3;
	[sflag:s22] =	ssyncadd.s32 $0xFFFFE000  }
0x9d: {  	[hbm4b:s3+s12] =	stream.strided.scatter [tilespmem:s14], [sflag:$0xB], $0x2000, s13, s12, $0x38;
	[tilespmem:$0x1C800] =	vst v63  }
0x9e: {  	s1 =	simm.s32 $0x1100;
	s21 =	sadd.s32 $0xFFFFFC00, s17;
	_ =	swait.ge [sflag:s23], $0x2000  }
0x9f: {  	s3 =	sand.u32 $0x3B00, s21;
	s11 =	rddreg [dreg:$0x17];
	[sflag:s23] =	ssyncset.done $0x0  }
0xa0: {  	s3 =	smul.u32 $0xC80, s3;
	s22 =	sand.u32 $0x3FFFE0, s11;
	[sflag:s23] =	ssyncadd.s32 $0xFFFFE000  }
0xa1: {  	[tilespmem:s29], [sflag:$0x2] =	stream.indirect.gather [hbm4b:s4+s0], $0x20, s1, s0, $0xb8;
	[tilespmem:$0x1C800] =	vst v63  }
0xa2: {  	s3 =	sadd.s32 s22, s3;
	_ =	swait.ge [sflag:s24], $0x2000  }
0xa3: {  	s9 =	simm.s32 $0x12800;
	s3 =	sshrl.u32 s3, $0x3;
	[sflag:s24] =	ssyncset.done $0x0  }
0xa4: {  	s7 =	sadd.s32 $0xFFFFFD00, s17;
	s3 =	sadd.s32 s2, s3;
	[sflag:s24] =	ssyncadd.s32 $0xFFFFE000  }
0xa5: {  	[hbm4b:s3+s12] =	stream.strided.scatter [tilespmem:s9], [sflag:$0xC], $0x2000, s13, s12, $0x38;
	[tilespmem:$0x1C800] =	vst v63  }
0xa6: {  	s6 =	simm.s32 $0x1300;
	s5 =	sand.u32 $0x3C00, s7;
	_ =	swait.ge [sflag:s25], $0x2000  }
0xa7: {  	s23 =	simm.s32 $0x1200;
	s29 =	simm.s32 $0x2000;
	s1 =	rddreg [dreg:$0x1c]  }
0xa8: {  	s24 =	smul.u32 $0xC80, s5;
	s10 =	rddreg [dreg:$0x16];
	[sflag:s25] =	ssyncset.done $0x0  }
0xa9: {  	s31 =	sand.u32 $0x3FFFE0, s1;
	s22 =	sand.u32 $0x3FFFE0, s10;
	[sflag:s25] =	ssyncadd.s32 $0xFFFFE000  }
0xaa: {  	[tilespmem:s14], [sflag:$0x3] =	stream.indirect.gather [hbm4b:s4+s0], $0x20, s23, s0, $0xb8;
	[tilespmem:$0x1C800] =	vst v63  }
0xab: {  	s10 =	sadd.s32 $0x4, s10;
	s3 =	sadd.s32 s22, s24;
	s24 =	sadd.s32 $0xFFFFFE00, s17  }
0xac: {  	s23 =	sadd.s32 $0xFFFFFF00, s17;
	s3 =	sshrl.u32 s3, $0x3;
	_ =	swait.ge [sflag:s26], $0x2000  }
0xad: {  	s5 =	sand.u32 $0x3D00, s24;
	s7 =	sand.u32 $0x3E00, s23;
	[sflag:s26] =	ssyncset.done $0x0  }
0xae: {  	s3 =	sadd.s32 s2, s3;
	[sflag:s26] =	ssyncadd.s32 $0xFFFFE000;
	s26 =	simm.s32 $0x14800  }
0xaf: {  	[hbm4b:s3+s12] =	stream.strided.scatter [tilespmem:s26], [sflag:$0xD], $0x2000, s13, s12, $0x38;
	[tilespmem:$0x1C800] =	vst v63  }
0xb0: {  	s14 =	rddreg [dreg:$0x15];
	s5 =	smul.u32 $0xC80, s5;
	_ =	swait.ge [sflag:s8], $0x2000  }
0xb1: {  	s24 =	simm.s32 $0x1400;
	s7 =	smul.u32 $0xC80, s7;
	[sflag:s8] =	ssyncset.done $0x0  }
0xb2: {  	s25 =	sand.u32 $0x3FFFE0, s14;
	s14 =	sadd.s32 $0x4, s14;
	[sflag:s8] =	ssyncadd.s32 $0xFFFFE000  }
0xb3: {  	[tilespmem:s9], [sflag:$0x4] =	stream.indirect.gather [hbm4b:s4+s0], $0x20, s6, s0, $0xb8;
	[tilespmem:$0x1C800] =	vst v63  }
0xb4: {  	s5 =	sadd.s32 s25, s5;
	s22 =	rddreg [dreg:$0x1b];
	_ =	swait.ge [sflag:s18], $0x2000  }
0xb5: {  	s25 =	simm.s32 $0x16800;
	s3 =	sshrl.u32 s5, $0x3;
	[sflag:s18] =	ssyncset.done $0x0  }
0xb6: {  	s5 =	sadd.s32 $0x4, s1;
	s21 =	sadd.s32 s2, s3;
	[sflag:s18] =	ssyncadd.s32 $0xFFFFE000  }
0xb7: {  	[hbm4b:s21+s12] =	stream.strided.scatter [tilespmem:s25], [sflag:$0xE], $0x2000, s13, s12, $0x38;
	[tilespmem:$0x1C800] =	vst v63  }
0xb8: {  	s3 =	sadd.s32 $0x4, s22;
	s8 =	sand.u32 $0x3FFFE0, s22;
	_ =	swait.ge [sflag:s19], $0x2000  }
0xb9: {  	s7 =	sadd.s32 s8, s7;
	s6 =	sadd.s32 $0x4, s16;
	[sflag:s19] =	ssyncset.done $0x0  }
0xba: {  	s9 =	sadd.s32 $0x800, s17;
	s8 =	sshrl.u32 s7, $0x3;
	[sflag:s19] =	ssyncadd.s32 $0xFFFFE000  }
0xbb: {  	[tilespmem:s26], [sflag:$0x5] =	stream.indirect.gather [hbm4b:s4+s0], $0x20, s24, s0, $0xb8;
	[tilespmem:$0x1C800] =	vst v63  }
0xbc: {  	s7 =	sadd.s32 $0x4, s15;
	s15 =	simm.s32 $0x1500;
	_ =	swait.ge [sflag:s20], $0x2000  }
0xbd: {  	s16 =	sadd.s32 s2, s8;
	s26 =	sand.u32 $0x3F00, s17;
	[sflag:s20] =	ssyncset.done $0x0  }
0xbe: {  	s8 =	sadd.s32 $0x4, s11;
	s11 =	smul.u32 $0xC80, s26;
	[sflag:s20] =	ssyncadd.s32 $0xFFFFE000  }
.LBB2_2:
0xbf: {  	s1 =	simm.s32 $0x18800;
	s19 =	simm.s32 $0xE  }
0xc0: {  	s17 =	sadd.s32 $0xFFFFF900, s9;
	s26 =	simm.s32 $0x16800;
	s20 =	simm.s32 $0x8  }
0xc1: {  	[hbm4b:s16+s12] =	stream.strided.scatter [tilespmem:s1], [sflag:$0xF], $0x2000, s13, s12, $0x38;
	[tilespmem:$0x1C800] =	vst v63  }
0xc2: {  	s16 =	sadd.s32 s31, s11;
	s31 =	sand.u32 $0x3FFFE0, s5;
	_ =	swait.ge [sflag:s19], $0x2000  }
0xc3: {  	p0 =	sne.s32 s29, $0x2C000;
	s11 =	sshra.s32 s29, $0x2;
	[sflag:s19] =	ssyncset.done $0x0  }
0xc4: {  	s18 =	sand.u32 $0x3800, s17;
	s17 =	sshrl.u32 s17, $0x9;
	[sflag:s19] =	ssyncadd.s32 $0xFFFFE000  }
0xc5: {  	[tilespmem:s26], [sflag:$0x6] =	stream.indirect.gather [hbm4b:s4+s0], $0x20, s15, s0, $0xb8;
	[tilespmem:$0x1C800] =	vst v63  }
0xc6: {  	s19 =	sadd.s32 $0xE00, s11;
	s15 =	sshrl.u32 s16, $0x3;
	_ =	swait.ge [sflag:s20], $0x2000  }
0xc7: {  	s21 =	simm.s32 $0x1A800;
	s16 =	smul.u32 $0xC80, s18;
	[sflag:s20] =	ssyncset.done $0x0  }
0xc8: {  	s17 =	sand.u32 $0x3FFFE0, s17;
	s15 =	sadd.s32 s2, s15;
	[sflag:s20] =	ssyncadd.s32 $0xFFFFE000  }
0xc9: {  	[hbm4b:s15+s12] =	stream.strided.scatter [tilespmem:s21], [sflag:$0x10], $0x2000, s13, s12, $0x38;
	[tilespmem:$0x1C800] =	vst v63  }
0xca: {  	s29 =	sadd.s32 $0x2000, s29;
	s15 =	sadd.s32 s17, s16;
	_ =	swait.ge [sflag:s28], $0x2000  }
0xcb: {  	s16 =	smov.u32 s3;
	s17 =	sshrl.u32 s15, $0x3;
	[sflag:s28] =	ssyncset.done $0x0  }
0xcc: {  	s15 =	smov.u32 s9;
	[sflag:s28] =	ssyncadd.s32 $0xFFFFE000  }
0xcd: {  	[tilespmem:s1], [sflag:$0x7] =	stream.indirect.gather [hbm4b:s4+s0], $0x20, s19, s0, $0xb8;
	[tilespmem:$0x1C800] =	vst v63  }
0xce: {  	s1 =	simm.s32 $0x1  }
0xcf: {  	s18 =	sadd.s32 $0xFFFFFA00, s9;
	_ =	swait.ge [sflag:s1], $0x2000  }
0xd0: {  	s18 =	sand.u32 $0x3900, s18;
	s17 =	sadd.s32 s2, s17;
	[sflag:s1] =	ssyncset.done $0x0  }
0xd1: {  	s20 =	simm.s32 $0xC800;
	s19 =	sand.u32 $0x3FFFE0, s6;
	[sflag:s1] =	ssyncadd.s32 $0xFFFFE000  }
0xd2: {  	[hbm4b:s17+s12] =	stream.strided.scatter [tilespmem:s20], [sflag:$0x9], $0x2000, s13, s12, $0x38;
	[tilespmem:$0x1C800] =	vst v63  }
0xd3: {  	s17 =	smul.u32 $0xC80, s18;
	_ =	swait.ge [sflag:s30], $0x2000  }
0xd4: {  	[sflag:s30] =	ssyncset.done $0x0  }
0xd5: {  	s1 =	simm.s32 $0x2;
	s17 =	sadd.s32 s19, s17;
	[sflag:s30] =	ssyncadd.s32 $0xFFFFE000  }
0xd6: {  	s18 =	sadd.s32 $0xF00, s11;
	s19 =	sand.u32 $0x3FFFE0, s7;
	s17 =	sshrl.u32 s17, $0x3  }
0xd7: {  	[tilespmem:s21], [sflag:$0x8] =	stream.indirect.gather [hbm4b:s4+s0], $0x20, s18, s0, $0xb8;
	[tilespmem:$0x1C800] =	vst v63  }
0xd8: {  	s17 =	sadd.s32 s2, s17;
	s18 =	sadd.s32 $0xFFFFFB00, s9;
	_ =	swait.ge [sflag:s1], $0x2000  }
0xd9: {  	s21 =	simm.s32 $0x9;
	s18 =	sand.u32 $0x3A00, s18;
	[sflag:s1] =	ssyncset.done $0x0  }
0xda: {  	s18 =	smul.u32 $0xC80, s18;
	[sflag:s1] =	ssyncadd.s32 $0xFFFFE000;
	s1 =	simm.s32 $0xE800  }
0xdb: {  	[hbm4b:s17+s12] =	stream.strided.scatter [tilespmem:s1], [sflag:$0xA], $0x2000, s13, s12, $0x38;
	[tilespmem:$0x1C800] =	vst v63  }
0xdc: {  	s17 =	sadd.s32 s19, s18;
	_ =	swait.ge [sflag:s21], $0x2000  }
0xdd: {  	s17 =	sshrl.u32 s17, $0x3;
	[sflag:s21] =	ssyncset.done $0x0  }
0xde: {  	s18 =	sadd.s32 $0x1000, s11;
	s17 =	sadd.s32 s2, s17;
	[sflag:s21] =	ssyncadd.s32 $0xFFFFE000  }
0xdf: {  	[tilespmem:s20], [sflag:$0x1] =	stream.indirect.gather [hbm4b:s4+s0], $0x20, s18, s0, $0xb8;
	[tilespmem:$0x1C800] =	vst v63  }
0xe0: {  	s23 =	simm.s32 $0x10800;
	s21 =	simm.s32 $0xC800;
	s20 =	simm.s32 $0x3  }
0xe1: {  	s22 =	simm.s32 $0xA;
	s18 =	sadd.s32 $0xFFFFFC00, s9;
	_ =	swait.ge [sflag:s20], $0x2000  }
0xe2: {  	s19 =	sand.u32 $0x3FFFE0, s8;
	s18 =	sand.u32 $0x3B00, s18;
	[sflag:s20] =	ssyncset.done $0x0  }
0xe3: {  	s18 =	smul.u32 $0xC80, s18;
	[sflag:s20] =	ssyncadd.s32 $0xFFFFE000;
	s20 =	sadd.s32 $0x1100, s11  }
0xe4: {  	[hbm4b:s17+s12] =	stream.strided.scatter [tilespmem:s23], [sflag:$0xB], $0x2000, s13, s12, $0x38;
	[tilespmem:$0x1C800] =	vst v63  }
0xe5: {  	s17 =	sadd.s32 s19, s18;
	_ =	swait.ge [sflag:s22], $0x2000  }
0xe6: {  	s17 =	sshrl.u32 s17, $0x3;
	[sflag:s22] =	ssyncset.done $0x0  }
0xe7: {  	s17 =	sadd.s32 s2, s17;
	[sflag:s22] =	ssyncadd.s32 $0xFFFFE000  }
0xe8: {  	[tilespmem:s1], [sflag:$0x2] =	stream.indirect.gather [hbm4b:s4+s0], $0x20, s20, s0, $0xb8;
	[tilespmem:$0x1C800] =	vst v63  }
0xe9: {  	s18 =	sadd.s32 $0xFFFFFD00, s9;
	s22 =	simm.s32 $0xE800;
	s1 =	simm.s32 $0x4  }
0xea: {  	s24 =	simm.s32 $0x12800;
	s18 =	sand.u32 $0x3C00, s18;
	_ =	swait.ge [sflag:s1], $0x2000  }
0xeb: {  	s19 =	sand.u32 $0x3FFFE0, s10;
	s18 =	smul.u32 $0xC80, s18;
	[sflag:s1] =	ssyncset.done $0x0  }
0xec: {  	s20 =	sadd.s32 $0x1200, s11;
	[sflag:s1] =	ssyncadd.s32 $0xFFFFE000;
	s1 =	simm.s32 $0xB  }
0xed: {  	[hbm4b:s17+s12] =	stream.strided.scatter [tilespmem:s24], [sflag:$0xC], $0x2000, s13, s12, $0x38;
	[tilespmem:$0x1C800] =	vst v63  }
0xee: {  	s17 =	sadd.s32 s19, s18;
	_ =	swait.ge [sflag:s1], $0x2000  }
0xef: {  	s17 =	sshrl.u32 s17, $0x3;
	[sflag:s1] =	ssyncset.done $0x0  }
0xf0: {  	s17 =	sadd.s32 s2, s17;
	[sflag:s1] =	ssyncadd.s32 $0xFFFFE000  }
0xf1: {  	[tilespmem:s23], [sflag:$0x3] =	stream.indirect.gather [hbm4b:s4+s0], $0x20, s20, s0, $0xb8;
	[tilespmem:$0x1C800] =	vst v63  }
0xf2: {  	s18 =	sadd.s32 $0xFFFFFE00, s9;
	s1 =	simm.s32 $0x10800;
	s20 =	simm.s32 $0x5  }
0xf3: {  	s25 =	simm.s32 $0x14800;
	s18 =	sand.u32 $0x3D00, s18;
	_ =	swait.ge [sflag:s20], $0x2000  }
0xf4: {  	s19 =	sand.u32 $0x3FFFE0, s14;
	s18 =	smul.u32 $0xC80, s18;
	[sflag:s20] =	ssyncset.done $0x0  }
0xf5: {  	s23 =	simm.s32 $0xC;
	[sflag:s20] =	ssyncadd.s32 $0xFFFFE000;
	s20 =	sadd.s32 $0x1300, s11  }
0xf6: {  	[hbm4b:s17+s12] =	stream.strided.scatter [tilespmem:s25], [sflag:$0xD], $0x2000, s13, s12, $0x38;
	[tilespmem:$0x1C800] =	vst v63  }
0xf7: {  	s3 =	sadd.s32 $0x4, s3;
	s17 =	sadd.s32 s19, s18;
	_ =	swait.ge [sflag:s23], $0x2000  }
0xf8: {  	s19 =	simm.s32 $0x6;
	s17 =	sshrl.u32 s17, $0x3;
	[sflag:s23] =	ssyncset.done $0x0  }
0xf9: {  	s17 =	sadd.s32 s2, s17;
	[sflag:s23] =	ssyncadd.s32 $0xFFFFE000;
	s23 =	simm.s32 $0x12800  }
0xfa: {  	[tilespmem:s24], [sflag:$0x4] =	stream.indirect.gather [hbm4b:s4+s0], $0x20, s20, s0, $0xb8;
	[tilespmem:$0x1C800] =	vst v63  }
0xfb: {  	s5 =	sadd.s32 $0x4, s5;
	s18 =	sadd.s32 $0xFFFFFF00, s9;
	_ =	swait.ge [sflag:s19], $0x2000  }
0xfc: {  	s16 =	sand.u32 $0x3FFFE0, s16;
	s18 =	sand.u32 $0x3E00, s18;
	[sflag:s19] =	ssyncset.done $0x0  }
0xfd: {  	s18 =	smul.u32 $0xC80, s18;
	[sflag:s19] =	ssyncadd.s32 $0xFFFFE000;
	s19 =	sadd.s32 $0x1400, s11  }
0xfe: {  	[hbm4b:s17+s12] =	stream.strided.scatter [tilespmem:s26], [sflag:$0xE], $0x2000, s13, s12, $0x38;
	[tilespmem:$0x1C800] =	vst v63  }
0xff: {  	s17 =	simm.s32 $0xD  }
0x100: {  	s6 =	sadd.s32 $0x4, s6;
	s16 =	sadd.s32 s16, s18;
	_ =	swait.ge [sflag:s17], $0x2000  }
0x101: {  	s7 =	sadd.s32 $0x4, s7;
	s16 =	sshrl.u32 s16, $0x3;
	[sflag:s17] =	ssyncset.done $0x0  }
0x102: {  	s8 =	sadd.s32 $0x4, s8;
	s16 =	sadd.s32 s2, s16;
	[sflag:s17] =	ssyncadd.s32 $0xFFFFE000  }
0x103: {  	[tilespmem:s25], [sflag:$0x5] =	stream.indirect.gather [hbm4b:s4+s0], $0x20, s19, s0, $0xb8;
	[tilespmem:$0x1C800] =	vst v63  }
.Ltmp0:
0x104: {  	_ = 	snop;
	(pc) =	sbr.rel @p0 .LBB2_2-.Ltmp0, $4  }
0x105: {  	s18 =	simm.s32 $0x14800;
	s19 =	simm.s32 $0x7  }
0x106: {  	s10 =	sadd.s32 $0x4, s10;
	s9 =	sadd.s32 $0x800, s9;
	_ =	swait.ge [sflag:s19], $0x2000  }
0x107: {  	s14 =	sadd.s32 $0x4, s14;
	s17 =	sand.u32 $0x3F00, s15;
	[sflag:s19] =	ssyncset.done $0x0  }
0x108: {  	s15 =	sadd.s32 $0x1500, s11;
	s11 =	smul.u32 $0xC80, s17;
	[sflag:s19] =	ssyncadd.s32 $0xFFFFE000  }
0x109: {  	s6 =	simm.s32 $0x18800;
	s8 =	simm.s32 $0xE  }
0x10a: {  	[hbm4b:s16+s12] =	stream.strided.scatter [tilespmem:s6], [sflag:$0xF], $0x2000, s13, s12, $0x38;
	[tilespmem:$0x1C800] =	vst v63  }
0x10b: {  	_ =	swait.ge [sflag:s8], $0x2000  }
0x10c: {  	[sflag:s8] =	ssyncset.done $0x0  }
0x10d: {  	s5 =	simm.s32 $0x16800;
	s9 =	simm.s32 $0x8;
	[sflag:s8] =	ssyncadd.s32 $0xFFFFE000  }
0x10e: {  	[tilespmem:s5], [sflag:$0x6] =	stream.indirect.gather [hbm4b:s4+s0], $0x20, s15, s0, $0xb8;
	[tilespmem:$0x1C800] =	vst v63  }
0x10f: {  	s3 =	sadd.s32 s31, s11;
	_ =	swait.ge [sflag:s9], $0x2000  }
0x110: {  	s3 =	sshrl.u32 s3, $0x3;
	[sflag:s9] =	ssyncset.done $0x0  }
0x111: {  	s7 =	simm.s32 $0x1A800;
	s3 =	sadd.s32 s2, s3;
	[sflag:s9] =	ssyncadd.s32 $0xFFFFE000  }
0x112: {  	[hbm4b:s3+s12] =	stream.strided.scatter [tilespmem:s7], [sflag:$0x10], $0x2000, s13, s12, $0x38;
	[tilespmem:$0x1C800] =	vst v63  }
0x113: {  	_ =	swait.ge [sflag:s28], $0x2000  }
0x114: {  	[sflag:s28] =	ssyncset.done $0x0  }
0x115: {  	s19 =	simm.s32 $0xC600;
	s20 =	simm.s32 $0x1;
	[sflag:s28] =	ssyncadd.s32 $0xFFFFE000  }
0x116: {  	[tilespmem:s6], [sflag:$0x7] =	stream.indirect.gather [hbm4b:s4+s0], $0x20, s19, s0, $0xb8;
	[tilespmem:$0x1C800] =	vst v63  }
0x117: {  	_ =	swait.ge [sflag:s20], $0x2000  }
0x118: {  	[sflag:s20] =	ssyncset.done $0x0  }
0x119: {  	s24 =	rddreg [dreg:$0xc];
	[sflag:s20] =	ssyncadd.s32 $0xFFFFE000  }
0x11a: {  	[hbm4b:s24+s12] =	stream.strided.scatter [tilespmem:s21], [sflag:$0x9], $0x2000, s13, s12, $0x38;
	[tilespmem:$0x1C800] =	vst v63  }
0x11b: {  	_ =	swait.ge [sflag:s30], $0x2000  }
0x11c: {  	[sflag:s30] =	ssyncset.done $0x0  }
0x11d: {  	s25 =	simm.s32 $0xC700;
	s26 =	simm.s32 $0x2;
	[sflag:s30] =	ssyncadd.s32 $0xFFFFE000  }
0x11e: {  	[tilespmem:s7], [sflag:$0x8] =	stream.indirect.gather [hbm4b:s4+s0], $0x20, s25, s0, $0xb8;
	[tilespmem:$0x1C800] =	vst v63  }
0x11f: {  	_ =	swait.ge [sflag:s26], $0x2000  }
0x120: {  	[sflag:s26] =	ssyncset.done $0x0  }
0x121: {  	s31 =	simm.s32 $0x3;
	s29 =	rddreg [dreg:$0xd];
	[sflag:s26] =	ssyncadd.s32 $0xFFFFE000  }
0x122: {  	[hbm4b:s29+s12] =	stream.strided.scatter [tilespmem:s22], [sflag:$0xA], $0x2000, s13, s12, $0x38;
	[tilespmem:$0x1C800] =	vst v63  }
0x123: {  	_ =	swait.ge [sflag:s31], $0x2000  }
0x124: {  	[sflag:s31] =	ssyncset.done $0x0  }
0x125: {  	s11 =	simm.s32 $0x4;
	s10 =	rddreg [dreg:$0xe];
	[sflag:s31] =	ssyncadd.s32 $0xFFFFE000  }
0x126: {  	[hbm4b:s10+s12] =	stream.strided.scatter [tilespmem:s1], [sflag:$0xB], $0x2000, s13, s12, $0x38;
	[tilespmem:$0x1C800] =	vst v63  }
0x127: {  	_ =	swait.ge [sflag:s11], $0x2000  }
0x128: {  	[sflag:s11] =	ssyncset.done $0x0  }
0x129: {  	s15 =	simm.s32 $0x5;
	s14 =	rddreg [dreg:$0xf];
	[sflag:s11] =	ssyncadd.s32 $0xFFFFE000  }
0x12a: {  	[hbm4b:s14+s12] =	stream.strided.scatter [tilespmem:s23], [sflag:$0xC], $0x2000, s13, s12, $0x38;
	[tilespmem:$0x1C800] =	vst v63  }
0x12b: {  	_ =	swait.ge [sflag:s15], $0x2000  }
0x12c: {  	[sflag:s15] =	ssyncset.done $0x0  }
0x12d: {  	s17 =	simm.s32 $0x6;
	s16 =	rddreg [dreg:$0x10];
	[sflag:s15] =	ssyncadd.s32 $0xFFFFE000  }
0x12e: {  	[hbm4b:s16+s12] =	stream.strided.scatter [tilespmem:s18], [sflag:$0xD], $0x2000, s13, s12, $0x38;
	[tilespmem:$0x1C800] =	vst v63  }
0x12f: {  	_ =	swait.ge [sflag:s17], $0x2000  }
0x130: {  	[sflag:s17] =	ssyncset.done $0x0  }
0x131: {  	s19 =	simm.s32 $0x7;
	s18 =	rddreg [dreg:$0x11];
	[sflag:s17] =	ssyncadd.s32 $0xFFFFE000  }
0x132: {  	[hbm4b:s18+s12] =	stream.strided.scatter [tilespmem:s5], [sflag:$0xE], $0x2000, s13, s12, $0x38;
	[tilespmem:$0x1C800] =	vst v63  }
0x133: {  	_ =	swait.ge [sflag:s19], $0x2000  }
0x134: {  	[sflag:s19] =	ssyncset.done $0x0  }
0x135: {  	s20 =	rddreg [dreg:$0x12];
	[sflag:s19] =	ssyncadd.s32 $0xFFFFE000  }
0x136: {  	[hbm4b:s20+s12] =	stream.strided.scatter [tilespmem:s6], [sflag:$0xF], $0x2000, s13, s12, $0x38;
	[tilespmem:$0x1C800] =	vst v63  }
0x137: {  	_ =	swait.ge [sflag:s9], $0x2000  }
0x138: {  	[sflag:s9] =	ssyncset.done $0x0  }
0x139: {  	s22 =	simm.s32 $0x9;
	s21 =	rddreg [dreg:$0x13];
	[sflag:s9] =	ssyncadd.s32 $0xFFFFE000  }
0x13a: {  	[hbm4b:s21+s12] =	stream.strided.scatter [tilespmem:s7], [sflag:$0x10], $0x2000, s13, s12, $0x38;
	[tilespmem:$0x1C800] =	vst v63  }
0x13b: {  	_ =	swait.ge [sflag:s22], $0x2000  }
0x13c: {  	[sflag:s22] =	ssyncset.done $0x0  }
0x13d: {  	s23 =	simm.s32 $0xA;
	[sflag:s22] =	ssyncadd.s32 $0xFFFFE000  }
0x13e: {  	_ =	swait.ge [sflag:s23], $0x2000  }
0x13f: {  	[sflag:s23] =	ssyncset.done $0x0  }
0x140: {  	s24 =	simm.s32 $0xB;
	[sflag:s23] =	ssyncadd.s32 $0xFFFFE000  }
0x141: {  	_ =	swait.ge [sflag:s24], $0x2000  }
0x142: {  	[sflag:s24] =	ssyncset.done $0x0  }
0x143: {  	s25 =	simm.s32 $0xC;
	[sflag:s24] =	ssyncadd.s32 $0xFFFFE000  }
0x144: {  	_ =	swait.ge [sflag:s25], $0x2000  }
0x145: {  	[sflag:s25] =	ssyncset.done $0x0  }
0x146: {  	s26 =	simm.s32 $0xD;
	[sflag:s25] =	ssyncadd.s32 $0xFFFFE000  }
0x147: {  	_ =	swait.ge [sflag:s26], $0x2000  }
0x148: {  	[sflag:s26] =	ssyncset.done $0x0  }
0x149: {  	[sflag:s26] =	ssyncadd.s32 $0xFFFFE000  }
0x14a: {  	_ =	swait.ge [sflag:s8], $0x2000  }
0x14b: {  	[sflag:s8] =	ssyncset.done $0x0  }
0x14c: {  	[sflag:s8] =	ssyncadd.s32 $0xFFFFE000  }
0x14d: {  	_ =	swait.ge [sflag:s28], $0x2000  }
0x14e: {  	[sflag:s28] =	ssyncset.done $0x0  }
0x14f: {  	[sflag:s28] =	ssyncadd.s32 $0xFFFFE000  }
0x150: {  	_ =	swait.ge [sflag:s30], $0x2000  }
0x151: {  	s29 =	rddreg [dreg:$0x1d]  }
0x152: {  	s31 =	rddreg [dreg:$0x14];
	s1 =	sadd.s32 $0x1, s29  }
0x153: {  	p0 =	sne.s32 s1, s31  }
.Ltmp1:
0x154: {  	_ = 	snop;
	(pc) =	sbr.rel @p0 .LBB2_1-.Ltmp1, $3  }
0x155: {  	_ =	sdelay $0x1  }
0x156: {  	[sflag:s30] =	ssyncset.done $0x0  }
0x157: {  	[sflag:s30] =	ssyncadd.s32 $0xFFFFE000  }
0x158: {  	_ =	sfence.sel $0x180000  }
0x159: {  	[bflag:$0x0] =	sbarrier.arrive $0xFFFF  }
0x15a: {  	_ =	strace $0x90000047  }
0x15b: {  	s0 =	stileid.u32;
	[bflag:$0x2] =	sbarrier.arrive $0xFFFF  }
0x15c: {  	p0 =	sne.s32 s0, $0x0;
	s0 =	rddreg [dreg:$0x2]  }
0x15d: {  	s0 =	sadd.s32 @!p0 $0x100000, s0  }
0x15e: {  	[sflag:s0] =	ssyncadd.tile.s32 @!p0 $0x1;
	_ =	shalt  }
.Lfunc_end2:
_tile_overlayer_lowered:
.L_overlay_start_2:
0x15f: {  	(tag) =	ssettag $0x2  }
0x160: {  	s0 =	rddreg [dreg:$0x0];
	s2 =	stileid.u32  }
0x161: {  	s1 =	rddreg [dreg:$0x1];
	p0 =	sne.s32 s2, $0x0  }
0x162: {  	s3 =	rddreg [dreg:$0x2];
	[bflag:$0x3] =	sbarrier.arrive $0xFFFF;
	s2 =	simm.s32 @!p0 $0x1C11  }
0x163: {  	[timem:s3], [sflag:s2] =	dma.local @!p0 [hbm:s0], s1  }
0x164: {  	s0 =	simm.s32 @!p0 $0x11  }
0x165: {  	_ =	swait.ge @!p0 [sflag:s0], s1  }
0x166: {  	s1 =	ssub.s32 @!p0 $0x0, s1;
	[sflag:s0] =	ssyncset.done @!p0 $0x0  }
0x167: {  	[sflag:s0] =	ssyncadd.s32 @!p0 s1  }
0x168: {  	[bflag:$0x3] =	sbarrier.arrive $0xFFFF  }
0x169: {  	_ =	shalt  }

// kernel: sparse-core-data-format-call.cloned.1.call-start
scs
called_computation_lowered:
.L_overlay_start_0:
0x0: {  	s2 =	sld [smem:$0x3FD9]  }
0x1: {  	s3 =	sld [smem:$0x3FFE];
	_ =	sdelay $0x1  }
0x2: {  	s1 =	srdreg.scid  }
0x3: {  	s0 =	sand.u32 $0x1, s1  }
0x4: {  	s18 =	sshll.u32 s0, $0xA;
	s2 =	sadd.s32 s3, s2  }
0x5: {  	s2 =	sadd.s32 s2, s18  }
0x6: {  	[smem:$0x3FC6] =	sst s2  }
0x7: {  	_ = 	snop  }
0x8: {  	s2 =	sld [smem:$0x3FD0];
	(tm) =	ssettm $0x1  }
0x9: {  	s19 =	sld [smem:$0x3FFB];
	_ =	sdelay $0x3  }
0xa: {  	_ =	strace s19  }
0xb: {  	s3 =	sld [smem:$0x3FFC];
	_ =	sdelay $0x3  }
0xc: {  	_ =	strace s3  }
0xd: {  	s3 =	sld [smem:$0x3FFD];
	_ =	sdelay $0x3  }
0xe: {  	_ =	strace s3  }
0xf: {  	_ =	strace $0x8FFFFFFF  }
0x10: {  	s20 =	sld [smem:$0x3FDB];
	_ =	sdelay $0x1  }
0x11: {  	s4 =	simm.s32 $_scs_section_size  }
0x12: {  	s5 =	simm.s32 $_size__tile_overlayer_lowered;
	s6 =	simm.s32 $_tile_overlayer_lowered  }
0x13: {  	s23 =	simm.s32 $0x1BFF;
	s22 =	sshll.u32 s6, $0x1;
	s3 =	sadd.s32 s4, s20  }
0x14: {  	s7 =	simm.s32 $0x0;
	s21 =	sshll.u32 s5, $0x1;
	s5 =	sadd.s32 s22, s3  }
0x15: {  	[timem:s7], [sflag:s23] =	dma.local [hbm:s5], s21  }
0x16: {  	_ =	swait.ge [sflag:s23], s21  }
0x17: {  	s4 =	ssub.s32 $0x0, s21;
	[sflag:s23] =	ssyncset.done $0x0  }
0x18: {  	[sflag:s23] =	ssyncadd.s32 s4;
	_ =	sdelay $0x1  }
0x19: {  	s24 =	simm.s32 $0x1B8B  }
0x1a: {  	_ =	swait.ge [sflag:s24], $0x1  }
0x1b: {  	[sflag:s24] =	ssyncset.done $0x0  }
0x1c: {  	s26 =	simm.s32 $0x1B8E;
	s25 =	sld [smem:$0x3FFE];
	[sflag:s24] =	ssyncadd.s32 $0xFFFFFFFF  }
0x1d: {  	s27 =	simm.s32 $execute0_lowered;
	[smem:$0x3FD2] =	sst s26  }
0x1e: {  	s5 =	sshll.u32 s27, $0x1;
	_ =	strace $0x80000049;
	[dreg:$0x1] =	wrdreg $0xFFFFFFFF  }
0x1f: {  	s28 =	simm.s32 $_size_execute0_lowered;
	s3 =	sadd.s32 s3, s5;
	[dreg:$0x0] =	wrdreg $0x0  }
0x20: {  	s5 =	sshll.u32 s28, $0x1;
	[dreg:$0x2] =	wrdreg s3  }
0x21: {  	[dreg:$0x3] =	wrdreg s5  }
0x22: {  	[dreg:$0x4] =	wrdreg $0xC0  }
0x23: {  	_ =	task [dreg:s7], $0x5FFFF  }
0x24: {  	[dreg:$0x1] =	wrdreg $0xFFFFFFFF  }
0x25: {  	[dreg:$0x0] =	wrdreg $0x60  }
0x26: {  	[dreg:$0x2] =	wrdreg s25  }
0x27: {  	[dreg:$0x3] =	wrdreg s2  }
0x28: {  	[dreg:$0x4] =	wrdreg $0x9  }
0x29: {  	_ =	task.clear_ibuf [dreg:s7], $0x5FFFF;
	_ =	strace $0x90000049  }
0x2a: {  	s29 =	simm.s32 $0x9;
	_ =	strace $0x8000004B  }
0x2b: {  	_ =	swait.ge [sflag:s29], $0x1  }
0x2c: {  	[sflag:s29] =	ssyncadd.s32 $0xFFFFFFFF  }
0x2d: {  	_ =	strace $0x9000004B  }
0x2e: {  	_ =	sfence  }
0x2f: {  	s30 =	sld [smem:$0x0];
	_ =	sdelay $0x2  }
0x30: {  	s31 =	sshll.u32 s1, $0xD;
	s1 =	sshrl.u32 s1, $0x2  }
0x31: {  	s3 =	sand.u32 $0x4000, s31;
	s1 =	sadd.s32 s1, s30  }
0x32: {  	s0 =	sor.u32 s3, s0;
	s1 =	sshll.u32 s1, $0x11  }
0x33: {  	s0 =	sor.u32 s1, s0  }
0x34: {  	s0 =	sadd.s32 $0x8F2B, s0  }
0x35: {  	[sflag:s0] =	ssyncadd.remote.s32 $0x1  }
0x36: {  	_ =	sfence.sel $0xFFFF  }
0x37: {  	[dreg:$0x0] =	wrdreg $0xFFFFFFFF;
	(pc) =	sbr.abs _section_cstart, $3  }
0x38: {  	[dreg:$0x1] =	wrdreg $0xFFFFFFFF  }
0x39: {  	_ =	task.clear_ibuf [dreg:s7], $0x2FFFF;
	_ =	strace $0x9FFFFFFF  }
0x3a: {  	(tm) =	ssettm $0x7FFFFFFF  }
0x3b: {  	_ =	shalt  }
tec
execute0_lowered:
.L_overlay_start_1:
0x0: {  	(tag) =	ssettag $0x1  }
0x1: {  	s0 =	srdreg.scid  }
0x2: {  	s1 =	sshll.u32 s0, $0x4  }
0x3: {  	s0 =	stileid.u32;
	s1 =	sand.u32 $0x10, s1  }
0x4: {  	s1 =	sor.u32 s0, s1  }
0x5: {  	s6 =	rddreg [dreg:$0x0];
	s4 =	simm.s32 $0x1;
	s2 =	sshll.u32 s1, $0x7  }
0x6: {  	s7 =	simm.s32 $0x2;
	s13 =	simm.s32 $0x0;
	s1 =	ssub.s32 $0x4000, s2  }
0x7: {  	s8 =	simm.s32 $0x20000;
	s12 =	simm.s32 $0x0;
	s3 =	sand.u32 $0xF80, s1  }
0x8: {  	s9 =	simm.s32 $0x0;
	s5 =	sshrl.u32 s1, $0xC;
	p0 =	sne.s32 s3, $0x0  }
.Ltmp0:
0x9: {  	s1 =	rddreg [dreg:$0x2];
	s4 =	simm.s32 @!p0 $0x0;
	(pc) =	sbr.rel .LBB1_1-.Ltmp0, $4  }
0xa: {  	s11 =	simm.s32 $0x0;
	s3 =	rddreg [dreg:$0x1];
	s5 =	sadd.s32 s4, s5  }
0xb: {  	_ =	strace $0x8000004A;
	s4 =	simm.s32 $0x1;
	s5 =	smul.u32 $0x19, s5  }
0xc: {  	s6 =	sadd.s32 $0xA00, s6;
	s10 =	smov.u32 s2;
	[sflag:s4] =	ssyncpa.u1 $0x0  }
0xd: {  	p0 =	por $0x0, $0x0;
	[sflag:s7] =	ssyncpa.u1 $0x0;
	s7 =	sadd.s32 $0x1, s5  }
.LBB1_4:
0xe: {  	v5 =	vld [tilespmem:s16+$0xFFFFFFD0];
	[tilespmem:s17+$0x2040 ss:$0x81] =	vst.msk $0xffff, v3  }
0xf: {  	v58 =	vld [tilespmem:s16+$0xFFFFFFE0];
	[tilespmem:s17+$0x2850 ss:$0x81] =	vst.msk $0xffff, v4;
	s19 =	sshll.u32 s13, $0xE;
	s20 =	sshll.u32 s12, $0x3  }
0x10: {  	s18 =	sshra.s32 s18, $0x2;
	v59 =	vld [tilespmem:s16+$0xFFFFFFF0];
	[tilespmem:s17+$0x3060 ss:$0x81] =	vst.msk $0xffff, v2;
	s19 =	sand.u32 $0xFFFE0000, s19;
	s21 =	sand.u32 $0xFFFFFC00, s20  }
0x11: {  	[tilespmem:s17+$0x0 ss:$0x81] =	vst.msk $0xffff, v0;
	v60 =	vld [tilespmem:s16+$0x0];
	s15 =	sadd.s32 s18, s15;
	s25 =	sadd.s32 s21, s19  }
0x12: {  	v61 =	vld [tilespmem:s16+$0x10];
	[tilespmem:s15+$0x3870 ss:$0x81] =	vst.msk $0xffff, v1;
	s17 =	sshrl.u32 s25, $0xE  }
0x13: {  	v62 =	vld [tilespmem:s16+$0x20];
	s26 =	smulhi.u32 $0x147AE2, s17;
	[tilespmem:s15+$0x810 ss:$0x81] =	vst.msk $0xffff, v5  }
0x14: {  	v63 =	vld [tilespmem:s16+$0xFFFFFFC0];
	s27 =	sand.u32 $0x78, s12;
	s28 =	sshll.u32 s13, $0x7;
	s29 =	sand.u32 $0x3C00, s20;
	[tilespmem:s15+$0x1020 ss:$0x81] =	vst.msk $0xffff, v58  }
0x15: {  	s13 =	sand.u32 $0x380, s28;
	s16 =	sor.u32 s27, s29;
	[tilespmem:s15+$0x1830 ss:$0x81] =	vst.msk $0xffff, v59;
	s18 =	smul.u32 $0xC80, s26  }
0x16: {  	s13 =	sor.u32 s13, s16;
	[tilespmem:s15+$0x2040 ss:$0x81] =	vst.msk $0xffff, v60  }
0x17: {  	s31 =	sand.u32 $0x7, s12;
	s13 =	sshrl.u32 s13, $0x3;
	[tilespmem:s15+$0x2850 ss:$0x81] =	vst.msk $0xffff, v61;
	s30 =	ssub.s32 s17, s18  }
0x18: {  	s12 =	sshll.u32 s31, $0x12;
	[tilespmem:s15+$0x3060 ss:$0x81] =	vst.msk $0xffff, v62;
	s13 =	sadd.s32 s3, s13;
	s16 =	sshll.u32 s30, $0xB  }
0x19: {  	s12 =	sor.u32 $0x400, s12;
	[tilespmem:s15+$0x0 ss:$0x81] =	vst.msk $0xffff, v63;
	s13 =	sadd.s32 s16, s13  }
0x1a: {  	[hbm4b:s13+s12] =	stream.strided.scatter [tilespmem:s14], [sflag:$0x2], $0x4000, s8, s12, $0x20;
	[tilespmem:$0x10100] =	vst v63  }
.LBB1_5:
0x1b: {  	s14 =	sadd.s32 $0x80, s9  }
0x1c: {  	s12 =	sadd.s32 $0x1000, s10;
	s16 =	smov.u32 s10;
	p2 =	sgt.s32 s14, $0xC7F  }
0x1d: {  	s16 =	smov.u32 @p2 s12  }
0x1e: {  	s14 =	simm.s32 @p2 $0x0;
	p2 =	sgt.s32 s16, $0x3FFF  }
0x1f: {  	s16 =	smov.u32 @p2 s2;
	p2 =	sne.s32 s11, s7  }
.Ltmp1:
0x20: {  	p1 =	slt.u32 s11, $0x2;
	(pc) =	sbr.rel @!p2 .LBB1_6-.Ltmp1, $4  }
0x21: {  	s15 =	simm.s32 @!p1 $0x2  }
0x22: {  	s13 =	smov.u32 s9;
	p0 =	por !p0, !p0;
	_ =	swait.ge @!p1 [sflag:s15], $0x4000  }
0x23: {  	s12 =	smov.u32 s10;
	[sflag:s15] =	ssyncset.done @!p1 $0x0;
	s9 =	smov.u32 s14  }
0x24: {  	s11 =	sadd.s32 $0x1, s11;
	[sflag:s15] =	ssyncadd.s32 @!p1 $0xFFFFC000;
	s10 =	smov.u32 s16  }
.LBB1_1:
0x25: {  	p1 =	sge.u32 s11, s5  }
0x26: {  	s14 =	sshrl.u32 @!p1 s10, $0x3  }
0x27: {  	s15 =	sshll.u32 @!p1 s9, $0x3;
	s14 =	smul.u32 @!p1 $0x6400, s14  }
0x28: {  	s16 =	sshll.u32 @!p1 s10, $0x7;
	s15 =	sand.u32 @!p1 $0xFFFFFC00, s15  }
0x29: {  	s14 =	sadd.s32 @!p1 s14, s15;
	s15 =	sand.u32 @!p1 $0x380, s16  }
0x2a: {  	s16 =	sand.u32 @!p1 $0x7F, s9;
	s14 =	sor.u32 @!p1 s15, s14  }
0x2b: {  	s15 =	sor.u32 @!p1 s16, s14  }
0x2c: {  	s16 =	smulhi.u32 @!p1 $0x51EB851F, s15;
	_ =	sdelay $0x1  }
0x2d: {  	s14 =	smulhi.u32 @!p1 $0x51EB851F, s14;
	s16 =	sshrl.u32 @!p1 s16, $0xA  }
0x2e: {  	s16 =	smul.u32 @!p1 $0xC80, s16  }
0x2f: {  	s31 =	sadd.s32 $0xFFFFFFFF, s11;
	s17 =	sxor.u32 @!p1 $0xFFFFFFFF, s11;
	s14 =	sshrl.u32 @!p1 s14, $0xA  }
0x30: {  	s17 =	sshll.u32 @!p1 s17, $0xE;
	s14 =	sand.u32 @!p1 $0x3FFF, s14;
	s15 =	ssub.s32 @!p1 s15, s16  }
0x31: {  	s14 =	smul.u32 @!p1 $0x190, s14;
	s16 =	sshrl.u32 @!p1 s15, $0x3;
	s15 =	sand.u32 @!p1 $0x7, s15  }
0x32: {  	s17 =	sand.u32 @!p1 $0x4000, s17;
	s16 =	sadd.s32 @!p1 s6, s16;
	s15 =	sshll.u32 @!p1 s15, $0x12  }
0x33: {  	s14 =	sadd.s32 @!p1 s14, s16;
	s15 =	sor.u32 @!p1 $0x400, s15;
	s16 =	simm.s32 @!p1 $0x6400  }
0x34: {  	[tilespmem:s17], [sflag:$0x1] =	stream.strided.gather @!p1 [hbm4b:s14+s15], $0x4000, s16, s15, $0x38;
	[tilespmem:$0x10100] =	vst v63  }
0x35: {  	p1 =	sge.u32 s31, s5  }
.Ltmp2:
0x36: {  	_ = 	snop;
	(pc) =	sbr.rel @p1 .LBB1_5-.Ltmp2, $1  }
0x37: {  	_ =	sdelay $0x3  }
0x38: {  	s14 =	simm.s32 $0x1  }
0x39: {  	_ =	swait.ge [sflag:s4], $0x4000;
	s14 =	simm.s32 @!p0 $0x0  }
0x3a: {  	[sflag:s4] =	ssyncset.done $0x0;
	s15 =	sshll.u32 s14, $0xE  }
0x3b: {  	[sflag:s4] =	ssyncadd.s32 $0xFFFFC000;
	s16 =	sor.u32 $0x40, s15  }
0x3c: {  	s14 =	smul.u32 $0x10200, s14;
	v0 =	vld [tilespmem:s16+$0x30]  }
0x3d: {  	v1 =	vld [tilespmem:s16+$0xFFFFFFD0]  }
0x3e: {  	s14 =	sshrl.u32 s14, $0x2;
	v5 =	vld [tilespmem:s16+$0xFFFFFFE0]  }
0x3f: {  	v6 =	vld [tilespmem:s16+$0xFFFFFFF0];
	s15 =	sor.u32 $0x8000, s14  }
0x40: {  	s31 =	sand.u32 $0x1, s11;
	v3 =	vld [tilespmem:s16+$0x0];
	s17 =	sadd.s32 $0x0, s15  }
0x41: {  	v4 =	vld [tilespmem:s16+$0x10];
	s14 =	smul.u32 $0x10200, s31;
	[tilespmem:s17+$0x3870 ss:$0x81] =	vst.msk $0xffff, v0  }
0x42: {  	v2 =	vld [tilespmem:s16+$0x20];
	[tilespmem:s17+$0x810 ss:$0x81] =	vst.msk $0xffff, v1  }
0x43: {  	s14 =	sshrl.u32 s14, $0x2;
	v0 =	vld [tilespmem:s16+$0xFFFFFFC0];
	[tilespmem:s17+$0x1020 ss:$0x81] =	vst.msk $0xffff, v5;
	s16 =	sadd.s32 $0x80, s16  }
0x44: {  	s18 =	simm.s32 $0x4;
	s19 =	simm.s32 $0x8;
	s14 =	sor.u32 $0x8000, s14;
	[tilespmem:s17+$0x1830 ss:$0x81] =	vst.msk $0xffff, v6;
	v1 =	vld [tilespmem:s16+$0x30]  }
.LBB1_3:
0x45: {  	p1 =	sne.s32 s19, $0x1FC;
	v5 =	vld [tilespmem:s16+$0xFFFFFFD0];
	[tilespmem:s17+$0x2040 ss:$0x81] =	vst.msk $0xffff, v3  }
0x46: {  	v6 =	vld [tilespmem:s16+$0xFFFFFFE0];
	[tilespmem:s17+$0x2850 ss:$0x81] =	vst.msk $0xffff, v4  }
0x47: {  	s20 =	sshra.s32 s18, $0x2;
	s18 =	smov.u32 s19;
	v7 =	vld [tilespmem:s16+$0xFFFFFFF0];
	[tilespmem:s17+$0x3060 ss:$0x81] =	vst.msk $0xffff, v2  }
.Ltmp3:
0x48: {  	v3 =	vld [tilespmem:s16+$0x0];
	[tilespmem:s17+$0x0 ss:$0x81] =	vst.msk $0xffff, v0;
	s17 =	sadd.s32 s20, s15;
	(pc) =	sbr.rel @p1 .LBB1_3-.Ltmp3, $4  }
0x49: {  	v4 =	vld [tilespmem:s16+$0x10];
	[tilespmem:s17+$0x3870 ss:$0x81] =	vst.msk $0xffff, v1  }
0x4a: {  	[tilespmem:s17+$0x810 ss:$0x81] =	vst.msk $0xffff, v5;
	v2 =	vld [tilespmem:s16+$0x20]  }
0x4b: {  	v0 =	vld [tilespmem:s16+$0xFFFFFFC0];
	[tilespmem:s17+$0x1020 ss:$0x81] =	vst.msk $0xffff, v6;
	s16 =	sadd.s32 $0x80, s16  }
0x4c: {  	s19 =	sadd.s32 $0x4, s19;
	v1 =	vld [tilespmem:s16+$0x30];
	[tilespmem:s17+$0x1830 ss:$0x81] =	vst.msk $0xffff, v7  }
.Ltmp4:
0x4d: {  	_ = 	snop;
	(pc) =	sbr.rel .LBB1_4-.Ltmp4, $1  }
0x4e: {  	_ =	sdelay $0x3  }
.LBB1_6:
0x4f: {  	_ =	sfence.sel $0x180000  }
0x50: {  	s2 =	simm.s32 $0x1;
	[bflag:$0x0] =	sbarrier.arrive $0xFFFF  }
0x51: {  	s31 =	simm.s32 $0x2;
	[sflag:s2] =	ssyncpa.u1 $0x1  }
0x52: {  	[sflag:s31] =	ssyncpa.u1 $0x1  }
0x53: {  	p0 =	sne.s32 s0, $0x0;
	_ =	strace $0x9000004A  }
0x54: {  	s0 =	sadd.s32 @!p0 $0x100000, s1;
	[bflag:$0x2] =	sbarrier.arrive $0xFFFF  }
0x55: {  	[sflag:s0] =	ssyncadd.tile.s32 @!p0 $0x1;
	_ =	shalt  }
.Lfunc_end1:
_tile_overlayer_lowered:
.L_overlay_start_2:
0x56: {  	(tag) =	ssettag $0x2  }
0x57: {  	s0 =	rddreg [dreg:$0x0];
	s2 =	stileid.u32  }
0x58: {  	s1 =	rddreg [dreg:$0x1];
	p0 =	sne.s32 s2, $0x0  }
0x59: {  	s3 =	rddreg [dreg:$0x2];
	[bflag:$0x3] =	sbarrier.arrive $0xFFFF;
	s2 =	simm.s32 @!p0 $0x1C01  }
0x5a: {  	[timem:s3], [sflag:s2] =	dma.local @!p0 [hbm:s0], s1  }
0x5b: {  	s0 =	simm.s32 @!p0 $0x1  }
0x5c: {  	_ =	swait.ge @!p0 [sflag:s0], s1  }
0x5d: {  	s1 =	ssub.s32 @!p0 $0x0, s1;
	[sflag:s0] =	ssyncset.done @!p0 $0x0  }
0x5e: {  	[sflag:s0] =	ssyncadd.s32 @!p0 s1  }
0x5f: {  	[bflag:$0x3] =	sbarrier.arrive $0xFFFF  }
0x60: {  	_ =	shalt  }

</sc_bundles>
